<compile_context>
chip_gen: v7x
topology: tpu7x:2x2x1
jax: 0.10.2.dev20260603
libtpu: 0.0.44.dev20260713+nightly
codegen_flags: <defaults>
</compile_context>

<pallas_src>
import functools

import jax
import jax.numpy as jnp
from jax import lax
from jax.experimental import pallas as pl
from jax.experimental.pallas import tpu as pltpu
from jax.experimental.pallas import tpu_sc as plsc

_B = 4
_SEQ = 2048
_D = 1024
_NP = 2
_NI = 1024
_NC = 2
_NS = 16
_NW = _NC * _NS
_SEG = _NW // _B
_IBLK = _NI // _SEG
_SLAB = 16
_NCHUNK = _IBLK // _SLAB
_NBUF = 3


def _body(inp_hbm, idx_hbm, out_hbm, idx_v, buf_v, gsem, ssem):
    wid = lax.axis_index("s") * _NC + lax.axis_index("c")
    b = wid // _SEG
    i0 = (wid % _SEG) * _IBLK

    pltpu.sync_copy(idx_hbm.at[pl.ds(i0, _IBLK)], idx_v)

    tab = inp_hbm.at[b]

    def out_block(c):
        return out_hbm.at[b, pl.ds(i0 + c * _SLAB, _SLAB)]

    def drain(ref, sem):
        pltpu.make_async_copy(out_block(0), ref, sem).wait()

    def start_gathers(c):
        slot = c % _NBUF

        def start_pair(j, carry):
            pltpu.async_copy(
                tab.at[idx_v.at[c * _SLAB + j]], buf_v.at[slot, j], gsem
            )
            return carry

        lax.fori_loop(0, _SLAB, start_pair, 0, unroll=8)

    start_gathers(0)
    start_gathers(1)
    for c in range(_NCHUNK):
        if c + 2 < _NCHUNK:
            if c + 2 >= _NBUF:
                drain(buf_v.at[(c + 2) % _NBUF], ssem)
            start_gathers(c + 2)
        drain(buf_v.at[c % _NBUF], gsem)
        pltpu.async_copy(buf_v.at[c % _NBUF], out_block(c), ssem)

    for slot in range(_NBUF):
        drain(buf_v.at[slot], ssem)


@jax.jit
def _split_pathways(inputs, indices):
    call = functools.partial(
        pl.kernel,
        out_type=jax.ShapeDtypeStruct((_B, _NI, _NP, _D), jnp.float32),
        mesh=plsc.VectorSubcoreMesh(core_axis_name="c", subcore_axis_name="s"),
        scratch_types=[
            pltpu.VMEM((_IBLK, _NP), jnp.int32),
            pltpu.VMEM((_NBUF, _SLAB, _NP, _D), jnp.float32),
            pltpu.SemaphoreType.DMA,
            pltpu.SemaphoreType.DMA,
        ],
    )(_body)
    return call(inputs, indices)


def kernel(inputs, indices):
    return _split_pathways(inputs, indices)

# --- scband reference (transcript-rebuilt; emitter-appended) ---
"""Pipeline reference for scband-split-pathways-28509992910947 (READ-ONLY COPY).

The authoritative reference and input builder live on the scoring server;
editing this copy changes nothing except your own understanding.
"""

import jax, jax.numpy as jnp
import numpy as np

NUM_SIGNALS = 2047
N_PATHS = 2
PER_PATH = 1023  # int(2047 * 0.5)
SHIFT = 1        # class_token=True, pathway_to_cls=zeros(n) -> max+1 = 1
BATCH = 4
SEQ = 2048       # num_signals + 1 class token
D_MODEL = 1024


def _make_indices(key):
    # intersection=True: independently shuffle token ids [SHIFT, NUM_SIGNALS+SHIFT)
    # per pathway, take first PER_PATH, stack along last axis -> (PER_PATH, N_PATHS)
    cols = []
    for i in range(N_PATHS):
        perm = jax.random.permutation(jax.random.fold_in(key, i), jnp.arange(SHIFT, NUM_SIGNALS + SHIFT, dtype=jnp.int32))
        cols.append(perm[:PER_PATH])
    indices = jnp.stack(cols, axis=-1)
    # class_token=True, token_per_path=False -> pathway_to_cls = zeros(n)
    cls_row = jnp.zeros((1, N_PATHS), dtype=jnp.int32)
    return jnp.concatenate([cls_row, indices], axis=0)  # (PER_PATH+1, N_PATHS)


def setup_inputs(seed: int = 0) -> dict:
    key = jax.random.key(seed)
    k_x, k_idx = jax.random.split(key)
    inputs = jax.random.normal(k_x, (BATCH, SEQ, D_MODEL), dtype=jnp.float32)
    indices = _make_indices(k_idx)
    return {"inputs": inputs, "indices": indices}


def reference(inputs, indices):
    # tf.gather(inputs, indices, axis=-2, batch_dims=0) with rank-3 inputs
    # and rank-2 indices -> output [B, PER_PATH+1, N_PATHS, D_MODEL]
    return jnp.take(inputs, indices, axis=1)

if __name__ == "__main__":
    import jax
    _d = setup_inputs()
    print(jax.jit(kernel)(*tuple(_d.values())))

</pallas_src>

<mosaic_0001>
#map = affine_map<(d0, d1) -> (0, 0, 0)>
#map1 = affine_map<(d0, d1) -> (0, 0)>
#map2 = affine_map<(d0, d1) -> (0, 0, 0, 0)>
module attributes {stable_mosaic.version = 14 : i64} {
  func.func @_body(%arg0: i32, %arg1: i32, %arg2: memref<4x2048x1024xf32, #tpu.memory_space<hbm>>, %arg3: memref<1024x2xi32, #tpu.memory_space<hbm>>, %arg4: memref<4x1024x2x1024xf32, #tpu.memory_space<hbm>>, %arg5: memref<128x2xi32, #tpu.memory_space<vmem>>, %arg6: memref<3x16x2x1024xf32, #tpu.memory_space<vmem>>, %arg7: memref<!tpu.dma_semaphore, #tpu.memory_space<semaphore_mem>>, %arg8: memref<!tpu.dma_semaphore, #tpu.memory_space<semaphore_mem>>) attributes {dimension_semantics = [#tpu.dimension_semantics<core_parallel>, #tpu.dimension_semantics<subcore_parallel>], iteration_bounds = array<i64: 2, 16>, scalar_prefetch = 0 : i64, scratch_operands = 4 : i64, tpu.core_type = #tpu.core_type<sc_vector_subcore>, window_params = [{transform_indices = #map}, {transform_indices = #map1}, {transform_indices = #map2}]} {
    %mul3A = arith.constant 2 : i32
    %mul3A_0 = arith.muli %arg1, %mul3A : i32
    %add3A = arith.addi %mul3A_0, %arg0 : i32
    %jit3A = arith.constant 8 : i32
    %div3A = arith.divsi %add3A, %jit3A : i32
    %sign3A = arith.constant 0 : i32
    %sign3A_1 = arith.cmpi sgt, %add3A, %sign3A : i32
    %sign3A_2 = arith.extui %sign3A_1 : i1 to i32
    %sign3A_3 = arith.constant 0 : i32
    %sign3A_4 = arith.cmpi slt, %add3A, %sign3A_3 : i32
    %sign3A_5 = arith.extui %sign3A_4 : i1 to i32
    %sign3A_6 = arith.subi %sign3A_2, %sign3A_5 : i32
    %sign3A_7 = arith.constant 0 : i32
    %sign3A_8 = arith.cmpi sgt, %jit3A, %sign3A_7 : i32
    %sign3A_9 = arith.extui %sign3A_8 : i1 to i32
    %sign3A_10 = arith.constant 0 : i32
    %sign3A_11 = arith.cmpi slt, %jit3A, %sign3A_10 : i32
    %sign3A_12 = arith.extui %sign3A_11 : i1 to i32
    %sign3A_13 = arith.subi %sign3A_9, %sign3A_12 : i32
    %ne3A = arith.cmpi ne, %sign3A_6, %sign3A_13 : i32
    %rem3A = arith.remsi %add3A, %jit3A : i32
    %ne3A_14 = arith.constant 0 : i32
    %ne3A_15 = arith.cmpi ne, %rem3A, %ne3A_14 : i32
    %and3A = arith.andi %ne3A, %ne3A_15 : i1
    %sub3A = arith.constant 1 : i32
    %sub3A_16 = arith.subi %div3A, %sub3A : i32
    %select_n3A = arith.select %and3A, %sub3A_16, %div3A : i32
    %jit3A_17 = arith.constant 8 : i32
    %eq3A = arith.constant 0 : i32
    %eq3A_18 = arith.cmpi eq, %jit3A_17, %eq3A : i32
    %jit3A_19 = arith.constant 1 : i32
    %select_n3A_20 = arith.select %eq3A_18, %jit3A_19, %jit3A_17 : i32
    %rem3A_21 = arith.remsi %add3A, %select_n3A_20 : i32
    %ne3A_22 = arith.constant 0 : i32
    %ne3A_23 = arith.cmpi ne, %rem3A_21, %ne3A_22 : i32
    %lt3A = arith.constant 0 : i32
    %lt3A_24 = arith.cmpi slt, %rem3A_21, %lt3A : i32
    %lt3A_25 = arith.constant 0 : i32
    %lt3A_26 = arith.cmpi slt, %select_n3A_20, %lt3A_25 : i32
    %ne3A_27 = arith.xori %lt3A_24, %lt3A_26 : i1
    %and3A_28 = arith.andi %ne3A_27, %ne3A_23 : i1
    %add3A_29 = arith.addi %rem3A_21, %select_n3A_20 : i32
    %select_n3A_30 = arith.select %and3A_28, %add3A_29, %rem3A_21 : i32
    %mul3A_31 = arith.constant 128 : i32
    %mul3A_32 = arith.muli %select_n3A_30, %mul3A_31 : i32
    "tpu.region"() ({
      %run_scoped3A = tpu.sem_alloc : memref<!tpu.dma_semaphore, #tpu.memory_space<semaphore_mem>>
      %dma_start3A_582 = arith.constant 0 : i32
      %dma_start3A_583 = tpu.memref_slice %arg3[%mul3A_32, %dma_start3A_582] : memref<1024x2xi32, #tpu.memory_space<hbm>> -> memref<128x2xi32, #tpu.memory_space<hbm>>
      %dma_start3A_584 = arith.constant 0 : i32
      %dma_start3A_585 = tpu.memref_slice %arg3[%mul3A_32, %dma_start3A_584] : memref<1024x2xi32, #tpu.memory_space<hbm>> -> memref<128x2xi32, #tpu.memory_space<hbm>>
      tpu.enqueue_dma source(%dma_start3A_585 : memref<128x2xi32, #tpu.memory_space<hbm>>) target(%arg5 : memref<128x2xi32, #tpu.memory_space<vmem>>) target_semaphore(%run_scoped3A : memref<!tpu.dma_semaphore, #tpu.memory_space<semaphore_mem>>)
      %dma_wait3A_586 = arith.constant 0 : i32
      %dma_wait3A_587 = tpu.memref_slice %arg3[%mul3A_32, %dma_wait3A_586] : memref<1024x2xi32, #tpu.memory_space<hbm>> -> memref<128x2xi32, #tpu.memory_space<hbm>>
      %dma_wait3A_588 = arith.constant 0 : i32
      %dma_wait3A_589 = tpu.memref_slice %arg3[%mul3A_32, %dma_wait3A_588] : memref<1024x2xi32, #tpu.memory_space<hbm>> -> memref<128x2xi32, #tpu.memory_space<hbm>>
      tpu.wait_dma2 semaphore(%run_scoped3A : memref<!tpu.dma_semaphore, #tpu.memory_space<semaphore_mem>>) src(%dma_wait3A_589 : memref<128x2xi32, #tpu.memory_space<hbm>>) dst(%arg5 : memref<128x2xi32, #tpu.memory_space<vmem>>)
      tpu.yield
    }) : () -> ()
    %scan3A = arith.constant 0 : i32
    %scan3A_33 = arith.constant 0 : i32
    %scan3A_34 = arith.constant 16 : i32
    %scan3A_35 = arith.addi %scan3A_33, %scan3A_34 : i32
    %scan3A_36 = arith.constant 8 : i32
    scf.for %scan3A_582 = %scan3A_33 to %scan3A_35 step %scan3A_36  : i32 {
      %add3A_583 = arith.constant 0 : i32
      %add3A_584 = arith.addi %add3A_583, %scan3A_582 : i32
      %dma_start3A_585 = arith.constant 0 : i32
      %dma_start3A_586 = arith.constant 0 : i32
      %dma_start3A_587 = arith.constant 0 : i32
      %dma_start3A_588 = tpu.memref_slice %arg6[%dma_start3A_585, %scan3A_582, %dma_start3A_586, %dma_start3A_587] : memref<3x16x2x1024xf32, #tpu.memory_space<vmem>> -> memref<1x1x2x1024xf32, #tpu.memory_space<vmem>>
      %dma_start3A_589 = tpu.memref_squeeze %dma_start3A_588 : memref<1x1x2x1024xf32, #tpu.memory_space<vmem>> -> memref<2x1024xf32, #tpu.memory_space<vmem>>
      %dma_start3A_590 = arith.constant 0 : i32
      %dma_start3A_591 = tpu.memref_slice %arg5[%add3A_584, %dma_start3A_590] : memref<128x2xi32, #tpu.memory_space<vmem>> -> memref<1x2xi32, #tpu.memory_space<vmem>>
      %dma_start3A_592 = tpu.memref_squeeze %dma_start3A_591 : memref<1x2xi32, #tpu.memory_space<vmem>> -> memref<2xi32, #tpu.memory_space<vmem>>
      %dma_start3A_593 = arith.constant 0 : i32
      %dma_start3A_594 = arith.constant 0 : i32
      %dma_start3A_595 = tpu.memref_slice %arg2[%select_n3A, %dma_start3A_593, %dma_start3A_594] : memref<4x2048x1024xf32, #tpu.memory_space<hbm>> -> memref<1x2048x1024xf32, #tpu.memory_space<hbm>>
      %dma_start3A_596 = tpu.memref_squeeze %dma_start3A_595 : memref<1x2048x1024xf32, #tpu.memory_space<hbm>> -> memref<2048x1024xf32, #tpu.memory_space<hbm>>
      %dma_start3A_597 = arith.constant 0 : i32
      %dma_start3A_598 = arith.constant 0 : i32
      %dma_start3A_599 = tpu.memref_slice %dma_start3A_596[%dma_start3A_597, %dma_start3A_598] : memref<2048x1024xf32, #tpu.memory_space<hbm>> -> memref<2048x1024xf32, #tpu.memory_space<hbm>>
      tpu.enqueue_indirect_dma source(%dma_start3A_599 : memref<2048x1024xf32, #tpu.memory_space<hbm>>) target(%dma_start3A_589 : memref<2x1024xf32, #tpu.memory_space<vmem>>) offsets(%dma_start3A_592 : memref<2xi32, #tpu.memory_space<vmem>>) semaphore(%arg7 : memref<!tpu.dma_semaphore, #tpu.memory_space<semaphore_mem>>)
      %scan3A_600 = arith.constant 1 : i32
      %scan3A_601 = arith.addi %scan3A_582, %scan3A_600 : i32
      %add3A_602 = arith.constant 0 : i32
      %add3A_603 = arith.addi %add3A_602, %scan3A_601 : i32
      %dma_start3A_604 = arith.constant 0 : i32
      %dma_start3A_605 = arith.constant 0 : i32
      %dma_start3A_606 = arith.constant 0 : i32
      %dma_start3A_607 = tpu.memref_slice %arg6[%dma_start3A_604, %scan3A_601, %dma_start3A_605, %dma_start3A_606] : memref<3x16x2x1024xf32, #tpu.memory_space<vmem>> -> memref<1x1x2x1024xf32, #tpu.memory_space<vmem>>
      %dma_start3A_608 = tpu.memref_squeeze %dma_start3A_607 : memref<1x1x2x1024xf32, #tpu.memory_space<vmem>> -> memref<2x1024xf32, #tpu.memory_space<vmem>>
      %dma_start3A_609 = arith.constant 0 : i32
      %dma_start3A_610 = tpu.memref_slice %arg5[%add3A_603, %dma_start3A_609] : memref<128x2xi32, #tpu.memory_space<vmem>> -> memref<1x2xi32, #tpu.memory_space<vmem>>
      %dma_start3A_611 = tpu.memref_squeeze %dma_start3A_610 : memref<1x2xi32, #tpu.memory_space<vmem>> -> memref<2xi32, #tpu.memory_space<vmem>>
      %dma_start3A_612 = arith.constant 0 : i32
      %dma_start3A_613 = arith.constant 0 : i32
      %dma_start3A_614 = tpu.memref_slice %arg2[%select_n3A, %dma_start3A_612, %dma_start3A_613] : memref<4x2048x1024xf32, #tpu.memory_space<hbm>> -> memref<1x2048x1024xf32, #tpu.memory_space<hbm>>
      %dma_start3A_615 = tpu.memref_squeeze %dma_start3A_614 : memref<1x2048x1024xf32, #tpu.memory_space<hbm>> -> memref<2048x1024xf32, #tpu.memory_space<hbm>>
      %dma_start3A_616 = arith.constant 0 : i32
      %dma_start3A_617 = arith.constant 0 : i32
      %dma_start3A_618 = tpu.memref_slice %dma_start3A_615[%dma_start3A_616, %dma_start3A_617] : memref<2048x1024xf32, #tpu.memory_space<hbm>> -> memref<2048x1024xf32, #tpu.memory_space<hbm>>
      tpu.enqueue_indirect_dma source(%dma_start3A_618 : memref<2048x1024xf32, #tpu.memory_space<hbm>>) target(%dma_start3A_608 : memref<2x1024xf32, #tpu.memory_space<vmem>>) offsets(%dma_start3A_611 : memref<2xi32, #tpu.memory_space<vmem>>) semaphore(%arg7 : memref<!tpu.dma_semaphore, #tpu.memory_space<semaphore_mem>>)
      %scan3A_619 = arith.constant 2 : i32
      %scan3A_620 = arith.addi %scan3A_582, %scan3A_619 : i32
      %add3A_621 = arith.constant 0 : i32
      %add3A_622 = arith.addi %add3A_621, %scan3A_620 : i32
      %dma_start3A_623 = arith.constant 0 : i32
      %dma_start3A_624 = arith.constant 0 : i32
      %dma_start3A_625 = arith.constant 0 : i32
      %dma_start3A_626 = tpu.memref_slice %arg6[%dma_start3A_623, %scan3A_620, %dma_start3A_624, %dma_start3A_625] : memref<3x16x2x1024xf32, #tpu.memory_space<vmem>> -> memref<1x1x2x1024xf32, #tpu.memory_space<vmem>>
      %dma_start3A_627 = tpu.memref_squeeze %dma_start3A_626 : memref<1x1x2x1024xf32, #tpu.memory_space<vmem>> -> memref<2x1024xf32, #tpu.memory_space<vmem>>
      %dma_start3A_628 = arith.constant 0 : i32
      %dma_start3A_629 = tpu.memref_slice %arg5[%add3A_622, %dma_start3A_628] : memref<128x2xi32, #tpu.memory_space<vmem>> -> memref<1x2xi32, #tpu.memory_space<vmem>>
      %dma_start3A_630 = tpu.memref_squeeze %dma_start3A_629 : memref<1x2xi32, #tpu.memory_space<vmem>> -> memref<2xi32, #tpu.memory_space<vmem>>
      %dma_start3A_631 = arith.constant 0 : i32
      %dma_start3A_632 = arith.constant 0 : i32
      %dma_start3A_633 = tpu.memref_slice %arg2[%select_n3A, %dma_start3A_631, %dma_start3A_632] : memref<4x2048x1024xf32, #tpu.memory_space<hbm>> -> memref<1x2048x1024xf32, #tpu.memory_space<hbm>>
      %dma_start3A_634 = tpu.memref_squeeze %dma_start3A_633 : memref<1x2048x1024xf32, #tpu.memory_space<hbm>> -> memref<2048x1024xf32, #tpu.memory_space<hbm>>
      %dma_start3A_635 = arith.constant 0 : i32
      %dma_start3A_636 = arith.constant 0 : i32
      %dma_start3A_637 = tpu.memref_slice %dma_start3A_634[%dma_start3A_635, %dma_start3A_636] : memref<2048x1024xf32, #tpu.memory_space<hbm>> -> memref<2048x1024xf32, #tpu.memory_space<hbm>>
      tpu.enqueue_indirect_dma source(%dma_start3A_637 : memref<2048x1024xf32, #tpu.memory_space<hbm>>) target(%dma_start3A_627 : memref<2x1024xf32, #tpu.memory_space<vmem>>) offsets(%dma_start3A_630 : memref<2xi32, #tpu.memory_space<vmem>>) semaphore(%arg7 : memref<!tpu.dma_semaphore, #tpu.memory_space<semaphore_mem>>)
      %scan3A_638 = arith.constant 3 : i32
      %scan3A_639 = arith.addi %scan3A_582, %scan3A_638 : i32
      %add3A_640 = arith.constant 0 : i32
      %add3A_641 = arith.addi %add3A_640, %scan3A_639 : i32
      %dma_start3A_642 = arith.constant 0 : i32
      %dma_start3A_643 = arith.constant 0 : i32
      %dma_start3A_644 = arith.constant 0 : i32
      %dma_start3A_645 = tpu.memref_slice %arg6[%dma_start3A_642, %scan3A_639, %dma_start3A_643, %dma_start3A_644] : memref<3x16x2x1024xf32, #tpu.memory_space<vmem>> -> memref<1x1x2x1024xf32, #tpu.memory_space<vmem>>
      %dma_start3A_646 = tpu.memref_squeeze %dma_start3A_645 : memref<1x1x2x1024xf32, #tpu.memory_space<vmem>> -> memref<2x1024xf32, #tpu.memory_space<vmem>>
      %dma_start3A_647 = arith.constant 0 : i32
      %dma_start3A_648 = tpu.memref_slice %arg5[%add3A_641, %dma_start3A_647] : memref<128x2xi32, #tpu.memory_space<vmem>> -> memref<1x2xi32, #tpu.memory_space<vmem>>
      %dma_start3A_649 = tpu.memref_squeeze %dma_start3A_648 : memref<1x2xi32, #tpu.memory_space<vmem>> -> memref<2xi32, #tpu.memory_space<vmem>>
      %dma_start3A_650 = arith.constant 0 : i32
      %dma_start3A_651 = arith.constant 0 : i32
      %dma_start3A_652 = tpu.memref_slice %arg2[%select_n3A, %dma_start3A_650, %dma_start3A_651] : memref<4x2048x1024xf32, #tpu.memory_space<hbm>> -> memref<1x2048x1024xf32, #tpu.memory_space<hbm>>
      %dma_start3A_653 = tpu.memref_squeeze %dma_start3A_652 : memref<1x2048x1024xf32, #tpu.memory_space<hbm>> -> memref<2048x1024xf32, #tpu.memory_space<hbm>>
      %dma_start3A_654 = arith.constant 0 : i32
      %dma_start3A_655 = arith.constant 0 : i32
      %dma_start3A_656 = tpu.memref_slice %dma_start3A_653[%dma_start3A_654, %dma_start3A_655] : memref<2048x1024xf32, #tpu.memory_space<hbm>> -> memref<2048x1024xf32, #tpu.memory_space<hbm>>
      tpu.enqueue_indirect_dma source(%dma_start3A_656 : memref<2048x1024xf32, #tpu.memory_space<hbm>>) target(%dma_start3A_646 : memref<2x1024xf32, #tpu.memory_space<vmem>>) offsets(%dma_start3A_649 : memref<2xi32, #tpu.memory_space<vmem>>) semaphore(%arg7 : memref<!tpu.dma_semaphore, #tpu.memory_space<semaphore_mem>>)
      %scan3A_657 = arith.constant 4 : i32
      %scan3A_658 = arith.addi %scan3A_582, %scan3A_657 : i32
      %add3A_659 = arith.constant 0 : i32
      %add3A_660 = arith.addi %add3A_659, %scan3A_658 : i32
      %dma_start3A_661 = arith.constant 0 : i32
      %dma_start3A_662 = arith.constant 0 : i32
      %dma_start3A_663 = arith.constant 0 : i32
      %dma_start3A_664 = tpu.memref_slice %arg6[%dma_start3A_661, %scan3A_658, %dma_start3A_662, %dma_start3A_663] : memref<3x16x2x1024xf32, #tpu.memory_space<vmem>> -> memref<1x1x2x1024xf32, #tpu.memory_space<vmem>>
      %dma_start3A_665 = tpu.memref_squeeze %dma_start3A_664 : memref<1x1x2x1024xf32, #tpu.memory_space<vmem>> -> memref<2x1024xf32, #tpu.memory_space<vmem>>
      %dma_start3A_666 = arith.constant 0 : i32
      %dma_start3A_667 = tpu.memref_slice %arg5[%add3A_660, %dma_start3A_666] : memref<128x2xi32, #tpu.memory_space<vmem>> -> memref<1x2xi32, #tpu.memory_space<vmem>>
      %dma_start3A_668 = tpu.memref_squeeze %dma_start3A_667 : memref<1x2xi32, #tpu.memory_space<vmem>> -> memref<2xi32, #tpu.memory_space<vmem>>
      %dma_start3A_669 = arith.constant 0 : i32
      %dma_start3A_670 = arith.constant 0 : i32
      %dma_start3A_671 = tpu.memref_slice %arg2[%select_n3A, %dma_start3A_669, %dma_start3A_670] : memref<4x2048x1024xf32, #tpu.memory_space<hbm>> -> memref<1x2048x1024xf32, #tpu.memory_space<hbm>>
      %dma_start3A_672 = tpu.memref_squeeze %dma_start3A_671 : memref<1x2048x1024xf32, #tpu.memory_space<hbm>> -> memref<2048x1024xf32, #tpu.memory_space<hbm>>
      %dma_start3A_673 = arith.constant 0 : i32
      %dma_start3A_674 = arith.constant 0 : i32
      %dma_start3A_675 = tpu.memref_slice %dma_start3A_672[%dma_start3A_673, %dma_start3A_674] : memref<2048x1024xf32, #tpu.memory_space<hbm>> -> memref<2048x1024xf32, #tpu.memory_space<hbm>>
      tpu.enqueue_indirect_dma source(%dma_start3A_675 : memref<2048x1024xf32, #tpu.memory_space<hbm>>) target(%dma_start3A_665 : memref<2x1024xf32, #tpu.memory_space<vmem>>) offsets(%dma_start3A_668 : memref<2xi32, #tpu.memory_space<vmem>>) semaphore(%arg7 : memref<!tpu.dma_semaphore, #tpu.memory_space<semaphore_mem>>)
      %scan3A_676 = arith.constant 5 : i32
      %scan3A_677 = arith.addi %scan3A_582, %scan3A_676 : i32
      %add3A_678 = arith.constant 0 : i32
      %add3A_679 = arith.addi %add3A_678, %scan3A_677 : i32
      %dma_start3A_680 = arith.constant 0 : i32
      %dma_start3A_681 = arith.constant 0 : i32
      %dma_start3A_682 = arith.constant 0 : i32
      %dma_start3A_683 = tpu.memref_slice %arg6[%dma_start3A_680, %scan3A_677, %dma_start3A_681, %dma_start3A_682] : memref<3x16x2x1024xf32, #tpu.memory_space<vmem>> -> memref<1x1x2x1024xf32, #tpu.memory_space<vmem>>
      %dma_start3A_684 = tpu.memref_squeeze %dma_start3A_683 : memref<1x1x2x1024xf32, #tpu.memory_space<vmem>> -> memref<2x1024xf32, #tpu.memory_space<vmem>>
      %dma_start3A_685 = arith.constant 0 : i32
      %dma_start3A_686 = tpu.memref_slice %arg5[%add3A_679, %dma_start3A_685] : memref<128x2xi32, #tpu.memory_space<vmem>> -> memref<1x2xi32, #tpu.memory_space<vmem>>
      %dma_start3A_687 = tpu.memref_squeeze %dma_start3A_686 : memref<1x2xi32, #tpu.memory_space<vmem>> -> memref<2xi32, #tpu.memory_space<vmem>>
      %dma_start3A_688 = arith.constant 0 : i32
      %dma_start3A_689 = arith.constant 0 : i32
      %dma_start3A_690 = tpu.memref_slice %arg2[%select_n3A, %dma_start3A_688, %dma_start3A_689] : memref<4x2048x1024xf32, #tpu.memory_space<hbm>> -> memref<1x2048x1024xf32, #tpu.memory_space<hbm>>
      %dma_start3A_691 = tpu.memref_squeeze %dma_start3A_690 : memref<1x2048x1024xf32, #tpu.memory_space<hbm>> -> memref<2048x1024xf32, #tpu.memory_space<hbm>>
      %dma_start3A_692 = arith.constant 0 : i32
      %dma_start3A_693 = arith.constant 0 : i32
      %dma_start3A_694 = tpu.memref_slice %dma_start3A_691[%dma_start3A_692, %dma_start3A_693] : memref<2048x1024xf32, #tpu.memory_space<hbm>> -> memref<2048x1024xf32, #tpu.memory_space<hbm>>
      tpu.enqueue_indirect_dma source(%dma_start3A_694 : memref<2048x1024xf32, #tpu.memory_space<hbm>>) target(%dma_start3A_684 : memref<2x1024xf32, #tpu.memory_space<vmem>>) offsets(%dma_start3A_687 : memref<2xi32, #tpu.memory_space<vmem>>) semaphore(%arg7 : memref<!tpu.dma_semaphore, #tpu.memory_space<semaphore_mem>>)
      %scan3A_695 = arith.constant 6 : i32
      %scan3A_696 = arith.addi %scan3A_582, %scan3A_695 : i32
      %add3A_697 = arith.constant 0 : i32
      %add3A_698 = arith.addi %add3A_697, %scan3A_696 : i32
      %dma_start3A_699 = arith.constant 0 : i32
      %dma_start3A_700 = arith.constant 0 : i32
      %dma_start3A_701 = arith.constant 0 : i32
      %dma_start3A_702 = tpu.memref_slice %arg6[%dma_start3A_699, %scan3A_696, %dma_start3A_700, %dma_start3A_701] : memref<3x16x2x1024xf32, #tpu.memory_space<vmem>> -> memref<1x1x2x1024xf32, #tpu.memory_space<vmem>>
      %dma_start3A_703 = tpu.memref_squeeze %dma_start3A_702 : memref<1x1x2x1024xf32, #tpu.memory_space<vmem>> -> memref<2x1024xf32, #tpu.memory_space<vmem>>
      %dma_start3A_704 = arith.constant 0 : i32
      %dma_start3A_705 = tpu.memref_slice %arg5[%add3A_698, %dma_start3A_704] : memref<128x2xi32, #tpu.memory_space<vmem>> -> memref<1x2xi32, #tpu.memory_space<vmem>>
      %dma_start3A_706 = tpu.memref_squeeze %dma_start3A_705 : memref<1x2xi32, #tpu.memory_space<vmem>> -> memref<2xi32, #tpu.memory_space<vmem>>
      %dma_start3A_707 = arith.constant 0 : i32
      %dma_start3A_708 = arith.constant 0 : i32
      %dma_start3A_709 = tpu.memref_slice %arg2[%select_n3A, %dma_start3A_707, %dma_start3A_708] : memref<4x2048x1024xf32, #tpu.memory_space<hbm>> -> memref<1x2048x1024xf32, #tpu.memory_space<hbm>>
      %dma_start3A_710 = tpu.memref_squeeze %dma_start3A_709 : memref<1x2048x1024xf32, #tpu.memory_space<hbm>> -> memref<2048x1024xf32, #tpu.memory_space<hbm>>
      %dma_start3A_711 = arith.constant 0 : i32
      %dma_start3A_712 = arith.constant 0 : i32
      %dma_start3A_713 = tpu.memref_slice %dma_start3A_710[%dma_start3A_711, %dma_start3A_712] : memref<2048x1024xf32, #tpu.memory_space<hbm>> -> memref<2048x1024xf32, #tpu.memory_space<hbm>>
      tpu.enqueue_indirect_dma source(%dma_start3A_713 : memref<2048x1024xf32, #tpu.memory_space<hbm>>) target(%dma_start3A_703 : memref<2x1024xf32, #tpu.memory_space<vmem>>) offsets(%dma_start3A_706 : memref<2xi32, #tpu.memory_space<vmem>>) semaphore(%arg7 : memref<!tpu.dma_semaphore, #tpu.memory_space<semaphore_mem>>)
      %scan3A_714 = arith.constant 7 : i32
      %scan3A_715 = arith.addi %scan3A_582, %scan3A_714 : i32
      %add3A_716 = arith.constant 0 : i32
      %add3A_717 = arith.addi %add3A_716, %scan3A_715 : i32
      %dma_start3A_718 = arith.constant 0 : i32
      %dma_start3A_719 = arith.constant 0 : i32
      %dma_start3A_720 = arith.constant 0 : i32
      %dma_start3A_721 = tpu.memref_slice %arg6[%dma_start3A_718, %scan3A_715, %dma_start3A_719, %dma_start3A_720] : memref<3x16x2x1024xf32, #tpu.memory_space<vmem>> -> memref<1x1x2x1024xf32, #tpu.memory_space<vmem>>
      %dma_start3A_722 = tpu.memref_squeeze %dma_start3A_721 : memref<1x1x2x1024xf32, #tpu.memory_space<vmem>> -> memref<2x1024xf32, #tpu.memory_space<vmem>>
      %dma_start3A_723 = arith.constant 0 : i32
      %dma_start3A_724 = tpu.memref_slice %arg5[%add3A_717, %dma_start3A_723] : memref<128x2xi32, #tpu.memory_space<vmem>> -> memref<1x2xi32, #tpu.memory_space<vmem>>
      %dma_start3A_725 = tpu.memref_squeeze %dma_start3A_724 : memref<1x2xi32, #tpu.memory_space<vmem>> -> memref<2xi32, #tpu.memory_space<vmem>>
      %dma_start3A_726 = arith.constant 0 : i32
      %dma_start3A_727 = arith.constant 0 : i32
      %dma_start3A_728 = tpu.memref_slice %arg2[%select_n3A, %dma_start3A_726, %dma_start3A_727] : memref<4x2048x1024xf32, #tpu.memory_space<hbm>> -> memref<1x2048x1024xf32, #tpu.memory_space<hbm>>
      %dma_start3A_729 = tpu.memref_squeeze %dma_start3A_728 : memref<1x2048x1024xf32, #tpu.memory_space<hbm>> -> memref<2048x1024xf32, #tpu.memory_space<hbm>>
      %dma_start3A_730 = arith.constant 0 : i32
      %dma_start3A_731 = arith.constant 0 : i32
      %dma_start3A_732 = tpu.memref_slice %dma_start3A_729[%dma_start3A_730, %dma_start3A_731] : memref<2048x1024xf32, #tpu.memory_space<hbm>> -> memref<2048x1024xf32, #tpu.memory_space<hbm>>
      tpu.enqueue_indirect_dma source(%dma_start3A_732 : memref<2048x1024xf32, #tpu.memory_space<hbm>>) target(%dma_start3A_722 : memref<2x1024xf32, #tpu.memory_space<vmem>>) offsets(%dma_start3A_725 : memref<2xi32, #tpu.memory_space<vmem>>) semaphore(%arg7 : memref<!tpu.dma_semaphore, #tpu.memory_space<semaphore_mem>>)
    }
    %scan3A_37 = arith.constant 16 : i32
    %scan3A_38 = arith.constant 0 : i32
    %scan3A_39 = arith.constant 0 : i32
    %scan3A_40 = arith.constant 16 : i32
    %scan3A_41 = arith.addi %scan3A_39, %scan3A_40 : i32
    %scan3A_42 = arith.constant 8 : i32
    scf.for %scan3A_582 = %scan3A_39 to %scan3A_41 step %scan3A_42  : i32 {
      %add3A_583 = arith.constant 16 : i32
      %add3A_584 = arith.addi %add3A_583, %scan3A_582 : i32
      %dma_start3A_585 = arith.constant 1 : i32
      %dma_start3A_586 = arith.constant 0 : i32
      %dma_start3A_587 = arith.constant 0 : i32
      %dma_start3A_588 = tpu.memref_slice %arg6[%dma_start3A_585, %scan3A_582, %dma_start3A_586, %dma_start3A_587] : memref<3x16x2x1024xf32, #tpu.memory_space<vmem>> -> memref<1x1x2x1024xf32, #tpu.memory_space<vmem>>
      %dma_start3A_589 = tpu.memref_squeeze %dma_start3A_588 : memref<1x1x2x1024xf32, #tpu.memory_space<vmem>> -> memref<2x1024xf32, #tpu.memory_space<vmem>>
      %dma_start3A_590 = arith.constant 0 : i32
      %dma_start3A_591 = tpu.memref_slice %arg5[%add3A_584, %dma_start3A_590] : memref<128x2xi32, #tpu.memory_space<vmem>> -> memref<1x2xi32, #tpu.memory_space<vmem>>
      %dma_start3A_592 = tpu.memref_squeeze %dma_start3A_591 : memref<1x2xi32, #tpu.memory_space<vmem>> -> memref<2xi32, #tpu.memory_space<vmem>>
      %dma_start3A_593 = arith.constant 0 : i32
      %dma_start3A_594 = arith.constant 0 : i32
      %dma_start3A_595 = tpu.memref_slice %arg2[%select_n3A, %dma_start3A_593, %dma_start3A_594] : memref<4x2048x1024xf32, #tpu.memory_space<hbm>> -> memref<1x2048x1024xf32, #tpu.memory_space<hbm>>
      %dma_start3A_596 = tpu.memref_squeeze %dma_start3A_595 : memref<1x2048x1024xf32, #tpu.memory_space<hbm>> -> memref<2048x1024xf32, #tpu.memory_space<hbm>>
      %dma_start3A_597 = arith.constant 0 : i32
      %dma_start3A_598 = arith.constant 0 : i32
      %dma_start3A_599 = tpu.memref_slice %dma_start3A_596[%dma_start3A_597, %dma_start3A_598] : memref<2048x1024xf32, #tpu.memory_space<hbm>> -> memref<2048x1024xf32, #tpu.memory_space<hbm>>
      tpu.enqueue_indirect_dma source(%dma_start3A_599 : memref<2048x1024xf32, #tpu.memory_space<hbm>>) target(%dma_start3A_589 : memref<2x1024xf32, #tpu.memory_space<vmem>>) offsets(%dma_start3A_592 : memref<2xi32, #tpu.memory_space<vmem>>) semaphore(%arg7 : memref<!tpu.dma_semaphore, #tpu.memory_space<semaphore_mem>>)
      %scan3A_600 = arith.constant 1 : i32
      %scan3A_601 = arith.addi %scan3A_582, %scan3A_600 : i32
      %add3A_602 = arith.constant 16 : i32
      %add3A_603 = arith.addi %add3A_602, %scan3A_601 : i32
      %dma_start3A_604 = arith.constant 1 : i32
      %dma_start3A_605 = arith.constant 0 : i32
      %dma_start3A_606 = arith.constant 0 : i32
      %dma_start3A_607 = tpu.memref_slice %arg6[%dma_start3A_604, %scan3A_601, %dma_start3A_605, %dma_start3A_606] : memref<3x16x2x1024xf32, #tpu.memory_space<vmem>> -> memref<1x1x2x1024xf32, #tpu.memory_space<vmem>>
      %dma_start3A_608 = tpu.memref_squeeze %dma_start3A_607 : memref<1x1x2x1024xf32, #tpu.memory_space<vmem>> -> memref<2x1024xf32, #tpu.memory_space<vmem>>
      %dma_start3A_609 = arith.constant 0 : i32
      %dma_start3A_610 = tpu.memref_slice %arg5[%add3A_603, %dma_start3A_609] : memref<128x2xi32, #tpu.memory_space<vmem>> -> memref<1x2xi32, #tpu.memory_space<vmem>>
      %dma_start3A_611 = tpu.memref_squeeze %dma_start3A_610 : memref<1x2xi32, #tpu.memory_space<vmem>> -> memref<2xi32, #tpu.memory_space<vmem>>
      %dma_start3A_612 = arith.constant 0 : i32
      %dma_start3A_613 = arith.constant 0 : i32
      %dma_start3A_614 = tpu.memref_slice %arg2[%select_n3A, %dma_start3A_612, %dma_start3A_613] : memref<4x2048x1024xf32, #tpu.memory_space<hbm>> -> memref<1x2048x1024xf32, #tpu.memory_space<hbm>>
      %dma_start3A_615 = tpu.memref_squeeze %dma_start3A_614 : memref<1x2048x1024xf32, #tpu.memory_space<hbm>> -> memref<2048x1024xf32, #tpu.memory_space<hbm>>
      %dma_start3A_616 = arith.constant 0 : i32
      %dma_start3A_617 = arith.constant 0 : i32
      %dma_start3A_618 = tpu.memref_slice %dma_start3A_615[%dma_start3A_616, %dma_start3A_617] : memref<2048x1024xf32, #tpu.memory_space<hbm>> -> memref<2048x1024xf32, #tpu.memory_space<hbm>>
      tpu.enqueue_indirect_dma source(%dma_start3A_618 : memref<2048x1024xf32, #tpu.memory_space<hbm>>) target(%dma_start3A_608 : memref<2x1024xf32, #tpu.memory_space<vmem>>) offsets(%dma_start3A_611 : memref<2xi32, #tpu.memory_space<vmem>>) semaphore(%arg7 : memref<!tpu.dma_semaphore, #tpu.memory_space<semaphore_mem>>)
      %scan3A_619 = arith.constant 2 : i32
      %scan3A_620 = arith.addi %scan3A_582, %scan3A_619 : i32
      %add3A_621 = arith.constant 16 : i32
      %add3A_622 = arith.addi %add3A_621, %scan3A_620 : i32
      %dma_start3A_623 = arith.constant 1 : i32
      %dma_start3A_624 = arith.constant 0 : i32
      %dma_start3A_625 = arith.constant 0 : i32
      %dma_start3A_626 = tpu.memref_slice %arg6[%dma_start3A_623, %scan3A_620, %dma_start3A_624, %dma_start3A_625] : memref<3x16x2x1024xf32, #tpu.memory_space<vmem>> -> memref<1x1x2x1024xf32, #tpu.memory_space<vmem>>
      %dma_start3A_627 = tpu.memref_squeeze %dma_start3A_626 : memref<1x1x2x1024xf32, #tpu.memory_space<vmem>> -> memref<2x1024xf32, #tpu.memory_space<vmem>>
      %dma_start3A_628 = arith.constant 0 : i32
      %dma_start3A_629 = tpu.memref_slice %arg5[%add3A_622, %dma_start3A_628] : memref<128x2xi32, #tpu.memory_space<vmem>> -> memref<1x2xi32, #tpu.memory_space<vmem>>
      %dma_start3A_630 = tpu.memref_squeeze %dma_start3A_629 : memref<1x2xi32, #tpu.memory_space<vmem>> -> memref<2xi32, #tpu.memory_space<vmem>>
      %dma_start3A_631 = arith.constant 0 : i32
      %dma_start3A_632 = arith.constant 0 : i32
      %dma_start3A_633 = tpu.memref_slice %arg2[%select_n3A, %dma_start3A_631, %dma_start3A_632] : memref<4x2048x1024xf32, #tpu.memory_space<hbm>> -> memref<1x2048x1024xf32, #tpu.memory_space<hbm>>
      %dma_start3A_634 = tpu.memref_squeeze %dma_start3A_633 : memref<1x2048x1024xf32, #tpu.memory_space<hbm>> -> memref<2048x1024xf32, #tpu.memory_space<hbm>>
      %dma_start3A_635 = arith.constant 0 : i32
      %dma_start3A_636 = arith.constant 0 : i32
      %dma_start3A_637 = tpu.memref_slice %dma_start3A_634[%dma_start3A_635, %dma_start3A_636] : memref<2048x1024xf32, #tpu.memory_space<hbm>> -> memref<2048x1024xf32, #tpu.memory_space<hbm>>
      tpu.enqueue_indirect_dma source(%dma_start3A_637 : memref<2048x1024xf32, #tpu.memory_space<hbm>>) target(%dma_start3A_627 : memref<2x1024xf32, #tpu.memory_space<vmem>>) offsets(%dma_start3A_630 : memref<2xi32, #tpu.memory_space<vmem>>) semaphore(%arg7 : memref<!tpu.dma_semaphore, #tpu.memory_space<semaphore_mem>>)
      %scan3A_638 = arith.constant 3 : i32
      %scan3A_639 = arith.addi %scan3A_582, %scan3A_638 : i32
      %add3A_640 = arith.constant 16 : i32
      %add3A_641 = arith.addi %add3A_640, %scan3A_639 : i32
      %dma_start3A_642 = arith.constant 1 : i32
      %dma_start3A_643 = arith.constant 0 : i32
      %dma_start3A_644 = arith.constant 0 : i32
      %dma_start3A_645 = tpu.memref_slice %arg6[%dma_start3A_642, %scan3A_639, %dma_start3A_643, %dma_start3A_644] : memref<3x16x2x1024xf32, #tpu.memory_space<vmem>> -> memref<1x1x2x1024xf32, #tpu.memory_space<vmem>>
      %dma_start3A_646 = tpu.memref_squeeze %dma_start3A_645 : memref<1x1x2x1024xf32, #tpu.memory_space<vmem>> -> memref<2x1024xf32, #tpu.memory_space<vmem>>
      %dma_start3A_647 = arith.constant 0 : i32
      %dma_start3A_648 = tpu.memref_slice %arg5[%add3A_641, %dma_start3A_647] : memref<128x2xi32, #tpu.memory_space<vmem>> -> memref<1x2xi32, #tpu.memory_space<vmem>>
      %dma_start3A_649 = tpu.memref_squeeze %dma_start3A_648 : memref<1x2xi32, #tpu.memory_space<vmem>> -> memref<2xi32, #tpu.memory_space<vmem>>
      %dma_start3A_650 = arith.constant 0 : i32
      %dma_start3A_651 = arith.constant 0 : i32
      %dma_start3A_652 = tpu.memref_slice %arg2[%select_n3A, %dma_start3A_650, %dma_start3A_651] : memref<4x2048x1024xf32, #tpu.memory_space<hbm>> -> memref<1x2048x1024xf32, #tpu.memory_space<hbm>>
      %dma_start3A_653 = tpu.memref_squeeze %dma_start3A_652 : memref<1x2048x1024xf32, #tpu.memory_space<hbm>> -> memref<2048x1024xf32, #tpu.memory_space<hbm>>
      %dma_start3A_654 = arith.constant 0 : i32
      %dma_start3A_655 = arith.constant 0 : i32
      %dma_start3A_656 = tpu.memref_slice %dma_start3A_653[%dma_start3A_654, %dma_start3A_655] : memref<2048x1024xf32, #tpu.memory_space<hbm>> -> memref<2048x1024xf32, #tpu.memory_space<hbm>>
      tpu.enqueue_indirect_dma source(%dma_start3A_656 : memref<2048x1024xf32, #tpu.memory_space<hbm>>) target(%dma_start3A_646 : memref<2x1024xf32, #tpu.memory_space<vmem>>) offsets(%dma_start3A_649 : memref<2xi32, #tpu.memory_space<vmem>>) semaphore(%arg7 : memref<!tpu.dma_semaphore, #tpu.memory_space<semaphore_mem>>)
      %scan3A_657 = arith.constant 4 : i32
      %scan3A_658 = arith.addi %scan3A_582, %scan3A_657 : i32
      %add3A_659 = arith.constant 16 : i32
      %add3A_660 = arith.addi %add3A_659, %scan3A_658 : i32
      %dma_start3A_661 = arith.constant 1 : i32
      %dma_start3A_662 = arith.constant 0 : i32
      %dma_start3A_663 = arith.constant 0 : i32
      %dma_start3A_664 = tpu.memref_slice %arg6[%dma_start3A_661, %scan3A_658, %dma_start3A_662, %dma_start3A_663] : memref<3x16x2x1024xf32, #tpu.memory_space<vmem>> -> memref<1x1x2x1024xf32, #tpu.memory_space<vmem>>
      %dma_start3A_665 = tpu.memref_squeeze %dma_start3A_664 : memref<1x1x2x1024xf32, #tpu.memory_space<vmem>> -> memref<2x1024xf32, #tpu.memory_space<vmem>>
      %dma_start3A_666 = arith.constant 0 : i32
      %dma_start3A_667 = tpu.memref_slice %arg5[%add3A_660, %dma_start3A_666] : memref<128x2xi32, #tpu.memory_space<vmem>> -> memref<1x2xi32, #tpu.memory_space<vmem>>
      %dma_start3A_668 = tpu.memref_squeeze %dma_start3A_667 : memref<1x2xi32, #tpu.memory_space<vmem>> -> memref<2xi32, #tpu.memory_space<vmem>>
      %dma_start3A_669 = arith.constant 0 : i32
      %dma_start3A_670 = arith.constant 0 : i32
      %dma_start3A_671 = tpu.memref_slice %arg2[%select_n3A, %dma_start3A_669, %dma_start3A_670] : memref<4x2048x1024xf32, #tpu.memory_space<hbm>> -> memref<1x2048x1024xf32, #tpu.memory_space<hbm>>
      %dma_start3A_672 = tpu.memref_squeeze %dma_start3A_671 : memref<1x2048x1024xf32, #tpu.memory_space<hbm>> -> memref<2048x1024xf32, #tpu.memory_space<hbm>>
      %dma_start3A_673 = arith.constant 0 : i32
      %dma_start3A_674 = arith.constant 0 : i32
      %dma_start3A_675 = tpu.memref_slice %dma_start3A_672[%dma_start3A_673, %dma_start3A_674] : memref<2048x1024xf32, #tpu.memory_space<hbm>> -> memref<2048x1024xf32, #tpu.memory_space<hbm>>
      tpu.enqueue_indirect_dma source(%dma_start3A_675 : memref<2048x1024xf32, #tpu.memory_space<hbm>>) target(%dma_start3A_665 : memref<2x1024xf32, #tpu.memory_space<vmem>>) offsets(%dma_start3A_668 : memref<2xi32, #tpu.memory_space<vmem>>) semaphore(%arg7 : memref<!tpu.dma_semaphore, #tpu.memory_space<semaphore_mem>>)
      %scan3A_676 = arith.constant 5 : i32
      %scan3A_677 = arith.addi %scan3A_582, %scan3A_676 : i32
      %add3A_678 = arith.constant 16 : i32
      %add3A_679 = arith.addi %add3A_678, %scan3A_677 : i32
      %dma_start3A_680 = arith.constant 1 : i32
      %dma_start3A_681 = arith.constant 0 : i32
      %dma_start3A_682 = arith.constant 0 : i32
      %dma_start3A_683 = tpu.memref_slice %arg6[%dma_start3A_680, %scan3A_677, %dma_start3A_681, %dma_start3A_682] : memref<3x16x2x1024xf32, #tpu.memory_space<vmem>> -> memref<1x1x2x1024xf32, #tpu.memory_space<vmem>>
      %dma_start3A_684 = tpu.memref_squeeze %dma_start3A_683 : memref<1x1x2x1024xf32, #tpu.memory_space<vmem>> -> memref<2x1024xf32, #tpu.memory_space<vmem>>
      %dma_start3A_685 = arith.constant 0 : i32
      %dma_start3A_686 = tpu.memref_slice %arg5[%add3A_679, %dma_start3A_685] : memref<128x2xi32, #tpu.memory_space<vmem>> -> memref<1x2xi32, #tpu.memory_space<vmem>>
      %dma_start3A_687 = tpu.memref_squeeze %dma_start3A_686 : memref<1x2xi32, #tpu.memory_space<vmem>> -> memref<2xi32, #tpu.memory_space<vmem>>
      %dma_start3A_688 = arith.constant 0 : i32
      %dma_start3A_689 = arith.constant 0 : i32
      %dma_start3A_690 = tpu.memref_slice %arg2[%select_n3A, %dma_start3A_688, %dma_start3A_689] : memref<4x2048x1024xf32, #tpu.memory_space<hbm>> -> memref<1x2048x1024xf32, #tpu.memory_space<hbm>>
      %dma_start3A_691 = tpu.memref_squeeze %dma_start3A_690 : memref<1x2048x1024xf32, #tpu.memory_space<hbm>> -> memref<2048x1024xf32, #tpu.memory_space<hbm>>
      %dma_start3A_692 = arith.constant 0 : i32
      %dma_start3A_693 = arith.constant 0 : i32
      %dma_start3A_694 = tpu.memref_slice %dma_start3A_691[%dma_start3A_692, %dma_start3A_693] : memref<2048x1024xf32, #tpu.memory_space<hbm>> -> memref<2048x1024xf32, #tpu.memory_space<hbm>>
      tpu.enqueue_indirect_dma source(%dma_start3A_694 : memref<2048x1024xf32, #tpu.memory_space<hbm>>) target(%dma_start3A_684 : memref<2x1024xf32, #tpu.memory_space<vmem>>) offsets(%dma_start3A_687 : memref<2xi32, #tpu.memory_space<vmem>>) semaphore(%arg7 : memref<!tpu.dma_semaphore, #tpu.memory_space<semaphore_mem>>)
      %scan3A_695 = arith.constant 6 : i32
      %scan3A_696 = arith.addi %scan3A_582, %scan3A_695 : i32
      %add3A_697 = arith.constant 16 : i32
      %add3A_698 = arith.addi %add3A_697, %scan3A_696 : i32
      %dma_start3A_699 = arith.constant 1 : i32
      %dma_start3A_700 = arith.constant 0 : i32
      %dma_start3A_701 = arith.constant 0 : i32
      %dma_start3A_702 = tpu.memref_slice %arg6[%dma_start3A_699, %scan3A_696, %dma_start3A_700, %dma_start3A_701] : memref<3x16x2x1024xf32, #tpu.memory_space<vmem>> -> memref<1x1x2x1024xf32, #tpu.memory_space<vmem>>
      %dma_start3A_703 = tpu.memref_squeeze %dma_start3A_702 : memref<1x1x2x1024xf32, #tpu.memory_space<vmem>> -> memref<2x1024xf32, #tpu.memory_space<vmem>>
      %dma_start3A_704 = arith.constant 0 : i32
      %dma_start3A_705 = tpu.memref_slice %arg5[%add3A_698, %dma_start3A_704] : memref<128x2xi32, #tpu.memory_space<vmem>> -> memref<1x2xi32, #tpu.memory_space<vmem>>
      %dma_start3A_706 = tpu.memref_squeeze %dma_start3A_705 : memref<1x2xi32, #tpu.memory_space<vmem>> -> memref<2xi32, #tpu.memory_space<vmem>>
      %dma_start3A_707 = arith.constant 0 : i32
      %dma_start3A_708 = arith.constant 0 : i32
      %dma_start3A_709 = tpu.memref_slice %arg2[%select_n3A, %dma_start3A_707, %dma_start3A_708] : memref<4x2048x1024xf32, #tpu.memory_space<hbm>> -> memref<1x2048x1024xf32, #tpu.memory_space<hbm>>
      %dma_start3A_710 = tpu.memref_squeeze %dma_start3A_709 : memref<1x2048x1024xf32, #tpu.memory_space<hbm>> -> memref<2048x1024xf32, #tpu.memory_space<hbm>>
      %dma_start3A_711 = arith.constant 0 : i32
      %dma_start3A_712 = arith.constant 0 : i32
      %dma_start3A_713 = tpu.memref_slice %dma_start3A_710[%dma_start3A_711, %dma_start3A_712] : memref<2048x1024xf32, #tpu.memory_space<hbm>> -> memref<2048x1024xf32, #tpu.memory_space<hbm>>
      tpu.enqueue_indirect_dma source(%dma_start3A_713 : memref<2048x1024xf32, #tpu.memory_space<hbm>>) target(%dma_start3A_703 : memref<2x1024xf32, #tpu.memory_space<vmem>>) offsets(%dma_start3A_706 : memref<2xi32, #tpu.memory_space<vmem>>) semaphore(%arg7 : memref<!tpu.dma_semaphore, #tpu.memory_space<semaphore_mem>>)
      %scan3A_714 = arith.constant 7 : i32
      %scan3A_715 = arith.addi %scan3A_582, %scan3A_714 : i32
      %add3A_716 = arith.constant 16 : i32
      %add3A_717 = arith.addi %add3A_716, %scan3A_715 : i32
      %dma_start3A_718 = arith.constant 1 : i32
      %dma_start3A_719 = arith.constant 0 : i32
      %dma_start3A_720 = arith.constant 0 : i32
      %dma_start3A_721 = tpu.memref_slice %arg6[%dma_start3A_718, %scan3A_715, %dma_start3A_719, %dma_start3A_720] : memref<3x16x2x1024xf32, #tpu.memory_space<vmem>> -> memref<1x1x2x1024xf32, #tpu.memory_space<vmem>>
      %dma_start3A_722 = tpu.memref_squeeze %dma_start3A_721 : memref<1x1x2x1024xf32, #tpu.memory_space<vmem>> -> memref<2x1024xf32, #tpu.memory_space<vmem>>
      %dma_start3A_723 = arith.constant 0 : i32
      %dma_start3A_724 = tpu.memref_slice %arg5[%add3A_717, %dma_start3A_723] : memref<128x2xi32, #tpu.memory_space<vmem>> -> memref<1x2xi32, #tpu.memory_space<vmem>>
      %dma_start3A_725 = tpu.memref_squeeze %dma_start3A_724 : memref<1x2xi32, #tpu.memory_space<vmem>> -> memref<2xi32, #tpu.memory_space<vmem>>
      %dma_start3A_726 = arith.constant 0 : i32
      %dma_start3A_727 = arith.constant 0 : i32
      %dma_start3A_728 = tpu.memref_slice %arg2[%select_n3A, %dma_start3A_726, %dma_start3A_727] : memref<4x2048x1024xf32, #tpu.memory_space<hbm>> -> memref<1x2048x1024xf32, #tpu.memory_space<hbm>>
      %dma_start3A_729 = tpu.memref_squeeze %dma_start3A_728 : memref<1x2048x1024xf32, #tpu.memory_space<hbm>> -> memref<2048x1024xf32, #tpu.memory_space<hbm>>
      %dma_start3A_730 = arith.constant 0 : i32
      %dma_start3A_731 = arith.constant 0 : i32
      %dma_start3A_732 = tpu.memref_slice %dma_start3A_729[%dma_start3A_730, %dma_start3A_731] : memref<2048x1024xf32, #tpu.memory_space<hbm>> -> memref<2048x1024xf32, #tpu.memory_space<hbm>>
      tpu.enqueue_indirect_dma source(%dma_start3A_732 : memref<2048x1024xf32, #tpu.memory_space<hbm>>) target(%dma_start3A_722 : memref<2x1024xf32, #tpu.memory_space<vmem>>) offsets(%dma_start3A_725 : memref<2xi32, #tpu.memory_space<vmem>>) semaphore(%arg7 : memref<!tpu.dma_semaphore, #tpu.memory_space<semaphore_mem>>)
    }
    %scan3A_43 = arith.constant 16 : i32
    %scan3A_44 = arith.constant 0 : i32
    %scan3A_45 = arith.constant 0 : i32
    %scan3A_46 = arith.constant 16 : i32
    %scan3A_47 = arith.addi %scan3A_45, %scan3A_46 : i32
    %scan3A_48 = arith.constant 8 : i32
    scf.for %scan3A_582 = %scan3A_45 to %scan3A_47 step %scan3A_48  : i32 {
      %add3A_583 = arith.constant 32 : i32
      %add3A_584 = arith.addi %add3A_583, %scan3A_582 : i32
      %dma_start3A_585 = arith.constant 2 : i32
      %dma_start3A_586 = arith.constant 0 : i32
      %dma_start3A_587 = arith.constant 0 : i32
      %dma_start3A_588 = tpu.memref_slice %arg6[%dma_start3A_585, %scan3A_582, %dma_start3A_586, %dma_start3A_587] : memref<3x16x2x1024xf32, #tpu.memory_space<vmem>> -> memref<1x1x2x1024xf32, #tpu.memory_space<vmem>>
      %dma_start3A_589 = tpu.memref_squeeze %dma_start3A_588 : memref<1x1x2x1024xf32, #tpu.memory_space<vmem>> -> memref<2x1024xf32, #tpu.memory_space<vmem>>
      %dma_start3A_590 = arith.constant 0 : i32
      %dma_start3A_591 = tpu.memref_slice %arg5[%add3A_584, %dma_start3A_590] : memref<128x2xi32, #tpu.memory_space<vmem>> -> memref<1x2xi32, #tpu.memory_space<vmem>>
      %dma_start3A_592 = tpu.memref_squeeze %dma_start3A_591 : memref<1x2xi32, #tpu.memory_space<vmem>> -> memref<2xi32, #tpu.memory_space<vmem>>
      %dma_start3A_593 = arith.constant 0 : i32
      %dma_start3A_594 = arith.constant 0 : i32
      %dma_start3A_595 = tpu.memref_slice %arg2[%select_n3A, %dma_start3A_593, %dma_start3A_594] : memref<4x2048x1024xf32, #tpu.memory_space<hbm>> -> memref<1x2048x1024xf32, #tpu.memory_space<hbm>>
      %dma_start3A_596 = tpu.memref_squeeze %dma_start3A_595 : memref<1x2048x1024xf32, #tpu.memory_space<hbm>> -> memref<2048x1024xf32, #tpu.memory_space<hbm>>
      %dma_start3A_597 = arith.constant 0 : i32
      %dma_start3A_598 = arith.constant 0 : i32
      %dma_start3A_599 = tpu.memref_slice %dma_start3A_596[%dma_start3A_597, %dma_start3A_598] : memref<2048x1024xf32, #tpu.memory_space<hbm>> -> memref<2048x1024xf32, #tpu.memory_space<hbm>>
      tpu.enqueue_indirect_dma source(%dma_start3A_599 : memref<2048x1024xf32, #tpu.memory_space<hbm>>) target(%dma_start3A_589 : memref<2x1024xf32, #tpu.memory_space<vmem>>) offsets(%dma_start3A_592 : memref<2xi32, #tpu.memory_space<vmem>>) semaphore(%arg7 : memref<!tpu.dma_semaphore, #tpu.memory_space<semaphore_mem>>)
      %scan3A_600 = arith.constant 1 : i32
      %scan3A_601 = arith.addi %scan3A_582, %scan3A_600 : i32
      %add3A_602 = arith.constant 32 : i32
      %add3A_603 = arith.addi %add3A_602, %scan3A_601 : i32
      %dma_start3A_604 = arith.constant 2 : i32
      %dma_start3A_605 = arith.constant 0 : i32
      %dma_start3A_606 = arith.constant 0 : i32
      %dma_start3A_607 = tpu.memref_slice %arg6[%dma_start3A_604, %scan3A_601, %dma_start3A_605, %dma_start3A_606] : memref<3x16x2x1024xf32, #tpu.memory_space<vmem>> -> memref<1x1x2x1024xf32, #tpu.memory_space<vmem>>
      %dma_start3A_608 = tpu.memref_squeeze %dma_start3A_607 : memref<1x1x2x1024xf32, #tpu.memory_space<vmem>> -> memref<2x1024xf32, #tpu.memory_space<vmem>>
      %dma_start3A_609 = arith.constant 0 : i32
      %dma_start3A_610 = tpu.memref_slice %arg5[%add3A_603, %dma_start3A_609] : memref<128x2xi32, #tpu.memory_space<vmem>> -> memref<1x2xi32, #tpu.memory_space<vmem>>
      %dma_start3A_611 = tpu.memref_squeeze %dma_start3A_610 : memref<1x2xi32, #tpu.memory_space<vmem>> -> memref<2xi32, #tpu.memory_space<vmem>>
      %dma_start3A_612 = arith.constant 0 : i32
      %dma_start3A_613 = arith.constant 0 : i32
      %dma_start3A_614 = tpu.memref_slice %arg2[%select_n3A, %dma_start3A_612, %dma_start3A_613] : memref<4x2048x1024xf32, #tpu.memory_space<hbm>> -> memref<1x2048x1024xf32, #tpu.memory_space<hbm>>
      %dma_start3A_615 = tpu.memref_squeeze %dma_start3A_614 : memref<1x2048x1024xf32, #tpu.memory_space<hbm>> -> memref<2048x1024xf32, #tpu.memory_space<hbm>>
      %dma_start3A_616 = arith.constant 0 : i32
      %dma_start3A_617 = arith.constant 0 : i32
      %dma_start3A_618 = tpu.memref_slice %dma_start3A_615[%dma_start3A_616, %dma_start3A_617] : memref<2048x1024xf32, #tpu.memory_space<hbm>> -> memref<2048x1024xf32, #tpu.memory_space<hbm>>
      tpu.enqueue_indirect_dma source(%dma_start3A_618 : memref<2048x1024xf32, #tpu.memory_space<hbm>>) target(%dma_start3A_608 : memref<2x1024xf32, #tpu.memory_space<vmem>>) offsets(%dma_start3A_611 : memref<2xi32, #tpu.memory_space<vmem>>) semaphore(%arg7 : memref<!tpu.dma_semaphore, #tpu.memory_space<semaphore_mem>>)
      %scan3A_619 = arith.constant 2 : i32
      %scan3A_620 = arith.addi %scan3A_582, %scan3A_619 : i32
      %add3A_621 = arith.constant 32 : i32
      %add3A_622 = arith.addi %add3A_621, %scan3A_620 : i32
      %dma_start3A_623 = arith.constant 2 : i32
      %dma_start3A_624 = arith.constant 0 : i32
      %dma_start3A_625 = arith.constant 0 : i32
      %dma_start3A_626 = tpu.memref_slice %arg6[%dma_start3A_623, %scan3A_620, %dma_start3A_624, %dma_start3A_625] : memref<3x16x2x1024xf32, #tpu.memory_space<vmem>> -> memref<1x1x2x1024xf32, #tpu.memory_space<vmem>>
      %dma_start3A_627 = tpu.memref_squeeze %dma_start3A_626 : memref<1x1x2x1024xf32, #tpu.memory_space<vmem>> -> memref<2x1024xf32, #tpu.memory_space<vmem>>
      %dma_start3A_628 = arith.constant 0 : i32
      %dma_start3A_629 = tpu.memref_slice %arg5[%add3A_622, %dma_start3A_628] : memref<128x2xi32, #tpu.memory_space<vmem>> -> memref<1x2xi32, #tpu.memory_space<vmem>>
      %dma_start3A_630 = tpu.memref_squeeze %dma_start3A_629 : memref<1x2xi32, #tpu.memory_space<vmem>> -> memref<2xi32, #tpu.memory_space<vmem>>
      %dma_start3A_631 = arith.constant 0 : i32
      %dma_start3A_632 = arith.constant 0 : i32
      %dma_start3A_633 = tpu.memref_slice %arg2[%select_n3A, %dma_start3A_631, %dma_start3A_632] : memref<4x2048x1024xf32, #tpu.memory_space<hbm>> -> memref<1x2048x1024xf32, #tpu.memory_space<hbm>>
      %dma_start3A_634 = tpu.memref_squeeze %dma_start3A_633 : memref<1x2048x1024xf32, #tpu.memory_space<hbm>> -> memref<2048x1024xf32, #tpu.memory_space<hbm>>
      %dma_start3A_635 = arith.constant 0 : i32
      %dma_start3A_636 = arith.constant 0 : i32
      %dma_start3A_637 = tpu.memref_slice %dma_start3A_634[%dma_start3A_635, %dma_start3A_636] : memref<2048x1024xf32, #tpu.memory_space<hbm>> -> memref<2048x1024xf32, #tpu.memory_space<hbm>>
      tpu.enqueue_indirect_dma source(%dma_start3A_637 : memref<2048x1024xf32, #tpu.memory_space<hbm>>) target(%dma_start3A_627 : memref<2x1024xf32, #tpu.memory_space<vmem>>) offsets(%dma_start3A_630 : memref<2xi32, #tpu.memory_space<vmem>>) semaphore(%arg7 : memref<!tpu.dma_semaphore, #tpu.memory_space<semaphore_mem>>)
      %scan3A_638 = arith.constant 3 : i32
      %scan3A_639 = arith.addi %scan3A_582, %scan3A_638 : i32
      %add3A_640 = arith.constant 32 : i32
      %add3A_641 = arith.addi %add3A_640, %scan3A_639 : i32
      %dma_start3A_642 = arith.constant 2 : i32
      %dma_start3A_643 = arith.constant 0 : i32
      %dma_start3A_644 = arith.constant 0 : i32
      %dma_start3A_645 = tpu.memref_slice %arg6[%dma_start3A_642, %scan3A_639, %dma_start3A_643, %dma_start3A_644] : memref<3x16x2x1024xf32, #tpu.memory_space<vmem>> -> memref<1x1x2x1024xf32, #tpu.memory_space<vmem>>
      %dma_start3A_646 = tpu.memref_squeeze %dma_start3A_645 : memref<1x1x2x1024xf32, #tpu.memory_space<vmem>> -> memref<2x1024xf32, #tpu.memory_space<vmem>>
      %dma_start3A_647 = arith.constant 0 : i32
      %dma_start3A_648 = tpu.memref_slice %arg5[%add3A_641, %dma_start3A_647] : memref<128x2xi32, #tpu.memory_space<vmem>> -> memref<1x2xi32, #tpu.memory_space<vmem>>
      %dma_start3A_649 = tpu.memref_squeeze %dma_start3A_648 : memref<1x2xi32, #tpu.memory_space<vmem>> -> memref<2xi32, #tpu.memory_space<vmem>>
      %dma_start3A_650 = arith.constant 0 : i32
      %dma_start3A_651 = arith.constant 0 : i32
      %dma_start3A_652 = tpu.memref_slice %arg2[%select_n3A, %dma_start3A_650, %dma_start3A_651] : memref<4x2048x1024xf32, #tpu.memory_space<hbm>> -> memref<1x2048x1024xf32, #tpu.memory_space<hbm>>
      %dma_start3A_653 = tpu.memref_squeeze %dma_start3A_652 : memref<1x2048x1024xf32, #tpu.memory_space<hbm>> -> memref<2048x1024xf32, #tpu.memory_space<hbm>>
      %dma_start3A_654 = arith.constant 0 : i32
      %dma_start3A_655 = arith.constant 0 : i32
      %dma_start3A_656 = tpu.memref_slice %dma_start3A_653[%dma_start3A_654, %dma_start3A_655] : memref<2048x1024xf32, #tpu.memory_space<hbm>> -> memref<2048x1024xf32, #tpu.memory_space<hbm>>
      tpu.enqueue_indirect_dma source(%dma_start3A_656 : memref<2048x1024xf32, #tpu.memory_space<hbm>>) target(%dma_start3A_646 : memref<2x1024xf32, #tpu.memory_space<vmem>>) offsets(%dma_start3A_649 : memref<2xi32, #tpu.memory_space<vmem>>) semaphore(%arg7 : memref<!tpu.dma_semaphore, #tpu.memory_space<semaphore_mem>>)
      %scan3A_657 = arith.constant 4 : i32
      %scan3A_658 = arith.addi %scan3A_582, %scan3A_657 : i32
      %add3A_659 = arith.constant 32 : i32
      %add3A_660 = arith.addi %add3A_659, %scan3A_658 : i32
      %dma_start3A_661 = arith.constant 2 : i32
      %dma_start3A_662 = arith.constant 0 : i32
      %dma_start3A_663 = arith.constant 0 : i32
      %dma_start3A_664 = tpu.memref_slice %arg6[%dma_start3A_661, %scan3A_658, %dma_start3A_662, %dma_start3A_663] : memref<3x16x2x1024xf32, #tpu.memory_space<vmem>> -> memref<1x1x2x1024xf32, #tpu.memory_space<vmem>>
      %dma_start3A_665 = tpu.memref_squeeze %dma_start3A_664 : memref<1x1x2x1024xf32, #tpu.memory_space<vmem>> -> memref<2x1024xf32, #tpu.memory_space<vmem>>
      %dma_start3A_666 = arith.constant 0 : i32
      %dma_start3A_667 = tpu.memref_slice %arg5[%add3A_660, %dma_start3A_666] : memref<128x2xi32, #tpu.memory_space<vmem>> -> memref<1x2xi32, #tpu.memory_space<vmem>>
      %dma_start3A_668 = tpu.memref_squeeze %dma_start3A_667 : memref<1x2xi32, #tpu.memory_space<vmem>> -> memref<2xi32, #tpu.memory_space<vmem>>
      %dma_start3A_669 = arith.constant 0 : i32
      %dma_start3A_670 = arith.constant 0 : i32
      %dma_start3A_671 = tpu.memref_slice %arg2[%select_n3A, %dma_start3A_669, %dma_start3A_670] : memref<4x2048x1024xf32, #tpu.memory_space<hbm>> -> memref<1x2048x1024xf32, #tpu.memory_space<hbm>>
      %dma_start3A_672 = tpu.memref_squeeze %dma_start3A_671 : memref<1x2048x1024xf32, #tpu.memory_space<hbm>> -> memref<2048x1024xf32, #tpu.memory_space<hbm>>
      %dma_start3A_673 = arith.constant 0 : i32
      %dma_start3A_674 = arith.constant 0 : i32
      %dma_start3A_675 = tpu.memref_slice %dma_start3A_672[%dma_start3A_673, %dma_start3A_674] : memref<2048x1024xf32, #tpu.memory_space<hbm>> -> memref<2048x1024xf32, #tpu.memory_space<hbm>>
      tpu.enqueue_indirect_dma source(%dma_start3A_675 : memref<2048x1024xf32, #tpu.memory_space<hbm>>) target(%dma_start3A_665 : memref<2x1024xf32, #tpu.memory_space<vmem>>) offsets(%dma_start3A_668 : memref<2xi32, #tpu.memory_space<vmem>>) semaphore(%arg7 : memref<!tpu.dma_semaphore, #tpu.memory_space<semaphore_mem>>)
      %scan3A_676 = arith.constant 5 : i32
      %scan3A_677 = arith.addi %scan3A_582, %scan3A_676 : i32
      %add3A_678 = arith.constant 32 : i32
      %add3A_679 = arith.addi %add3A_678, %scan3A_677 : i32
      %dma_start3A_680 = arith.constant 2 : i32
      %dma_start3A_681 = arith.constant 0 : i32
      %dma_start3A_682 = arith.constant 0 : i32
      %dma_start3A_683 = tpu.memref_slice %arg6[%dma_start3A_680, %scan3A_677, %dma_start3A_681, %dma_start3A_682] : memref<3x16x2x1024xf32, #tpu.memory_space<vmem>> -> memref<1x1x2x1024xf32, #tpu.memory_space<vmem>>
      %dma_start3A_684 = tpu.memref_squeeze %dma_start3A_683 : memref<1x1x2x1024xf32, #tpu.memory_space<vmem>> -> memref<2x1024xf32, #tpu.memory_space<vmem>>
      %dma_start3A_685 = arith.constant 0 : i32
      %dma_start3A_686 = tpu.memref_slice %arg5[%add3A_679, %dma_start3A_685] : memref<128x2xi32, #tpu.memory_space<vmem>> -> memref<1x2xi32, #tpu.memory_space<vmem>>
      %dma_start3A_687 = tpu.memref_squeeze %dma_start3A_686 : memref<1x2xi32, #tpu.memory_space<vmem>> -> memref<2xi32, #tpu.memory_space<vmem>>
      %dma_start3A_688 = arith.constant 0 : i32
      %dma_start3A_689 = arith.constant 0 : i32
      %dma_start3A_690 = tpu.memref_slice %arg2[%select_n3A, %dma_start3A_688, %dma_start3A_689] : memref<4x2048x1024xf32, #tpu.memory_space<hbm>> -> memref<1x2048x1024xf32, #tpu.memory_space<hbm>>
      %dma_start3A_691 = tpu.memref_squeeze %dma_start3A_690 : memref<1x2048x1024xf32, #tpu.memory_space<hbm>> -> memref<2048x1024xf32, #tpu.memory_space<hbm>>
      %dma_start3A_692 = arith.constant 0 : i32
      %dma_start3A_693 = arith.constant 0 : i32
      %dma_start3A_694 = tpu.memref_slice %dma_start3A_691[%dma_start3A_692, %dma_start3A_693] : memref<2048x1024xf32, #tpu.memory_space<hbm>> -> memref<2048x1024xf32, #tpu.memory_space<hbm>>
      tpu.enqueue_indirect_dma source(%dma_start3A_694 : memref<2048x1024xf32, #tpu.memory_space<hbm>>) target(%dma_start3A_684 : memref<2x1024xf32, #tpu.memory_space<vmem>>) offsets(%dma_start3A_687 : memref<2xi32, #tpu.memory_space<vmem>>) semaphore(%arg7 : memref<!tpu.dma_semaphore, #tpu.memory_space<semaphore_mem>>)
      %scan3A_695 = arith.constant 6 : i32
      %scan3A_696 = arith.addi %scan3A_582, %scan3A_695 : i32
      %add3A_697 = arith.constant 32 : i32
      %add3A_698 = arith.addi %add3A_697, %scan3A_696 : i32
      %dma_start3A_699 = arith.constant 2 : i32
      %dma_start3A_700 = arith.constant 0 : i32
      %dma_start3A_701 = arith.constant 0 : i32
      %dma_start3A_702 = tpu.memref_slice %arg6[%dma_start3A_699, %scan3A_696, %dma_start3A_700, %dma_start3A_701] : memref<3x16x2x1024xf32, #tpu.memory_space<vmem>> -> memref<1x1x2x1024xf32, #tpu.memory_space<vmem>>
      %dma_start3A_703 = tpu.memref_squeeze %dma_start3A_702 : memref<1x1x2x1024xf32, #tpu.memory_space<vmem>> -> memref<2x1024xf32, #tpu.memory_space<vmem>>
      %dma_start3A_704 = arith.constant 0 : i32
      %dma_start3A_705 = tpu.memref_slice %arg5[%add3A_698, %dma_start3A_704] : memref<128x2xi32, #tpu.memory_space<vmem>> -> memref<1x2xi32, #tpu.memory_space<vmem>>
      %dma_start3A_706 = tpu.memref_squeeze %dma_start3A_705 : memref<1x2xi32, #tpu.memory_space<vmem>> -> memref<2xi32, #tpu.memory_space<vmem>>
      %dma_start3A_707 = arith.constant 0 : i32
      %dma_start3A_708 = arith.constant 0 : i32
      %dma_start3A_709 = tpu.memref_slice %arg2[%select_n3A, %dma_start3A_707, %dma_start3A_708] : memref<4x2048x1024xf32, #tpu.memory_space<hbm>> -> memref<1x2048x1024xf32, #tpu.memory_space<hbm>>
      %dma_start3A_710 = tpu.memref_squeeze %dma_start3A_709 : memref<1x2048x1024xf32, #tpu.memory_space<hbm>> -> memref<2048x1024xf32, #tpu.memory_space<hbm>>
      %dma_start3A_711 = arith.constant 0 : i32
      %dma_start3A_712 = arith.constant 0 : i32
      %dma_start3A_713 = tpu.memref_slice %dma_start3A_710[%dma_start3A_711, %dma_start3A_712] : memref<2048x1024xf32, #tpu.memory_space<hbm>> -> memref<2048x1024xf32, #tpu.memory_space<hbm>>
      tpu.enqueue_indirect_dma source(%dma_start3A_713 : memref<2048x1024xf32, #tpu.memory_space<hbm>>) target(%dma_start3A_703 : memref<2x1024xf32, #tpu.memory_space<vmem>>) offsets(%dma_start3A_706 : memref<2xi32, #tpu.memory_space<vmem>>) semaphore(%arg7 : memref<!tpu.dma_semaphore, #tpu.memory_space<semaphore_mem>>)
      %scan3A_714 = arith.constant 7 : i32
      %scan3A_715 = arith.addi %scan3A_582, %scan3A_714 : i32
      %add3A_716 = arith.constant 32 : i32
      %add3A_717 = arith.addi %add3A_716, %scan3A_715 : i32
      %dma_start3A_718 = arith.constant 2 : i32
      %dma_start3A_719 = arith.constant 0 : i32
      %dma_start3A_720 = arith.constant 0 : i32
      %dma_start3A_721 = tpu.memref_slice %arg6[%dma_start3A_718, %scan3A_715, %dma_start3A_719, %dma_start3A_720] : memref<3x16x2x1024xf32, #tpu.memory_space<vmem>> -> memref<1x1x2x1024xf32, #tpu.memory_space<vmem>>
      %dma_start3A_722 = tpu.memref_squeeze %dma_start3A_721 : memref<1x1x2x1024xf32, #tpu.memory_space<vmem>> -> memref<2x1024xf32, #tpu.memory_space<vmem>>
      %dma_start3A_723 = arith.constant 0 : i32
      %dma_start3A_724 = tpu.memref_slice %arg5[%add3A_717, %dma_start3A_723] : memref<128x2xi32, #tpu.memory_space<vmem>> -> memref<1x2xi32, #tpu.memory_space<vmem>>
      %dma_start3A_725 = tpu.memref_squeeze %dma_start3A_724 : memref<1x2xi32, #tpu.memory_space<vmem>> -> memref<2xi32, #tpu.memory_space<vmem>>
      %dma_start3A_726 = arith.constant 0 : i32
      %dma_start3A_727 = arith.constant 0 : i32
      %dma_start3A_728 = tpu.memref_slice %arg2[%select_n3A, %dma_start3A_726, %dma_start3A_727] : memref<4x2048x1024xf32, #tpu.memory_space<hbm>> -> memref<1x2048x1024xf32, #tpu.memory_space<hbm>>
      %dma_start3A_729 = tpu.memref_squeeze %dma_start3A_728 : memref<1x2048x1024xf32, #tpu.memory_space<hbm>> -> memref<2048x1024xf32, #tpu.memory_space<hbm>>
      %dma_start3A_730 = arith.constant 0 : i32
      %dma_start3A_731 = arith.constant 0 : i32
      %dma_start3A_732 = tpu.memref_slice %dma_start3A_729[%dma_start3A_730, %dma_start3A_731] : memref<2048x1024xf32, #tpu.memory_space<hbm>> -> memref<2048x1024xf32, #tpu.memory_space<hbm>>
      tpu.enqueue_indirect_dma source(%dma_start3A_732 : memref<2048x1024xf32, #tpu.memory_space<hbm>>) target(%dma_start3A_722 : memref<2x1024xf32, #tpu.memory_space<vmem>>) offsets(%dma_start3A_725 : memref<2xi32, #tpu.memory_space<vmem>>) semaphore(%arg7 : memref<!tpu.dma_semaphore, #tpu.memory_space<semaphore_mem>>)
    }
    %scan3A_49 = arith.constant 16 : i32
    %add3A_50 = arith.constant 0 : i32
    %add3A_51 = arith.addi %mul3A_32, %add3A_50 : i32
    %dma_wait3A = arith.constant 0 : i32
    %dma_wait3A_52 = arith.constant 0 : i32
    %dma_wait3A_53 = arith.constant 0 : i32
    %dma_wait3A_54 = arith.constant 0 : i32
    %dma_wait3A_55 = tpu.memref_slice %arg6[%dma_wait3A, %dma_wait3A_52, %dma_wait3A_53, %dma_wait3A_54] : memref<3x16x2x1024xf32, #tpu.memory_space<vmem>> -> memref<1x16x2x1024xf32, #tpu.memory_space<vmem>>
    %dma_wait3A_56 = tpu.memref_squeeze %dma_wait3A_55 : memref<1x16x2x1024xf32, #tpu.memory_space<vmem>> -> memref<16x2x1024xf32, #tpu.memory_space<vmem>>
    %dma_wait3A_57 = arith.constant 0 : i32
    %dma_wait3A_58 = arith.constant 0 : i32
    %dma_wait3A_59 = tpu.memref_slice %arg4[%select_n3A, %add3A_51, %dma_wait3A_57, %dma_wait3A_58] : memref<4x1024x2x1024xf32, #tpu.memory_space<hbm>> -> memref<1x16x2x1024xf32, #tpu.memory_space<hbm>>
    %dma_wait3A_60 = tpu.memref_squeeze %dma_wait3A_59 : memref<1x16x2x1024xf32, #tpu.memory_space<hbm>> -> memref<16x2x1024xf32, #tpu.memory_space<hbm>>
    %dma_wait3A_61 = arith.constant 0 : i32
    %dma_wait3A_62 = arith.constant 0 : i32
    %dma_wait3A_63 = arith.constant 0 : i32
    %dma_wait3A_64 = tpu.memref_slice %arg6[%dma_wait3A, %dma_wait3A_61, %dma_wait3A_62, %dma_wait3A_63] : memref<3x16x2x1024xf32, #tpu.memory_space<vmem>> -> memref<1x16x2x1024xf32, #tpu.memory_space<vmem>>
    %dma_wait3A_65 = tpu.memref_squeeze %dma_wait3A_64 : memref<1x16x2x1024xf32, #tpu.memory_space<vmem>> -> memref<16x2x1024xf32, #tpu.memory_space<vmem>>
    %dma_wait3A_66 = arith.constant 0 : i32
    %dma_wait3A_67 = arith.constant 0 : i32
    %dma_wait3A_68 = tpu.memref_slice %arg4[%select_n3A, %add3A_51, %dma_wait3A_66, %dma_wait3A_67] : memref<4x1024x2x1024xf32, #tpu.memory_space<hbm>> -> memref<1x16x2x1024xf32, #tpu.memory_space<hbm>>
    %dma_wait3A_69 = tpu.memref_squeeze %dma_wait3A_68 : memref<1x16x2x1024xf32, #tpu.memory_space<hbm>> -> memref<16x2x1024xf32, #tpu.memory_space<hbm>>
    tpu.wait_dma2 semaphore(%arg7 : memref<!tpu.dma_semaphore, #tpu.memory_space<semaphore_mem>>) src(%dma_wait3A_69 : memref<16x2x1024xf32, #tpu.memory_space<hbm>>) dst(%dma_wait3A_65 : memref<16x2x1024xf32, #tpu.memory_space<vmem>>)
    %add3A_70 = arith.constant 0 : i32
    %add3A_71 = arith.addi %mul3A_32, %add3A_70 : i32
    %dma_start3A = arith.constant 0 : i32
    %dma_start3A_72 = arith.constant 0 : i32
    %dma_start3A_73 = arith.constant 0 : i32
    %dma_start3A_74 = arith.constant 0 : i32
    %dma_start3A_75 = tpu.memref_slice %arg6[%dma_start3A, %dma_start3A_72, %dma_start3A_73, %dma_start3A_74] : memref<3x16x2x1024xf32, #tpu.memory_space<vmem>> -> memref<1x16x2x1024xf32, #tpu.memory_space<vmem>>
    %dma_start3A_76 = tpu.memref_squeeze %dma_start3A_75 : memref<1x16x2x1024xf32, #tpu.memory_space<vmem>> -> memref<16x2x1024xf32, #tpu.memory_space<vmem>>
    %dma_start3A_77 = arith.constant 0 : i32
    %dma_start3A_78 = arith.constant 0 : i32
    %dma_start3A_79 = tpu.memref_slice %arg4[%select_n3A, %add3A_71, %dma_start3A_77, %dma_start3A_78] : memref<4x1024x2x1024xf32, #tpu.memory_space<hbm>> -> memref<1x16x2x1024xf32, #tpu.memory_space<hbm>>
    %dma_start3A_80 = tpu.memref_squeeze %dma_start3A_79 : memref<1x16x2x1024xf32, #tpu.memory_space<hbm>> -> memref<16x2x1024xf32, #tpu.memory_space<hbm>>
    %dma_start3A_81 = arith.constant 0 : i32
    %dma_start3A_82 = arith.constant 0 : i32
    %dma_start3A_83 = tpu.memref_slice %arg4[%select_n3A, %add3A_71, %dma_start3A_81, %dma_start3A_82] : memref<4x1024x2x1024xf32, #tpu.memory_space<hbm>> -> memref<1x16x2x1024xf32, #tpu.memory_space<hbm>>
    %dma_start3A_84 = tpu.memref_squeeze %dma_start3A_83 : memref<1x16x2x1024xf32, #tpu.memory_space<hbm>> -> memref<16x2x1024xf32, #tpu.memory_space<hbm>>
    %dma_start3A_85 = arith.constant 0 : i32
    %dma_start3A_86 = arith.constant 0 : i32
    %dma_start3A_87 = arith.constant 0 : i32
    %dma_start3A_88 = tpu.memref_slice %arg6[%dma_start3A, %dma_start3A_85, %dma_start3A_86, %dma_start3A_87] : memref<3x16x2x1024xf32, #tpu.memory_space<vmem>> -> memref<1x16x2x1024xf32, #tpu.memory_space<vmem>>
    %dma_start3A_89 = tpu.memref_squeeze %dma_start3A_88 : memref<1x16x2x1024xf32, #tpu.memory_space<vmem>> -> memref<16x2x1024xf32, #tpu.memory_space<vmem>>
    tpu.enqueue_dma source(%dma_start3A_89 : memref<16x2x1024xf32, #tpu.memory_space<vmem>>) target(%dma_start3A_84 : memref<16x2x1024xf32, #tpu.memory_space<hbm>>) target_semaphore(%arg8 : memref<!tpu.dma_semaphore, #tpu.memory_space<semaphore_mem>>)
    %add3A_90 = arith.constant 0 : i32
    %add3A_91 = arith.addi %mul3A_32, %add3A_90 : i32
    %dma_wait3A_92 = arith.constant 0 : i32
    %dma_wait3A_93 = arith.constant 0 : i32
    %dma_wait3A_94 = arith.constant 0 : i32
    %dma_wait3A_95 = arith.constant 0 : i32
    %dma_wait3A_96 = tpu.memref_slice %arg6[%dma_wait3A_92, %dma_wait3A_93, %dma_wait3A_94, %dma_wait3A_95] : memref<3x16x2x1024xf32, #tpu.memory_space<vmem>> -> memref<1x16x2x1024xf32, #tpu.memory_space<vmem>>
    %dma_wait3A_97 = tpu.memref_squeeze %dma_wait3A_96 : memref<1x16x2x1024xf32, #tpu.memory_space<vmem>> -> memref<16x2x1024xf32, #tpu.memory_space<vmem>>
    %dma_wait3A_98 = arith.constant 0 : i32
    %dma_wait3A_99 = arith.constant 0 : i32
    %dma_wait3A_100 = tpu.memref_slice %arg4[%select_n3A, %add3A_91, %dma_wait3A_98, %dma_wait3A_99] : memref<4x1024x2x1024xf32, #tpu.memory_space<hbm>> -> memref<1x16x2x1024xf32, #tpu.memory_space<hbm>>
    %dma_wait3A_101 = tpu.memref_squeeze %dma_wait3A_100 : memref<1x16x2x1024xf32, #tpu.memory_space<hbm>> -> memref<16x2x1024xf32, #tpu.memory_space<hbm>>
    %dma_wait3A_102 = arith.constant 0 : i32
    %dma_wait3A_103 = arith.constant 0 : i32
    %dma_wait3A_104 = arith.constant 0 : i32
    %dma_wait3A_105 = tpu.memref_slice %arg6[%dma_wait3A_92, %dma_wait3A_102, %dma_wait3A_103, %dma_wait3A_104] : memref<3x16x2x1024xf32, #tpu.memory_space<vmem>> -> memref<1x16x2x1024xf32, #tpu.memory_space<vmem>>
    %dma_wait3A_106 = tpu.memref_squeeze %dma_wait3A_105 : memref<1x16x2x1024xf32, #tpu.memory_space<vmem>> -> memref<16x2x1024xf32, #tpu.memory_space<vmem>>
    %dma_wait3A_107 = arith.constant 0 : i32
    %dma_wait3A_108 = arith.constant 0 : i32
    %dma_wait3A_109 = tpu.memref_slice %arg4[%select_n3A, %add3A_91, %dma_wait3A_107, %dma_wait3A_108] : memref<4x1024x2x1024xf32, #tpu.memory_space<hbm>> -> memref<1x16x2x1024xf32, #tpu.memory_space<hbm>>
    %dma_wait3A_110 = tpu.memref_squeeze %dma_wait3A_109 : memref<1x16x2x1024xf32, #tpu.memory_space<hbm>> -> memref<16x2x1024xf32, #tpu.memory_space<hbm>>
    tpu.wait_dma2 semaphore(%arg8 : memref<!tpu.dma_semaphore, #tpu.memory_space<semaphore_mem>>) src(%dma_wait3A_110 : memref<16x2x1024xf32, #tpu.memory_space<hbm>>) dst(%dma_wait3A_106 : memref<16x2x1024xf32, #tpu.memory_space<vmem>>)
    %scan3A_111 = arith.constant 0 : i32
    %scan3A_112 = arith.constant 0 : i32
    %scan3A_113 = arith.constant 16 : i32
    %scan3A_114 = arith.addi %scan3A_112, %scan3A_113 : i32
    %scan3A_115 = arith.constant 8 : i32
    scf.for %scan3A_582 = %scan3A_112 to %scan3A_114 step %scan3A_115  : i32 {
      %add3A_583 = arith.constant 48 : i32
      %add3A_584 = arith.addi %add3A_583, %scan3A_582 : i32
      %dma_start3A_585 = arith.constant 0 : i32
      %dma_start3A_586 = arith.constant 0 : i32
      %dma_start3A_587 = arith.constant 0 : i32
      %dma_start3A_588 = tpu.memref_slice %arg6[%dma_start3A_585, %scan3A_582, %dma_start3A_586, %dma_start3A_587] : memref<3x16x2x1024xf32, #tpu.memory_space<vmem>> -> memref<1x1x2x1024xf32, #tpu.memory_space<vmem>>
      %dma_start3A_589 = tpu.memref_squeeze %dma_start3A_588 : memref<1x1x2x1024xf32, #tpu.memory_space<vmem>> -> memref<2x1024xf32, #tpu.memory_space<vmem>>
      %dma_start3A_590 = arith.constant 0 : i32
      %dma_start3A_591 = tpu.memref_slice %arg5[%add3A_584, %dma_start3A_590] : memref<128x2xi32, #tpu.memory_space<vmem>> -> memref<1x2xi32, #tpu.memory_space<vmem>>
      %dma_start3A_592 = tpu.memref_squeeze %dma_start3A_591 : memref<1x2xi32, #tpu.memory_space<vmem>> -> memref<2xi32, #tpu.memory_space<vmem>>
      %dma_start3A_593 = arith.constant 0 : i32
      %dma_start3A_594 = arith.constant 0 : i32
      %dma_start3A_595 = tpu.memref_slice %arg2[%select_n3A, %dma_start3A_593, %dma_start3A_594] : memref<4x2048x1024xf32, #tpu.memory_space<hbm>> -> memref<1x2048x1024xf32, #tpu.memory_space<hbm>>
      %dma_start3A_596 = tpu.memref_squeeze %dma_start3A_595 : memref<1x2048x1024xf32, #tpu.memory_space<hbm>> -> memref<2048x1024xf32, #tpu.memory_space<hbm>>
      %dma_start3A_597 = arith.constant 0 : i32
      %dma_start3A_598 = arith.constant 0 : i32
      %dma_start3A_599 = tpu.memref_slice %dma_start3A_596[%dma_start3A_597, %dma_start3A_598] : memref<2048x1024xf32, #tpu.memory_space<hbm>> -> memref<2048x1024xf32, #tpu.memory_space<hbm>>
      tpu.enqueue_indirect_dma source(%dma_start3A_599 : memref<2048x1024xf32, #tpu.memory_space<hbm>>) target(%dma_start3A_589 : memref<2x1024xf32, #tpu.memory_space<vmem>>) offsets(%dma_start3A_592 : memref<2xi32, #tpu.memory_space<vmem>>) semaphore(%arg7 : memref<!tpu.dma_semaphore, #tpu.memory_space<semaphore_mem>>)
      %scan3A_600 = arith.constant 1 : i32
      %scan3A_601 = arith.addi %scan3A_582, %scan3A_600 : i32
      %add3A_602 = arith.constant 48 : i32
      %add3A_603 = arith.addi %add3A_602, %scan3A_601 : i32
      %dma_start3A_604 = arith.constant 0 : i32
      %dma_start3A_605 = arith.constant 0 : i32
      %dma_start3A_606 = arith.constant 0 : i32
      %dma_start3A_607 = tpu.memref_slice %arg6[%dma_start3A_604, %scan3A_601, %dma_start3A_605, %dma_start3A_606] : memref<3x16x2x1024xf32, #tpu.memory_space<vmem>> -> memref<1x1x2x1024xf32, #tpu.memory_space<vmem>>
      %dma_start3A_608 = tpu.memref_squeeze %dma_start3A_607 : memref<1x1x2x1024xf32, #tpu.memory_space<vmem>> -> memref<2x1024xf32, #tpu.memory_space<vmem>>
      %dma_start3A_609 = arith.constant 0 : i32
      %dma_start3A_610 = tpu.memref_slice %arg5[%add3A_603, %dma_start3A_609] : memref<128x2xi32, #tpu.memory_space<vmem>> -> memref<1x2xi32, #tpu.memory_space<vmem>>
      %dma_start3A_611 = tpu.memref_squeeze %dma_start3A_610 : memref<1x2xi32, #tpu.memory_space<vmem>> -> memref<2xi32, #tpu.memory_space<vmem>>
      %dma_start3A_612 = arith.constant 0 : i32
      %dma_start3A_613 = arith.constant 0 : i32
      %dma_start3A_614 = tpu.memref_slice %arg2[%select_n3A, %dma_start3A_612, %dma_start3A_613] : memref<4x2048x1024xf32, #tpu.memory_space<hbm>> -> memref<1x2048x1024xf32, #tpu.memory_space<hbm>>
      %dma_start3A_615 = tpu.memref_squeeze %dma_start3A_614 : memref<1x2048x1024xf32, #tpu.memory_space<hbm>> -> memref<2048x1024xf32, #tpu.memory_space<hbm>>
      %dma_start3A_616 = arith.constant 0 : i32
      %dma_start3A_617 = arith.constant 0 : i32
      %dma_start3A_618 = tpu.memref_slice %dma_start3A_615[%dma_start3A_616, %dma_start3A_617] : memref<2048x1024xf32, #tpu.memory_space<hbm>> -> memref<2048x1024xf32, #tpu.memory_space<hbm>>
      tpu.enqueue_indirect_dma source(%dma_start3A_618 : memref<2048x1024xf32, #tpu.memory_space<hbm>>) target(%dma_start3A_608 : memref<2x1024xf32, #tpu.memory_space<vmem>>) offsets(%dma_start3A_611 : memref<2xi32, #tpu.memory_space<vmem>>) semaphore(%arg7 : memref<!tpu.dma_semaphore, #tpu.memory_space<semaphore_mem>>)
      %scan3A_619 = arith.constant 2 : i32
      %scan3A_620 = arith.addi %scan3A_582, %scan3A_619 : i32
      %add3A_621 = arith.constant 48 : i32
      %add3A_622 = arith.addi %add3A_621, %scan3A_620 : i32
      %dma_start3A_623 = arith.constant 0 : i32
      %dma_start3A_624 = arith.constant 0 : i32
      %dma_start3A_625 = arith.constant 0 : i32
      %dma_start3A_626 = tpu.memref_slice %arg6[%dma_start3A_623, %scan3A_620, %dma_start3A_624, %dma_start3A_625] : memref<3x16x2x1024xf32, #tpu.memory_space<vmem>> -> memref<1x1x2x1024xf32, #tpu.memory_space<vmem>>
      %dma_start3A_627 = tpu.memref_squeeze %dma_start3A_626 : memref<1x1x2x1024xf32, #tpu.memory_space<vmem>> -> memref<2x1024xf32, #tpu.memory_space<vmem>>
      %dma_start3A_628 = arith.constant 0 : i32
      %dma_start3A_629 = tpu.memref_slice %arg5[%add3A_622, %dma_start3A_628] : memref<128x2xi32, #tpu.memory_space<vmem>> -> memref<1x2xi32, #tpu.memory_space<vmem>>
      %dma_start3A_630 = tpu.memref_squeeze %dma_start3A_629 : memref<1x2xi32, #tpu.memory_space<vmem>> -> memref<2xi32, #tpu.memory_space<vmem>>
      %dma_start3A_631 = arith.constant 0 : i32
      %dma_start3A_632 = arith.constant 0 : i32
      %dma_start3A_633 = tpu.memref_slice %arg2[%select_n3A, %dma_start3A_631, %dma_start3A_632] : memref<4x2048x1024xf32, #tpu.memory_space<hbm>> -> memref<1x2048x1024xf32, #tpu.memory_space<hbm>>
      %dma_start3A_634 = tpu.memref_squeeze %dma_start3A_633 : memref<1x2048x1024xf32, #tpu.memory_space<hbm>> -> memref<2048x1024xf32, #tpu.memory_space<hbm>>
      %dma_start3A_635 = arith.constant 0 : i32
      %dma_start3A_636 = arith.constant 0 : i32
      %dma_start3A_637 = tpu.memref_slice %dma_start3A_634[%dma_start3A_635, %dma_start3A_636] : memref<2048x1024xf32, #tpu.memory_space<hbm>> -> memref<2048x1024xf32, #tpu.memory_space<hbm>>
      tpu.enqueue_indirect_dma source(%dma_start3A_637 : memref<2048x1024xf32, #tpu.memory_space<hbm>>) target(%dma_start3A_627 : memref<2x1024xf32, #tpu.memory_space<vmem>>) offsets(%dma_start3A_630 : memref<2xi32, #tpu.memory_space<vmem>>) semaphore(%arg7 : memref<!tpu.dma_semaphore, #tpu.memory_space<semaphore_mem>>)
      %scan3A_638 = arith.constant 3 : i32
      %scan3A_639 = arith.addi %scan3A_582, %scan3A_638 : i32
      %add3A_640 = arith.constant 48 : i32
      %add3A_641 = arith.addi %add3A_640, %scan3A_639 : i32
      %dma_start3A_642 = arith.constant 0 : i32
      %dma_start3A_643 = arith.constant 0 : i32
      %dma_start3A_644 = arith.constant 0 : i32
      %dma_start3A_645 = tpu.memref_slice %arg6[%dma_start3A_642, %scan3A_639, %dma_start3A_643, %dma_start3A_644] : memref<3x16x2x1024xf32, #tpu.memory_space<vmem>> -> memref<1x1x2x1024xf32, #tpu.memory_space<vmem>>
      %dma_start3A_646 = tpu.memref_squeeze %dma_start3A_645 : memref<1x1x2x1024xf32, #tpu.memory_space<vmem>> -> memref<2x1024xf32, #tpu.memory_space<vmem>>
      %dma_start3A_647 = arith.constant 0 : i32
      %dma_start3A_648 = tpu.memref_slice %arg5[%add3A_641, %dma_start3A_647] : memref<128x2xi32, #tpu.memory_space<vmem>> -> memref<1x2xi32, #tpu.memory_space<vmem>>
      %dma_start3A_649 = tpu.memref_squeeze %dma_start3A_648 : memref<1x2xi32, #tpu.memory_space<vmem>> -> memref<2xi32, #tpu.memory_space<vmem>>
      %dma_start3A_650 = arith.constant 0 : i32
      %dma_start3A_651 = arith.constant 0 : i32
      %dma_start3A_652 = tpu.memref_slice %arg2[%select_n3A, %dma_start3A_650, %dma_start3A_651] : memref<4x2048x1024xf32, #tpu.memory_space<hbm>> -> memref<1x2048x1024xf32, #tpu.memory_space<hbm>>
      %dma_start3A_653 = tpu.memref_squeeze %dma_start3A_652 : memref<1x2048x1024xf32, #tpu.memory_space<hbm>> -> memref<2048x1024xf32, #tpu.memory_space<hbm>>
      %dma_start3A_654 = arith.constant 0 : i32
      %dma_start3A_655 = arith.constant 0 : i32
      %dma_start3A_656 = tpu.memref_slice %dma_start3A_653[%dma_start3A_654, %dma_start3A_655] : memref<2048x1024xf32, #tpu.memory_space<hbm>> -> memref<2048x1024xf32, #tpu.memory_space<hbm>>
      tpu.enqueue_indirect_dma source(%dma_start3A_656 : memref<2048x1024xf32, #tpu.memory_space<hbm>>) target(%dma_start3A_646 : memref<2x1024xf32, #tpu.memory_space<vmem>>) offsets(%dma_start3A_649 : memref<2xi32, #tpu.memory_space<vmem>>) semaphore(%arg7 : memref<!tpu.dma_semaphore, #tpu.memory_space<semaphore_mem>>)
      %scan3A_657 = arith.constant 4 : i32
      %scan3A_658 = arith.addi %scan3A_582, %scan3A_657 : i32
      %add3A_659 = arith.constant 48 : i32
      %add3A_660 = arith.addi %add3A_659, %scan3A_658 : i32
      %dma_start3A_661 = arith.constant 0 : i32
      %dma_start3A_662 = arith.constant 0 : i32
      %dma_start3A_663 = arith.constant 0 : i32
      %dma_start3A_664 = tpu.memref_slice %arg6[%dma_start3A_661, %scan3A_658, %dma_start3A_662, %dma_start3A_663] : memref<3x16x2x1024xf32, #tpu.memory_space<vmem>> -> memref<1x1x2x1024xf32, #tpu.memory_space<vmem>>
      %dma_start3A_665 = tpu.memref_squeeze %dma_start3A_664 : memref<1x1x2x1024xf32, #tpu.memory_space<vmem>> -> memref<2x1024xf32, #tpu.memory_space<vmem>>
      %dma_start3A_666 = arith.constant 0 : i32
      %dma_start3A_667 = tpu.memref_slice %arg5[%add3A_660, %dma_start3A_666] : memref<128x2xi32, #tpu.memory_space<vmem>> -> memref<1x2xi32, #tpu.memory_space<vmem>>
      %dma_start3A_668 = tpu.memref_squeeze %dma_start3A_667 : memref<1x2xi32, #tpu.memory_space<vmem>> -> memref<2xi32, #tpu.memory_space<vmem>>
      %dma_start3A_669 = arith.constant 0 : i32
      %dma_start3A_670 = arith.constant 0 : i32
      %dma_start3A_671 = tpu.memref_slice %arg2[%select_n3A, %dma_start3A_669, %dma_start3A_670] : memref<4x2048x1024xf32, #tpu.memory_space<hbm>> -> memref<1x2048x1024xf32, #tpu.memory_space<hbm>>
      %dma_start3A_672 = tpu.memref_squeeze %dma_start3A_671 : memref<1x2048x1024xf32, #tpu.memory_space<hbm>> -> memref<2048x1024xf32, #tpu.memory_space<hbm>>
      %dma_start3A_673 = arith.constant 0 : i32
      %dma_start3A_674 = arith.constant 0 : i32
      %dma_start3A_675 = tpu.memref_slice %dma_start3A_672[%dma_start3A_673, %dma_start3A_674] : memref<2048x1024xf32, #tpu.memory_space<hbm>> -> memref<2048x1024xf32, #tpu.memory_space<hbm>>
      tpu.enqueue_indirect_dma source(%dma_start3A_675 : memref<2048x1024xf32, #tpu.memory_space<hbm>>) target(%dma_start3A_665 : memref<2x1024xf32, #tpu.memory_space<vmem>>) offsets(%dma_start3A_668 : memref<2xi32, #tpu.memory_space<vmem>>) semaphore(%arg7 : memref<!tpu.dma_semaphore, #tpu.memory_space<semaphore_mem>>)
      %scan3A_676 = arith.constant 5 : i32
      %scan3A_677 = arith.addi %scan3A_582, %scan3A_676 : i32
      %add3A_678 = arith.constant 48 : i32
      %add3A_679 = arith.addi %add3A_678, %scan3A_677 : i32
      %dma_start3A_680 = arith.constant 0 : i32
      %dma_start3A_681 = arith.constant 0 : i32
      %dma_start3A_682 = arith.constant 0 : i32
      %dma_start3A_683 = tpu.memref_slice %arg6[%dma_start3A_680, %scan3A_677, %dma_start3A_681, %dma_start3A_682] : memref<3x16x2x1024xf32, #tpu.memory_space<vmem>> -> memref<1x1x2x1024xf32, #tpu.memory_space<vmem>>
      %dma_start3A_684 = tpu.memref_squeeze %dma_start3A_683 : memref<1x1x2x1024xf32, #tpu.memory_space<vmem>> -> memref<2x1024xf32, #tpu.memory_space<vmem>>
      %dma_start3A_685 = arith.constant 0 : i32
      %dma_start3A_686 = tpu.memref_slice %arg5[%add3A_679, %dma_start3A_685] : memref<128x2xi32, #tpu.memory_space<vmem>> -> memref<1x2xi32, #tpu.memory_space<vmem>>
      %dma_start3A_687 = tpu.memref_squeeze %dma_start3A_686 : memref<1x2xi32, #tpu.memory_space<vmem>> -> memref<2xi32, #tpu.memory_space<vmem>>
      %dma_start3A_688 = arith.constant 0 : i32
      %dma_start3A_689 = arith.constant 0 : i32
      %dma_start3A_690 = tpu.memref_slice %arg2[%select_n3A, %dma_start3A_688, %dma_start3A_689] : memref<4x2048x1024xf32, #tpu.memory_space<hbm>> -> memref<1x2048x1024xf32, #tpu.memory_space<hbm>>
      %dma_start3A_691 = tpu.memref_squeeze %dma_start3A_690 : memref<1x2048x1024xf32, #tpu.memory_space<hbm>> -> memref<2048x1024xf32, #tpu.memory_space<hbm>>
      %dma_start3A_692 = arith.constant 0 : i32
      %dma_start3A_693 = arith.constant 0 : i32
      %dma_start3A_694 = tpu.memref_slice %dma_start3A_691[%dma_start3A_692, %dma_start3A_693] : memref<2048x1024xf32, #tpu.memory_space<hbm>> -> memref<2048x1024xf32, #tpu.memory_space<hbm>>
      tpu.enqueue_indirect_dma source(%dma_start3A_694 : memref<2048x1024xf32, #tpu.memory_space<hbm>>) target(%dma_start3A_684 : memref<2x1024xf32, #tpu.memory_space<vmem>>) offsets(%dma_start3A_687 : memref<2xi32, #tpu.memory_space<vmem>>) semaphore(%arg7 : memref<!tpu.dma_semaphore, #tpu.memory_space<semaphore_mem>>)
      %scan3A_695 = arith.constant 6 : i32
      %scan3A_696 = arith.addi %scan3A_582, %scan3A_695 : i32
      %add3A_697 = arith.constant 48 : i32
      %add3A_698 = arith.addi %add3A_697, %scan3A_696 : i32
      %dma_start3A_699 = arith.constant 0 : i32
      %dma_start3A_700 = arith.constant 0 : i32
      %dma_start3A_701 = arith.constant 0 : i32
      %dma_start3A_702 = tpu.memref_slice %arg6[%dma_start3A_699, %scan3A_696, %dma_start3A_700, %dma_start3A_701] : memref<3x16x2x1024xf32, #tpu.memory_space<vmem>> -> memref<1x1x2x1024xf32, #tpu.memory_space<vmem>>
      %dma_start3A_703 = tpu.memref_squeeze %dma_start3A_702 : memref<1x1x2x1024xf32, #tpu.memory_space<vmem>> -> memref<2x1024xf32, #tpu.memory_space<vmem>>
      %dma_start3A_704 = arith.constant 0 : i32
      %dma_start3A_705 = tpu.memref_slice %arg5[%add3A_698, %dma_start3A_704] : memref<128x2xi32, #tpu.memory_space<vmem>> -> memref<1x2xi32, #tpu.memory_space<vmem>>
      %dma_start3A_706 = tpu.memref_squeeze %dma_start3A_705 : memref<1x2xi32, #tpu.memory_space<vmem>> -> memref<2xi32, #tpu.memory_space<vmem>>
      %dma_start3A_707 = arith.constant 0 : i32
      %dma_start3A_708 = arith.constant 0 : i32
      %dma_start3A_709 = tpu.memref_slice %arg2[%select_n3A, %dma_start3A_707, %dma_start3A_708] : memref<4x2048x1024xf32, #tpu.memory_space<hbm>> -> memref<1x2048x1024xf32, #tpu.memory_space<hbm>>
      %dma_start3A_710 = tpu.memref_squeeze %dma_start3A_709 : memref<1x2048x1024xf32, #tpu.memory_space<hbm>> -> memref<2048x1024xf32, #tpu.memory_space<hbm>>
      %dma_start3A_711 = arith.constant 0 : i32
      %dma_start3A_712 = arith.constant 0 : i32
      %dma_start3A_713 = tpu.memref_slice %dma_start3A_710[%dma_start3A_711, %dma_start3A_712] : memref<2048x1024xf32, #tpu.memory_space<hbm>> -> memref<2048x1024xf32, #tpu.memory_space<hbm>>
      tpu.enqueue_indirect_dma source(%dma_start3A_713 : memref<2048x1024xf32, #tpu.memory_space<hbm>>) target(%dma_start3A_703 : memref<2x1024xf32, #tpu.memory_space<vmem>>) offsets(%dma_start3A_706 : memref<2xi32, #tpu.memory_space<vmem>>) semaphore(%arg7 : memref<!tpu.dma_semaphore, #tpu.memory_space<semaphore_mem>>)
      %scan3A_714 = arith.constant 7 : i32
      %scan3A_715 = arith.addi %scan3A_582, %scan3A_714 : i32
      %add3A_716 = arith.constant 48 : i32
      %add3A_717 = arith.addi %add3A_716, %scan3A_715 : i32
      %dma_start3A_718 = arith.constant 0 : i32
      %dma_start3A_719 = arith.constant 0 : i32
      %dma_start3A_720 = arith.constant 0 : i32
      %dma_start3A_721 = tpu.memref_slice %arg6[%dma_start3A_718, %scan3A_715, %dma_start3A_719, %dma_start3A_720] : memref<3x16x2x1024xf32, #tpu.memory_space<vmem>> -> memref<1x1x2x1024xf32, #tpu.memory_space<vmem>>
      %dma_start3A_722 = tpu.memref_squeeze %dma_start3A_721 : memref<1x1x2x1024xf32, #tpu.memory_space<vmem>> -> memref<2x1024xf32, #tpu.memory_space<vmem>>
      %dma_start3A_723 = arith.constant 0 : i32
      %dma_start3A_724 = tpu.memref_slice %arg5[%add3A_717, %dma_start3A_723] : memref<128x2xi32, #tpu.memory_space<vmem>> -> memref<1x2xi32, #tpu.memory_space<vmem>>
      %dma_start3A_725 = tpu.memref_squeeze %dma_start3A_724 : memref<1x2xi32, #tpu.memory_space<vmem>> -> memref<2xi32, #tpu.memory_space<vmem>>
      %dma_start3A_726 = arith.constant 0 : i32
      %dma_start3A_727 = arith.constant 0 : i32
      %dma_start3A_728 = tpu.memref_slice %arg2[%select_n3A, %dma_start3A_726, %dma_start3A_727] : memref<4x2048x1024xf32, #tpu.memory_space<hbm>> -> memref<1x2048x1024xf32, #tpu.memory_space<hbm>>
      %dma_start3A_729 = tpu.memref_squeeze %dma_start3A_728 : memref<1x2048x1024xf32, #tpu.memory_space<hbm>> -> memref<2048x1024xf32, #tpu.memory_space<hbm>>
      %dma_start3A_730 = arith.constant 0 : i32
      %dma_start3A_731 = arith.constant 0 : i32
      %dma_start3A_732 = tpu.memref_slice %dma_start3A_729[%dma_start3A_730, %dma_start3A_731] : memref<2048x1024xf32, #tpu.memory_space<hbm>> -> memref<2048x1024xf32, #tpu.memory_space<hbm>>
      tpu.enqueue_indirect_dma source(%dma_start3A_732 : memref<2048x1024xf32, #tpu.memory_space<hbm>>) target(%dma_start3A_722 : memref<2x1024xf32, #tpu.memory_space<vmem>>) offsets(%dma_start3A_725 : memref<2xi32, #tpu.memory_space<vmem>>) semaphore(%arg7 : memref<!tpu.dma_semaphore, #tpu.memory_space<semaphore_mem>>)
    }
    %scan3A_116 = arith.constant 16 : i32
    %add3A_117 = arith.constant 0 : i32
    %add3A_118 = arith.addi %mul3A_32, %add3A_117 : i32
    %dma_wait3A_119 = arith.constant 1 : i32
    %dma_wait3A_120 = arith.constant 0 : i32
    %dma_wait3A_121 = arith.constant 0 : i32
    %dma_wait3A_122 = arith.constant 0 : i32
    %dma_wait3A_123 = tpu.memref_slice %arg6[%dma_wait3A_119, %dma_wait3A_120, %dma_wait3A_121, %dma_wait3A_122] : memref<3x16x2x1024xf32, #tpu.memory_space<vmem>> -> memref<1x16x2x1024xf32, #tpu.memory_space<vmem>>
    %dma_wait3A_124 = tpu.memref_squeeze %dma_wait3A_123 : memref<1x16x2x1024xf32, #tpu.memory_space<vmem>> -> memref<16x2x1024xf32, #tpu.memory_space<vmem>>
    %dma_wait3A_125 = arith.constant 0 : i32
    %dma_wait3A_126 = arith.constant 0 : i32
    %dma_wait3A_127 = tpu.memref_slice %arg4[%select_n3A, %add3A_118, %dma_wait3A_125, %dma_wait3A_126] : memref<4x1024x2x1024xf32, #tpu.memory_space<hbm>> -> memref<1x16x2x1024xf32, #tpu.memory_space<hbm>>
    %dma_wait3A_128 = tpu.memref_squeeze %dma_wait3A_127 : memref<1x16x2x1024xf32, #tpu.memory_space<hbm>> -> memref<16x2x1024xf32, #tpu.memory_space<hbm>>
    %dma_wait3A_129 = arith.constant 0 : i32
    %dma_wait3A_130 = arith.constant 0 : i32
    %dma_wait3A_131 = arith.constant 0 : i32
    %dma_wait3A_132 = tpu.memref_slice %arg6[%dma_wait3A_119, %dma_wait3A_129, %dma_wait3A_130, %dma_wait3A_131] : memref<3x16x2x1024xf32, #tpu.memory_space<vmem>> -> memref<1x16x2x1024xf32, #tpu.memory_space<vmem>>
    %dma_wait3A_133 = tpu.memref_squeeze %dma_wait3A_132 : memref<1x16x2x1024xf32, #tpu.memory_space<vmem>> -> memref<16x2x1024xf32, #tpu.memory_space<vmem>>
    %dma_wait3A_134 = arith.constant 0 : i32
    %dma_wait3A_135 = arith.constant 0 : i32
    %dma_wait3A_136 = tpu.memref_slice %arg4[%select_n3A, %add3A_118, %dma_wait3A_134, %dma_wait3A_135] : memref<4x1024x2x1024xf32, #tpu.memory_space<hbm>> -> memref<1x16x2x1024xf32, #tpu.memory_space<hbm>>
    %dma_wait3A_137 = tpu.memref_squeeze %dma_wait3A_136 : memref<1x16x2x1024xf32, #tpu.memory_space<hbm>> -> memref<16x2x1024xf32, #tpu.memory_space<hbm>>
    tpu.wait_dma2 semaphore(%arg7 : memref<!tpu.dma_semaphore, #tpu.memory_space<semaphore_mem>>) src(%dma_wait3A_137 : memref<16x2x1024xf32, #tpu.memory_space<hbm>>) dst(%dma_wait3A_133 : memref<16x2x1024xf32, #tpu.memory_space<vmem>>)
    %add3A_138 = arith.constant 16 : i32
    %add3A_139 = arith.addi %mul3A_32, %add3A_138 : i32
    %dma_start3A_140 = arith.constant 1 : i32
    %dma_start3A_141 = arith.constant 0 : i32
    %dma_start3A_142 = arith.constant 0 : i32
    %dma_start3A_143 = arith.constant 0 : i32
    %dma_start3A_144 = tpu.memref_slice %arg6[%dma_start3A_140, %dma_start3A_141, %dma_start3A_142, %dma_start3A_143] : memref<3x16x2x1024xf32, #tpu.memory_space<vmem>> -> memref<1x16x2x1024xf32, #tpu.memory_space<vmem>>
    %dma_start3A_145 = tpu.memref_squeeze %dma_start3A_144 : memref<1x16x2x1024xf32, #tpu.memory_space<vmem>> -> memref<16x2x1024xf32, #tpu.memory_space<vmem>>
    %dma_start3A_146 = arith.constant 0 : i32
    %dma_start3A_147 = arith.constant 0 : i32
    %dma_start3A_148 = tpu.memref_slice %arg4[%select_n3A, %add3A_139, %dma_start3A_146, %dma_start3A_147] : memref<4x1024x2x1024xf32, #tpu.memory_space<hbm>> -> memref<1x16x2x1024xf32, #tpu.memory_space<hbm>>
    %dma_start3A_149 = tpu.memref_squeeze %dma_start3A_148 : memref<1x16x2x1024xf32, #tpu.memory_space<hbm>> -> memref<16x2x1024xf32, #tpu.memory_space<hbm>>
    %dma_start3A_150 = arith.constant 0 : i32
    %dma_start3A_151 = arith.constant 0 : i32
    %dma_start3A_152 = tpu.memref_slice %arg4[%select_n3A, %add3A_139, %dma_start3A_150, %dma_start3A_151] : memref<4x1024x2x1024xf32, #tpu.memory_space<hbm>> -> memref<1x16x2x1024xf32, #tpu.memory_space<hbm>>
    %dma_start3A_153 = tpu.memref_squeeze %dma_start3A_152 : memref<1x16x2x1024xf32, #tpu.memory_space<hbm>> -> memref<16x2x1024xf32, #tpu.memory_space<hbm>>
    %dma_start3A_154 = arith.constant 0 : i32
    %dma_start3A_155 = arith.constant 0 : i32
    %dma_start3A_156 = arith.constant 0 : i32
    %dma_start3A_157 = tpu.memref_slice %arg6[%dma_start3A_140, %dma_start3A_154, %dma_start3A_155, %dma_start3A_156] : memref<3x16x2x1024xf32, #tpu.memory_space<vmem>> -> memref<1x16x2x1024xf32, #tpu.memory_space<vmem>>
    %dma_start3A_158 = tpu.memref_squeeze %dma_start3A_157 : memref<1x16x2x1024xf32, #tpu.memory_space<vmem>> -> memref<16x2x1024xf32, #tpu.memory_space<vmem>>
    tpu.enqueue_dma source(%dma_start3A_158 : memref<16x2x1024xf32, #tpu.memory_space<vmem>>) target(%dma_start3A_153 : memref<16x2x1024xf32, #tpu.memory_space<hbm>>) target_semaphore(%arg8 : memref<!tpu.dma_semaphore, #tpu.memory_space<semaphore_mem>>)
    %add3A_159 = arith.constant 0 : i32
    %add3A_160 = arith.addi %mul3A_32, %add3A_159 : i32
    %dma_wait3A_161 = arith.constant 1 : i32
    %dma_wait3A_162 = arith.constant 0 : i32
    %dma_wait3A_163 = arith.constant 0 : i32
    %dma_wait3A_164 = arith.constant 0 : i32
    %dma_wait3A_165 = tpu.memref_slice %arg6[%dma_wait3A_161, %dma_wait3A_162, %dma_wait3A_163, %dma_wait3A_164] : memref<3x16x2x1024xf32, #tpu.memory_space<vmem>> -> memref<1x16x2x1024xf32, #tpu.memory_space<vmem>>
    %dma_wait3A_166 = tpu.memref_squeeze %dma_wait3A_165 : memref<1x16x2x1024xf32, #tpu.memory_space<vmem>> -> memref<16x2x1024xf32, #tpu.memory_space<vmem>>
    %dma_wait3A_167 = arith.constant 0 : i32
    %dma_wait3A_168 = arith.constant 0 : i32
    %dma_wait3A_169 = tpu.memref_slice %arg4[%select_n3A, %add3A_160, %dma_wait3A_167, %dma_wait3A_168] : memref<4x1024x2x1024xf32, #tpu.memory_space<hbm>> -> memref<1x16x2x1024xf32, #tpu.memory_space<hbm>>
    %dma_wait3A_170 = tpu.memref_squeeze %dma_wait3A_169 : memref<1x16x2x1024xf32, #tpu.memory_space<hbm>> -> memref<16x2x1024xf32, #tpu.memory_space<hbm>>
    %dma_wait3A_171 = arith.constant 0 : i32
    %dma_wait3A_172 = arith.constant 0 : i32
    %dma_wait3A_173 = arith.constant 0 : i32
    %dma_wait3A_174 = tpu.memref_slice %arg6[%dma_wait3A_161, %dma_wait3A_171, %dma_wait3A_172, %dma_wait3A_173] : memref<3x16x2x1024xf32, #tpu.memory_space<vmem>> -> memref<1x16x2x1024xf32, #tpu.memory_space<vmem>>
    %dma_wait3A_175 = tpu.memref_squeeze %dma_wait3A_174 : memref<1x16x2x1024xf32, #tpu.memory_space<vmem>> -> memref<16x2x1024xf32, #tpu.memory_space<vmem>>
    %dma_wait3A_176 = arith.constant 0 : i32
    %dma_wait3A_177 = arith.constant 0 : i32
    %dma_wait3A_178 = tpu.memref_slice %arg4[%select_n3A, %add3A_160, %dma_wait3A_176, %dma_wait3A_177] : memref<4x1024x2x1024xf32, #tpu.memory_space<hbm>> -> memref<1x16x2x1024xf32, #tpu.memory_space<hbm>>
    %dma_wait3A_179 = tpu.memref_squeeze %dma_wait3A_178 : memref<1x16x2x1024xf32, #tpu.memory_space<hbm>> -> memref<16x2x1024xf32, #tpu.memory_space<hbm>>
    tpu.wait_dma2 semaphore(%arg8 : memref<!tpu.dma_semaphore, #tpu.memory_space<semaphore_mem>>) src(%dma_wait3A_179 : memref<16x2x1024xf32, #tpu.memory_space<hbm>>) dst(%dma_wait3A_175 : memref<16x2x1024xf32, #tpu.memory_space<vmem>>)
    %scan3A_180 = arith.constant 0 : i32
    %scan3A_181 = arith.constant 0 : i32
    %scan3A_182 = arith.constant 16 : i32
    %scan3A_183 = arith.addi %scan3A_181, %scan3A_182 : i32
    %scan3A_184 = arith.constant 8 : i32
    scf.for %scan3A_582 = %scan3A_181 to %scan3A_183 step %scan3A_184  : i32 {
      %add3A_583 = arith.constant 64 : i32
      %add3A_584 = arith.addi %add3A_583, %scan3A_582 : i32
      %dma_start3A_585 = arith.constant 1 : i32
      %dma_start3A_586 = arith.constant 0 : i32
      %dma_start3A_587 = arith.constant 0 : i32
      %dma_start3A_588 = tpu.memref_slice %arg6[%dma_start3A_585, %scan3A_582, %dma_start3A_586, %dma_start3A_587] : memref<3x16x2x1024xf32, #tpu.memory_space<vmem>> -> memref<1x1x2x1024xf32, #tpu.memory_space<vmem>>
      %dma_start3A_589 = tpu.memref_squeeze %dma_start3A_588 : memref<1x1x2x1024xf32, #tpu.memory_space<vmem>> -> memref<2x1024xf32, #tpu.memory_space<vmem>>
      %dma_start3A_590 = arith.constant 0 : i32
      %dma_start3A_591 = tpu.memref_slice %arg5[%add3A_584, %dma_start3A_590] : memref<128x2xi32, #tpu.memory_space<vmem>> -> memref<1x2xi32, #tpu.memory_space<vmem>>
      %dma_start3A_592 = tpu.memref_squeeze %dma_start3A_591 : memref<1x2xi32, #tpu.memory_space<vmem>> -> memref<2xi32, #tpu.memory_space<vmem>>
      %dma_start3A_593 = arith.constant 0 : i32
      %dma_start3A_594 = arith.constant 0 : i32
      %dma_start3A_595 = tpu.memref_slice %arg2[%select_n3A, %dma_start3A_593, %dma_start3A_594] : memref<4x2048x1024xf32, #tpu.memory_space<hbm>> -> memref<1x2048x1024xf32, #tpu.memory_space<hbm>>
      %dma_start3A_596 = tpu.memref_squeeze %dma_start3A_595 : memref<1x2048x1024xf32, #tpu.memory_space<hbm>> -> memref<2048x1024xf32, #tpu.memory_space<hbm>>
      %dma_start3A_597 = arith.constant 0 : i32
      %dma_start3A_598 = arith.constant 0 : i32
      %dma_start3A_599 = tpu.memref_slice %dma_start3A_596[%dma_start3A_597, %dma_start3A_598] : memref<2048x1024xf32, #tpu.memory_space<hbm>> -> memref<2048x1024xf32, #tpu.memory_space<hbm>>
      tpu.enqueue_indirect_dma source(%dma_start3A_599 : memref<2048x1024xf32, #tpu.memory_space<hbm>>) target(%dma_start3A_589 : memref<2x1024xf32, #tpu.memory_space<vmem>>) offsets(%dma_start3A_592 : memref<2xi32, #tpu.memory_space<vmem>>) semaphore(%arg7 : memref<!tpu.dma_semaphore, #tpu.memory_space<semaphore_mem>>)
      %scan3A_600 = arith.constant 1 : i32
      %scan3A_601 = arith.addi %scan3A_582, %scan3A_600 : i32
      %add3A_602 = arith.constant 64 : i32
      %add3A_603 = arith.addi %add3A_602, %scan3A_601 : i32
      %dma_start3A_604 = arith.constant 1 : i32
      %dma_start3A_605 = arith.constant 0 : i32
      %dma_start3A_606 = arith.constant 0 : i32
      %dma_start3A_607 = tpu.memref_slice %arg6[%dma_start3A_604, %scan3A_601, %dma_start3A_605, %dma_start3A_606] : memref<3x16x2x1024xf32, #tpu.memory_space<vmem>> -> memref<1x1x2x1024xf32, #tpu.memory_space<vmem>>
      %dma_start3A_608 = tpu.memref_squeeze %dma_start3A_607 : memref<1x1x2x1024xf32, #tpu.memory_space<vmem>> -> memref<2x1024xf32, #tpu.memory_space<vmem>>
      %dma_start3A_609 = arith.constant 0 : i32
      %dma_start3A_610 = tpu.memref_slice %arg5[%add3A_603, %dma_start3A_609] : memref<128x2xi32, #tpu.memory_space<vmem>> -> memref<1x2xi32, #tpu.memory_space<vmem>>
      %dma_start3A_611 = tpu.memref_squeeze %dma_start3A_610 : memref<1x2xi32, #tpu.memory_space<vmem>> -> memref<2xi32, #tpu.memory_space<vmem>>
      %dma_start3A_612 = arith.constant 0 : i32
      %dma_start3A_613 = arith.constant 0 : i32
      %dma_start3A_614 = tpu.memref_slice %arg2[%select_n3A, %dma_start3A_612, %dma_start3A_613] : memref<4x2048x1024xf32, #tpu.memory_space<hbm>> -> memref<1x2048x1024xf32, #tpu.memory_space<hbm>>
      %dma_start3A_615 = tpu.memref_squeeze %dma_start3A_614 : memref<1x2048x1024xf32, #tpu.memory_space<hbm>> -> memref<2048x1024xf32, #tpu.memory_space<hbm>>
      %dma_start3A_616 = arith.constant 0 : i32
      %dma_start3A_617 = arith.constant 0 : i32
      %dma_start3A_618 = tpu.memref_slice %dma_start3A_615[%dma_start3A_616, %dma_start3A_617] : memref<2048x1024xf32, #tpu.memory_space<hbm>> -> memref<2048x1024xf32, #tpu.memory_space<hbm>>
      tpu.enqueue_indirect_dma source(%dma_start3A_618 : memref<2048x1024xf32, #tpu.memory_space<hbm>>) target(%dma_start3A_608 : memref<2x1024xf32, #tpu.memory_space<vmem>>) offsets(%dma_start3A_611 : memref<2xi32, #tpu.memory_space<vmem>>) semaphore(%arg7 : memref<!tpu.dma_semaphore, #tpu.memory_space<semaphore_mem>>)
      %scan3A_619 = arith.constant 2 : i32
      %scan3A_620 = arith.addi %scan3A_582, %scan3A_619 : i32
      %add3A_621 = arith.constant 64 : i32
      %add3A_622 = arith.addi %add3A_621, %scan3A_620 : i32
      %dma_start3A_623 = arith.constant 1 : i32
      %dma_start3A_624 = arith.constant 0 : i32
      %dma_start3A_625 = arith.constant 0 : i32
      %dma_start3A_626 = tpu.memref_slice %arg6[%dma_start3A_623, %scan3A_620, %dma_start3A_624, %dma_start3A_625] : memref<3x16x2x1024xf32, #tpu.memory_space<vmem>> -> memref<1x1x2x1024xf32, #tpu.memory_space<vmem>>
      %dma_start3A_627 = tpu.memref_squeeze %dma_start3A_626 : memref<1x1x2x1024xf32, #tpu.memory_space<vmem>> -> memref<2x1024xf32, #tpu.memory_space<vmem>>
      %dma_start3A_628 = arith.constant 0 : i32
      %dma_start3A_629 = tpu.memref_slice %arg5[%add3A_622, %dma_start3A_628] : memref<128x2xi32, #tpu.memory_space<vmem>> -> memref<1x2xi32, #tpu.memory_space<vmem>>
      %dma_start3A_630 = tpu.memref_squeeze %dma_start3A_629 : memref<1x2xi32, #tpu.memory_space<vmem>> -> memref<2xi32, #tpu.memory_space<vmem>>
      %dma_start3A_631 = arith.constant 0 : i32
      %dma_start3A_632 = arith.constant 0 : i32
      %dma_start3A_633 = tpu.memref_slice %arg2[%select_n3A, %dma_start3A_631, %dma_start3A_632] : memref<4x2048x1024xf32, #tpu.memory_space<hbm>> -> memref<1x2048x1024xf32, #tpu.memory_space<hbm>>
      %dma_start3A_634 = tpu.memref_squeeze %dma_start3A_633 : memref<1x2048x1024xf32, #tpu.memory_space<hbm>> -> memref<2048x1024xf32, #tpu.memory_space<hbm>>
      %dma_start3A_635 = arith.constant 0 : i32
      %dma_start3A_636 = arith.constant 0 : i32
      %dma_start3A_637 = tpu.memref_slice %dma_start3A_634[%dma_start3A_635, %dma_start3A_636] : memref<2048x1024xf32, #tpu.memory_space<hbm>> -> memref<2048x1024xf32, #tpu.memory_space<hbm>>
      tpu.enqueue_indirect_dma source(%dma_start3A_637 : memref<2048x1024xf32, #tpu.memory_space<hbm>>) target(%dma_start3A_627 : memref<2x1024xf32, #tpu.memory_space<vmem>>) offsets(%dma_start3A_630 : memref<2xi32, #tpu.memory_space<vmem>>) semaphore(%arg7 : memref<!tpu.dma_semaphore, #tpu.memory_space<semaphore_mem>>)
      %scan3A_638 = arith.constant 3 : i32
      %scan3A_639 = arith.addi %scan3A_582, %scan3A_638 : i32
      %add3A_640 = arith.constant 64 : i32
      %add3A_641 = arith.addi %add3A_640, %scan3A_639 : i32
      %dma_start3A_642 = arith.constant 1 : i32
      %dma_start3A_643 = arith.constant 0 : i32
      %dma_start3A_644 = arith.constant 0 : i32
      %dma_start3A_645 = tpu.memref_slice %arg6[%dma_start3A_642, %scan3A_639, %dma_start3A_643, %dma_start3A_644] : memref<3x16x2x1024xf32, #tpu.memory_space<vmem>> -> memref<1x1x2x1024xf32, #tpu.memory_space<vmem>>
      %dma_start3A_646 = tpu.memref_squeeze %dma_start3A_645 : memref<1x1x2x1024xf32, #tpu.memory_space<vmem>> -> memref<2x1024xf32, #tpu.memory_space<vmem>>
      %dma_start3A_647 = arith.constant 0 : i32
      %dma_start3A_648 = tpu.memref_slice %arg5[%add3A_641, %dma_start3A_647] : memref<128x2xi32, #tpu.memory_space<vmem>> -> memref<1x2xi32, #tpu.memory_space<vmem>>
      %dma_start3A_649 = tpu.memref_squeeze %dma_start3A_648 : memref<1x2xi32, #tpu.memory_space<vmem>> -> memref<2xi32, #tpu.memory_space<vmem>>
      %dma_start3A_650 = arith.constant 0 : i32
      %dma_start3A_651 = arith.constant 0 : i32
      %dma_start3A_652 = tpu.memref_slice %arg2[%select_n3A, %dma_start3A_650, %dma_start3A_651] : memref<4x2048x1024xf32, #tpu.memory_space<hbm>> -> memref<1x2048x1024xf32, #tpu.memory_space<hbm>>
      %dma_start3A_653 = tpu.memref_squeeze %dma_start3A_652 : memref<1x2048x1024xf32, #tpu.memory_space<hbm>> -> memref<2048x1024xf32, #tpu.memory_space<hbm>>
      %dma_start3A_654 = arith.constant 0 : i32
      %dma_start3A_655 = arith.constant 0 : i32
      %dma_start3A_656 = tpu.memref_slice %dma_start3A_653[%dma_start3A_654, %dma_start3A_655] : memref<2048x1024xf32, #tpu.memory_space<hbm>> -> memref<2048x1024xf32, #tpu.memory_space<hbm>>
      tpu.enqueue_indirect_dma source(%dma_start3A_656 : memref<2048x1024xf32, #tpu.memory_space<hbm>>) target(%dma_start3A_646 : memref<2x1024xf32, #tpu.memory_space<vmem>>) offsets(%dma_start3A_649 : memref<2xi32, #tpu.memory_space<vmem>>) semaphore(%arg7 : memref<!tpu.dma_semaphore, #tpu.memory_space<semaphore_mem>>)
      %scan3A_657 = arith.constant 4 : i32
      %scan3A_658 = arith.addi %scan3A_582, %scan3A_657 : i32
      %add3A_659 = arith.constant 64 : i32
      %add3A_660 = arith.addi %add3A_659, %scan3A_658 : i32
      %dma_start3A_661 = arith.constant 1 : i32
      %dma_start3A_662 = arith.constant 0 : i32
      %dma_start3A_663 = arith.constant 0 : i32
      %dma_start3A_664 = tpu.memref_slice %arg6[%dma_start3A_661, %scan3A_658, %dma_start3A_662, %dma_start3A_663] : memref<3x16x2x1024xf32, #tpu.memory_space<vmem>> -> memref<1x1x2x1024xf32, #tpu.memory_space<vmem>>
      %dma_start3A_665 = tpu.memref_squeeze %dma_start3A_664 : memref<1x1x2x1024xf32, #tpu.memory_space<vmem>> -> memref<2x1024xf32, #tpu.memory_space<vmem>>
      %dma_start3A_666 = arith.constant 0 : i32
      %dma_start3A_667 = tpu.memref_slice %arg5[%add3A_660, %dma_start3A_666] : memref<128x2xi32, #tpu.memory_space<vmem>> -> memref<1x2xi32, #tpu.memory_space<vmem>>
      %dma_start3A_668 = tpu.memref_squeeze %dma_start3A_667 : memref<1x2xi32, #tpu.memory_space<vmem>> -> memref<2xi32, #tpu.memory_space<vmem>>
      %dma_start3A_669 = arith.constant 0 : i32
      %dma_start3A_670 = arith.constant 0 : i32
      %dma_start3A_671 = tpu.memref_slice %arg2[%select_n3A, %dma_start3A_669, %dma_start3A_670] : memref<4x2048x1024xf32, #tpu.memory_space<hbm>> -> memref<1x2048x1024xf32, #tpu.memory_space<hbm>>
      %dma_start3A_672 = tpu.memref_squeeze %dma_start3A_671 : memref<1x2048x1024xf32, #tpu.memory_space<hbm>> -> memref<2048x1024xf32, #tpu.memory_space<hbm>>
      %dma_start3A_673 = arith.constant 0 : i32
      %dma_start3A_674 = arith.constant 0 : i32
      %dma_start3A_675 = tpu.memref_slice %dma_start3A_672[%dma_start3A_673, %dma_start3A_674] : memref<2048x1024xf32, #tpu.memory_space<hbm>> -> memref<2048x1024xf32, #tpu.memory_space<hbm>>
      tpu.enqueue_indirect_dma source(%dma_start3A_675 : memref<2048x1024xf32, #tpu.memory_space<hbm>>) target(%dma_start3A_665 : memref<2x1024xf32, #tpu.memory_space<vmem>>) offsets(%dma_start3A_668 : memref<2xi32, #tpu.memory_space<vmem>>) semaphore(%arg7 : memref<!tpu.dma_semaphore, #tpu.memory_space<semaphore_mem>>)
      %scan3A_676 = arith.constant 5 : i32
      %scan3A_677 = arith.addi %scan3A_582, %scan3A_676 : i32
      %add3A_678 = arith.constant 64 : i32
      %add3A_679 = arith.addi %add3A_678, %scan3A_677 : i32
      %dma_start3A_680 = arith.constant 1 : i32
      %dma_start3A_681 = arith.constant 0 : i32
      %dma_start3A_682 = arith.constant 0 : i32
      %dma_start3A_683 = tpu.memref_slice %arg6[%dma_start3A_680, %scan3A_677, %dma_start3A_681, %dma_start3A_682] : memref<3x16x2x1024xf32, #tpu.memory_space<vmem>> -> memref<1x1x2x1024xf32, #tpu.memory_space<vmem>>
      %dma_start3A_684 = tpu.memref_squeeze %dma_start3A_683 : memref<1x1x2x1024xf32, #tpu.memory_space<vmem>> -> memref<2x1024xf32, #tpu.memory_space<vmem>>
      %dma_start3A_685 = arith.constant 0 : i32
      %dma_start3A_686 = tpu.memref_slice %arg5[%add3A_679, %dma_start3A_685] : memref<128x2xi32, #tpu.memory_space<vmem>> -> memref<1x2xi32, #tpu.memory_space<vmem>>
      %dma_start3A_687 = tpu.memref_squeeze %dma_start3A_686 : memref<1x2xi32, #tpu.memory_space<vmem>> -> memref<2xi32, #tpu.memory_space<vmem>>
      %dma_start3A_688 = arith.constant 0 : i32
      %dma_start3A_689 = arith.constant 0 : i32
      %dma_start3A_690 = tpu.memref_slice %arg2[%select_n3A, %dma_start3A_688, %dma_start3A_689] : memref<4x2048x1024xf32, #tpu.memory_space<hbm>> -> memref<1x2048x1024xf32, #tpu.memory_space<hbm>>
      %dma_start3A_691 = tpu.memref_squeeze %dma_start3A_690 : memref<1x2048x1024xf32, #tpu.memory_space<hbm>> -> memref<2048x1024xf32, #tpu.memory_space<hbm>>
      %dma_start3A_692 = arith.constant 0 : i32
      %dma_start3A_693 = arith.constant 0 : i32
      %dma_start3A_694 = tpu.memref_slice %dma_start3A_691[%dma_start3A_692, %dma_start3A_693] : memref<2048x1024xf32, #tpu.memory_space<hbm>> -> memref<2048x1024xf32, #tpu.memory_space<hbm>>
      tpu.enqueue_indirect_dma source(%dma_start3A_694 : memref<2048x1024xf32, #tpu.memory_space<hbm>>) target(%dma_start3A_684 : memref<2x1024xf32, #tpu.memory_space<vmem>>) offsets(%dma_start3A_687 : memref<2xi32, #tpu.memory_space<vmem>>) semaphore(%arg7 : memref<!tpu.dma_semaphore, #tpu.memory_space<semaphore_mem>>)
      %scan3A_695 = arith.constant 6 : i32
      %scan3A_696 = arith.addi %scan3A_582, %scan3A_695 : i32
      %add3A_697 = arith.constant 64 : i32
      %add3A_698 = arith.addi %add3A_697, %scan3A_696 : i32
      %dma_start3A_699 = arith.constant 1 : i32
      %dma_start3A_700 = arith.constant 0 : i32
      %dma_start3A_701 = arith.constant 0 : i32
      %dma_start3A_702 = tpu.memref_slice %arg6[%dma_start3A_699, %scan3A_696, %dma_start3A_700, %dma_start3A_701] : memref<3x16x2x1024xf32, #tpu.memory_space<vmem>> -> memref<1x1x2x1024xf32, #tpu.memory_space<vmem>>
      %dma_start3A_703 = tpu.memref_squeeze %dma_start3A_702 : memref<1x1x2x1024xf32, #tpu.memory_space<vmem>> -> memref<2x1024xf32, #tpu.memory_space<vmem>>
      %dma_start3A_704 = arith.constant 0 : i32
      %dma_start3A_705 = tpu.memref_slice %arg5[%add3A_698, %dma_start3A_704] : memref<128x2xi32, #tpu.memory_space<vmem>> -> memref<1x2xi32, #tpu.memory_space<vmem>>
      %dma_start3A_706 = tpu.memref_squeeze %dma_start3A_705 : memref<1x2xi32, #tpu.memory_space<vmem>> -> memref<2xi32, #tpu.memory_space<vmem>>
      %dma_start3A_707 = arith.constant 0 : i32
      %dma_start3A_708 = arith.constant 0 : i32
      %dma_start3A_709 = tpu.memref_slice %arg2[%select_n3A, %dma_start3A_707, %dma_start3A_708] : memref<4x2048x1024xf32, #tpu.memory_space<hbm>> -> memref<1x2048x1024xf32, #tpu.memory_space<hbm>>
      %dma_start3A_710 = tpu.memref_squeeze %dma_start3A_709 : memref<1x2048x1024xf32, #tpu.memory_space<hbm>> -> memref<2048x1024xf32, #tpu.memory_space<hbm>>
      %dma_start3A_711 = arith.constant 0 : i32
      %dma_start3A_712 = arith.constant 0 : i32
      %dma_start3A_713 = tpu.memref_slice %dma_start3A_710[%dma_start3A_711, %dma_start3A_712] : memref<2048x1024xf32, #tpu.memory_space<hbm>> -> memref<2048x1024xf32, #tpu.memory_space<hbm>>
      tpu.enqueue_indirect_dma source(%dma_start3A_713 : memref<2048x1024xf32, #tpu.memory_space<hbm>>) target(%dma_start3A_703 : memref<2x1024xf32, #tpu.memory_space<vmem>>) offsets(%dma_start3A_706 : memref<2xi32, #tpu.memory_space<vmem>>) semaphore(%arg7 : memref<!tpu.dma_semaphore, #tpu.memory_space<semaphore_mem>>)
      %scan3A_714 = arith.constant 7 : i32
      %scan3A_715 = arith.addi %scan3A_582, %scan3A_714 : i32
      %add3A_716 = arith.constant 64 : i32
      %add3A_717 = arith.addi %add3A_716, %scan3A_715 : i32
      %dma_start3A_718 = arith.constant 1 : i32
      %dma_start3A_719 = arith.constant 0 : i32
      %dma_start3A_720 = arith.constant 0 : i32
      %dma_start3A_721 = tpu.memref_slice %arg6[%dma_start3A_718, %scan3A_715, %dma_start3A_719, %dma_start3A_720] : memref<3x16x2x1024xf32, #tpu.memory_space<vmem>> -> memref<1x1x2x1024xf32, #tpu.memory_space<vmem>>
      %dma_start3A_722 = tpu.memref_squeeze %dma_start3A_721 : memref<1x1x2x1024xf32, #tpu.memory_space<vmem>> -> memref<2x1024xf32, #tpu.memory_space<vmem>>
      %dma_start3A_723 = arith.constant 0 : i32
      %dma_start3A_724 = tpu.memref_slice %arg5[%add3A_717, %dma_start3A_723] : memref<128x2xi32, #tpu.memory_space<vmem>> -> memref<1x2xi32, #tpu.memory_space<vmem>>
      %dma_start3A_725 = tpu.memref_squeeze %dma_start3A_724 : memref<1x2xi32, #tpu.memory_space<vmem>> -> memref<2xi32, #tpu.memory_space<vmem>>
      %dma_start3A_726 = arith.constant 0 : i32
      %dma_start3A_727 = arith.constant 0 : i32
      %dma_start3A_728 = tpu.memref_slice %arg2[%select_n3A, %dma_start3A_726, %dma_start3A_727] : memref<4x2048x1024xf32, #tpu.memory_space<hbm>> -> memref<1x2048x1024xf32, #tpu.memory_space<hbm>>
      %dma_start3A_729 = tpu.memref_squeeze %dma_start3A_728 : memref<1x2048x1024xf32, #tpu.memory_space<hbm>> -> memref<2048x1024xf32, #tpu.memory_space<hbm>>
      %dma_start3A_730 = arith.constant 0 : i32
      %dma_start3A_731 = arith.constant 0 : i32
      %dma_start3A_732 = tpu.memref_slice %dma_start3A_729[%dma_start3A_730, %dma_start3A_731] : memref<2048x1024xf32, #tpu.memory_space<hbm>> -> memref<2048x1024xf32, #tpu.memory_space<hbm>>
      tpu.enqueue_indirect_dma source(%dma_start3A_732 : memref<2048x1024xf32, #tpu.memory_space<hbm>>) target(%dma_start3A_722 : memref<2x1024xf32, #tpu.memory_space<vmem>>) offsets(%dma_start3A_725 : memref<2xi32, #tpu.memory_space<vmem>>) semaphore(%arg7 : memref<!tpu.dma_semaphore, #tpu.memory_space<semaphore_mem>>)
    }
    %scan3A_185 = arith.constant 16 : i32
    %add3A_186 = arith.constant 0 : i32
    %add3A_187 = arith.addi %mul3A_32, %add3A_186 : i32
    %dma_wait3A_188 = arith.constant 2 : i32
    %dma_wait3A_189 = arith.constant 0 : i32
    %dma_wait3A_190 = arith.constant 0 : i32
    %dma_wait3A_191 = arith.constant 0 : i32
    %dma_wait3A_192 = tpu.memref_slice %arg6[%dma_wait3A_188, %dma_wait3A_189, %dma_wait3A_190, %dma_wait3A_191] : memref<3x16x2x1024xf32, #tpu.memory_space<vmem>> -> memref<1x16x2x1024xf32, #tpu.memory_space<vmem>>
    %dma_wait3A_193 = tpu.memref_squeeze %dma_wait3A_192 : memref<1x16x2x1024xf32, #tpu.memory_space<vmem>> -> memref<16x2x1024xf32, #tpu.memory_space<vmem>>
    %dma_wait3A_194 = arith.constant 0 : i32
    %dma_wait3A_195 = arith.constant 0 : i32
    %dma_wait3A_196 = tpu.memref_slice %arg4[%select_n3A, %add3A_187, %dma_wait3A_194, %dma_wait3A_195] : memref<4x1024x2x1024xf32, #tpu.memory_space<hbm>> -> memref<1x16x2x1024xf32, #tpu.memory_space<hbm>>
    %dma_wait3A_197 = tpu.memref_squeeze %dma_wait3A_196 : memref<1x16x2x1024xf32, #tpu.memory_space<hbm>> -> memref<16x2x1024xf32, #tpu.memory_space<hbm>>
    %dma_wait3A_198 = arith.constant 0 : i32
    %dma_wait3A_199 = arith.constant 0 : i32
    %dma_wait3A_200 = arith.constant 0 : i32
    %dma_wait3A_201 = tpu.memref_slice %arg6[%dma_wait3A_188, %dma_wait3A_198, %dma_wait3A_199, %dma_wait3A_200] : memref<3x16x2x1024xf32, #tpu.memory_space<vmem>> -> memref<1x16x2x1024xf32, #tpu.memory_space<vmem>>
    %dma_wait3A_202 = tpu.memref_squeeze %dma_wait3A_201 : memref<1x16x2x1024xf32, #tpu.memory_space<vmem>> -> memref<16x2x1024xf32, #tpu.memory_space<vmem>>
    %dma_wait3A_203 = arith.constant 0 : i32
    %dma_wait3A_204 = arith.constant 0 : i32
    %dma_wait3A_205 = tpu.memref_slice %arg4[%select_n3A, %add3A_187, %dma_wait3A_203, %dma_wait3A_204] : memref<4x1024x2x1024xf32, #tpu.memory_space<hbm>> -> memref<1x16x2x1024xf32, #tpu.memory_space<hbm>>
    %dma_wait3A_206 = tpu.memref_squeeze %dma_wait3A_205 : memref<1x16x2x1024xf32, #tpu.memory_space<hbm>> -> memref<16x2x1024xf32, #tpu.memory_space<hbm>>
    tpu.wait_dma2 semaphore(%arg7 : memref<!tpu.dma_semaphore, #tpu.memory_space<semaphore_mem>>) src(%dma_wait3A_206 : memref<16x2x1024xf32, #tpu.memory_space<hbm>>) dst(%dma_wait3A_202 : memref<16x2x1024xf32, #tpu.memory_space<vmem>>)
    %add3A_207 = arith.constant 32 : i32
    %add3A_208 = arith.addi %mul3A_32, %add3A_207 : i32
    %dma_start3A_209 = arith.constant 2 : i32
    %dma_start3A_210 = arith.constant 0 : i32
    %dma_start3A_211 = arith.constant 0 : i32
    %dma_start3A_212 = arith.constant 0 : i32
    %dma_start3A_213 = tpu.memref_slice %arg6[%dma_start3A_209, %dma_start3A_210, %dma_start3A_211, %dma_start3A_212] : memref<3x16x2x1024xf32, #tpu.memory_space<vmem>> -> memref<1x16x2x1024xf32, #tpu.memory_space<vmem>>
    %dma_start3A_214 = tpu.memref_squeeze %dma_start3A_213 : memref<1x16x2x1024xf32, #tpu.memory_space<vmem>> -> memref<16x2x1024xf32, #tpu.memory_space<vmem>>
    %dma_start3A_215 = arith.constant 0 : i32
    %dma_start3A_216 = arith.constant 0 : i32
    %dma_start3A_217 = tpu.memref_slice %arg4[%select_n3A, %add3A_208, %dma_start3A_215, %dma_start3A_216] : memref<4x1024x2x1024xf32, #tpu.memory_space<hbm>> -> memref<1x16x2x1024xf32, #tpu.memory_space<hbm>>
    %dma_start3A_218 = tpu.memref_squeeze %dma_start3A_217 : memref<1x16x2x1024xf32, #tpu.memory_space<hbm>> -> memref<16x2x1024xf32, #tpu.memory_space<hbm>>
    %dma_start3A_219 = arith.constant 0 : i32
    %dma_start3A_220 = arith.constant 0 : i32
    %dma_start3A_221 = tpu.memref_slice %arg4[%select_n3A, %add3A_208, %dma_start3A_219, %dma_start3A_220] : memref<4x1024x2x1024xf32, #tpu.memory_space<hbm>> -> memref<1x16x2x1024xf32, #tpu.memory_space<hbm>>
    %dma_start3A_222 = tpu.memref_squeeze %dma_start3A_221 : memref<1x16x2x1024xf32, #tpu.memory_space<hbm>> -> memref<16x2x1024xf32, #tpu.memory_space<hbm>>
    %dma_start3A_223 = arith.constant 0 : i32
    %dma_start3A_224 = arith.constant 0 : i32
    %dma_start3A_225 = arith.constant 0 : i32
    %dma_start3A_226 = tpu.memref_slice %arg6[%dma_start3A_209, %dma_start3A_223, %dma_start3A_224, %dma_start3A_225] : memref<3x16x2x1024xf32, #tpu.memory_space<vmem>> -> memref<1x16x2x1024xf32, #tpu.memory_space<vmem>>
    %dma_start3A_227 = tpu.memref_squeeze %dma_start3A_226 : memref<1x16x2x1024xf32, #tpu.memory_space<vmem>> -> memref<16x2x1024xf32, #tpu.memory_space<vmem>>
    tpu.enqueue_dma source(%dma_start3A_227 : memref<16x2x1024xf32, #tpu.memory_space<vmem>>) target(%dma_start3A_222 : memref<16x2x1024xf32, #tpu.memory_space<hbm>>) target_semaphore(%arg8 : memref<!tpu.dma_semaphore, #tpu.memory_space<semaphore_mem>>)
    %add3A_228 = arith.constant 0 : i32
    %add3A_229 = arith.addi %mul3A_32, %add3A_228 : i32
    %dma_wait3A_230 = arith.constant 2 : i32
    %dma_wait3A_231 = arith.constant 0 : i32
    %dma_wait3A_232 = arith.constant 0 : i32
    %dma_wait3A_233 = arith.constant 0 : i32
    %dma_wait3A_234 = tpu.memref_slice %arg6[%dma_wait3A_230, %dma_wait3A_231, %dma_wait3A_232, %dma_wait3A_233] : memref<3x16x2x1024xf32, #tpu.memory_space<vmem>> -> memref<1x16x2x1024xf32, #tpu.memory_space<vmem>>
    %dma_wait3A_235 = tpu.memref_squeeze %dma_wait3A_234 : memref<1x16x2x1024xf32, #tpu.memory_space<vmem>> -> memref<16x2x1024xf32, #tpu.memory_space<vmem>>
    %dma_wait3A_236 = arith.constant 0 : i32
    %dma_wait3A_237 = arith.constant 0 : i32
    %dma_wait3A_238 = tpu.memref_slice %arg4[%select_n3A, %add3A_229, %dma_wait3A_236, %dma_wait3A_237] : memref<4x1024x2x1024xf32, #tpu.memory_space<hbm>> -> memref<1x16x2x1024xf32, #tpu.memory_space<hbm>>
    %dma_wait3A_239 = tpu.memref_squeeze %dma_wait3A_238 : memref<1x16x2x1024xf32, #tpu.memory_space<hbm>> -> memref<16x2x1024xf32, #tpu.memory_space<hbm>>
    %dma_wait3A_240 = arith.constant 0 : i32
    %dma_wait3A_241 = arith.constant 0 : i32
    %dma_wait3A_242 = arith.constant 0 : i32
    %dma_wait3A_243 = tpu.memref_slice %arg6[%dma_wait3A_230, %dma_wait3A_240, %dma_wait3A_241, %dma_wait3A_242] : memref<3x16x2x1024xf32, #tpu.memory_space<vmem>> -> memref<1x16x2x1024xf32, #tpu.memory_space<vmem>>
    %dma_wait3A_244 = tpu.memref_squeeze %dma_wait3A_243 : memref<1x16x2x1024xf32, #tpu.memory_space<vmem>> -> memref<16x2x1024xf32, #tpu.memory_space<vmem>>
    %dma_wait3A_245 = arith.constant 0 : i32
    %dma_wait3A_246 = arith.constant 0 : i32
    %dma_wait3A_247 = tpu.memref_slice %arg4[%select_n3A, %add3A_229, %dma_wait3A_245, %dma_wait3A_246] : memref<4x1024x2x1024xf32, #tpu.memory_space<hbm>> -> memref<1x16x2x1024xf32, #tpu.memory_space<hbm>>
    %dma_wait3A_248 = tpu.memref_squeeze %dma_wait3A_247 : memref<1x16x2x1024xf32, #tpu.memory_space<hbm>> -> memref<16x2x1024xf32, #tpu.memory_space<hbm>>
    tpu.wait_dma2 semaphore(%arg8 : memref<!tpu.dma_semaphore, #tpu.memory_space<semaphore_mem>>) src(%dma_wait3A_248 : memref<16x2x1024xf32, #tpu.memory_space<hbm>>) dst(%dma_wait3A_244 : memref<16x2x1024xf32, #tpu.memory_space<vmem>>)
    %scan3A_249 = arith.constant 0 : i32
    %scan3A_250 = arith.constant 0 : i32
    %scan3A_251 = arith.constant 16 : i32
    %scan3A_252 = arith.addi %scan3A_250, %scan3A_251 : i32
    %scan3A_253 = arith.constant 8 : i32
    scf.for %scan3A_582 = %scan3A_250 to %scan3A_252 step %scan3A_253  : i32 {
      %add3A_583 = arith.constant 80 : i32
      %add3A_584 = arith.addi %add3A_583, %scan3A_582 : i32
      %dma_start3A_585 = arith.constant 2 : i32
      %dma_start3A_586 = arith.constant 0 : i32
      %dma_start3A_587 = arith.constant 0 : i32
      %dma_start3A_588 = tpu.memref_slice %arg6[%dma_start3A_585, %scan3A_582, %dma_start3A_586, %dma_start3A_587] : memref<3x16x2x1024xf32, #tpu.memory_space<vmem>> -> memref<1x1x2x1024xf32, #tpu.memory_space<vmem>>
      %dma_start3A_589 = tpu.memref_squeeze %dma_start3A_588 : memref<1x1x2x1024xf32, #tpu.memory_space<vmem>> -> memref<2x1024xf32, #tpu.memory_space<vmem>>
      %dma_start3A_590 = arith.constant 0 : i32
      %dma_start3A_591 = tpu.memref_slice %arg5[%add3A_584, %dma_start3A_590] : memref<128x2xi32, #tpu.memory_space<vmem>> -> memref<1x2xi32, #tpu.memory_space<vmem>>
      %dma_start3A_592 = tpu.memref_squeeze %dma_start3A_591 : memref<1x2xi32, #tpu.memory_space<vmem>> -> memref<2xi32, #tpu.memory_space<vmem>>
      %dma_start3A_593 = arith.constant 0 : i32
      %dma_start3A_594 = arith.constant 0 : i32
      %dma_start3A_595 = tpu.memref_slice %arg2[%select_n3A, %dma_start3A_593, %dma_start3A_594] : memref<4x2048x1024xf32, #tpu.memory_space<hbm>> -> memref<1x2048x1024xf32, #tpu.memory_space<hbm>>
      %dma_start3A_596 = tpu.memref_squeeze %dma_start3A_595 : memref<1x2048x1024xf32, #tpu.memory_space<hbm>> -> memref<2048x1024xf32, #tpu.memory_space<hbm>>
      %dma_start3A_597 = arith.constant 0 : i32
      %dma_start3A_598 = arith.constant 0 : i32
      %dma_start3A_599 = tpu.memref_slice %dma_start3A_596[%dma_start3A_597, %dma_start3A_598] : memref<2048x1024xf32, #tpu.memory_space<hbm>> -> memref<2048x1024xf32, #tpu.memory_space<hbm>>
      tpu.enqueue_indirect_dma source(%dma_start3A_599 : memref<2048x1024xf32, #tpu.memory_space<hbm>>) target(%dma_start3A_589 : memref<2x1024xf32, #tpu.memory_space<vmem>>) offsets(%dma_start3A_592 : memref<2xi32, #tpu.memory_space<vmem>>) semaphore(%arg7 : memref<!tpu.dma_semaphore, #tpu.memory_space<semaphore_mem>>)
      %scan3A_600 = arith.constant 1 : i32
      %scan3A_601 = arith.addi %scan3A_582, %scan3A_600 : i32
      %add3A_602 = arith.constant 80 : i32
      %add3A_603 = arith.addi %add3A_602, %scan3A_601 : i32
      %dma_start3A_604 = arith.constant 2 : i32
      %dma_start3A_605 = arith.constant 0 : i32
      %dma_start3A_606 = arith.constant 0 : i32
      %dma_start3A_607 = tpu.memref_slice %arg6[%dma_start3A_604, %scan3A_601, %dma_start3A_605, %dma_start3A_606] : memref<3x16x2x1024xf32, #tpu.memory_space<vmem>> -> memref<1x1x2x1024xf32, #tpu.memory_space<vmem>>
      %dma_start3A_608 = tpu.memref_squeeze %dma_start3A_607 : memref<1x1x2x1024xf32, #tpu.memory_space<vmem>> -> memref<2x1024xf32, #tpu.memory_space<vmem>>
      %dma_start3A_609 = arith.constant 0 : i32
      %dma_start3A_610 = tpu.memref_slice %arg5[%add3A_603, %dma_start3A_609] : memref<128x2xi32, #tpu.memory_space<vmem>> -> memref<1x2xi32, #tpu.memory_space<vmem>>
      %dma_start3A_611 = tpu.memref_squeeze %dma_start3A_610 : memref<1x2xi32, #tpu.memory_space<vmem>> -> memref<2xi32, #tpu.memory_space<vmem>>
      %dma_start3A_612 = arith.constant 0 : i32
      %dma_start3A_613 = arith.constant 0 : i32
      %dma_start3A_614 = tpu.memref_slice %arg2[%select_n3A, %dma_start3A_612, %dma_start3A_613] : memref<4x2048x1024xf32, #tpu.memory_space<hbm>> -> memref<1x2048x1024xf32, #tpu.memory_space<hbm>>
      %dma_start3A_615 = tpu.memref_squeeze %dma_start3A_614 : memref<1x2048x1024xf32, #tpu.memory_space<hbm>> -> memref<2048x1024xf32, #tpu.memory_space<hbm>>
      %dma_start3A_616 = arith.constant 0 : i32
      %dma_start3A_617 = arith.constant 0 : i32
      %dma_start3A_618 = tpu.memref_slice %dma_start3A_615[%dma_start3A_616, %dma_start3A_617] : memref<2048x1024xf32, #tpu.memory_space<hbm>> -> memref<2048x1024xf32, #tpu.memory_space<hbm>>
      tpu.enqueue_indirect_dma source(%dma_start3A_618 : memref<2048x1024xf32, #tpu.memory_space<hbm>>) target(%dma_start3A_608 : memref<2x1024xf32, #tpu.memory_space<vmem>>) offsets(%dma_start3A_611 : memref<2xi32, #tpu.memory_space<vmem>>) semaphore(%arg7 : memref<!tpu.dma_semaphore, #tpu.memory_space<semaphore_mem>>)
      %scan3A_619 = arith.constant 2 : i32
      %scan3A_620 = arith.addi %scan3A_582, %scan3A_619 : i32
      %add3A_621 = arith.constant 80 : i32
      %add3A_622 = arith.addi %add3A_621, %scan3A_620 : i32
      %dma_start3A_623 = arith.constant 2 : i32
      %dma_start3A_624 = arith.constant 0 : i32
      %dma_start3A_625 = arith.constant 0 : i32
      %dma_start3A_626 = tpu.memref_slice %arg6[%dma_start3A_623, %scan3A_620, %dma_start3A_624, %dma_start3A_625] : memref<3x16x2x1024xf32, #tpu.memory_space<vmem>> -> memref<1x1x2x1024xf32, #tpu.memory_space<vmem>>
      %dma_start3A_627 = tpu.memref_squeeze %dma_start3A_626 : memref<1x1x2x1024xf32, #tpu.memory_space<vmem>> -> memref<2x1024xf32, #tpu.memory_space<vmem>>
      %dma_start3A_628 = arith.constant 0 : i32
      %dma_start3A_629 = tpu.memref_slice %arg5[%add3A_622, %dma_start3A_628] : memref<128x2xi32, #tpu.memory_space<vmem>> -> memref<1x2xi32, #tpu.memory_space<vmem>>
      %dma_start3A_630 = tpu.memref_squeeze %dma_start3A_629 : memref<1x2xi32, #tpu.memory_space<vmem>> -> memref<2xi32, #tpu.memory_space<vmem>>
      %dma_start3A_631 = arith.constant 0 : i32
      %dma_start3A_632 = arith.constant 0 : i32
      %dma_start3A_633 = tpu.memref_slice %arg2[%select_n3A, %dma_start3A_631, %dma_start3A_632] : memref<4x2048x1024xf32, #tpu.memory_space<hbm>> -> memref<1x2048x1024xf32, #tpu.memory_space<hbm>>
      %dma_start3A_634 = tpu.memref_squeeze %dma_start3A_633 : memref<1x2048x1024xf32, #tpu.memory_space<hbm>> -> memref<2048x1024xf32, #tpu.memory_space<hbm>>
      %dma_start3A_635 = arith.constant 0 : i32
      %dma_start3A_636 = arith.constant 0 : i32
      %dma_start3A_637 = tpu.memref_slice %dma_start3A_634[%dma_start3A_635, %dma_start3A_636] : memref<2048x1024xf32, #tpu.memory_space<hbm>> -> memref<2048x1024xf32, #tpu.memory_space<hbm>>
      tpu.enqueue_indirect_dma source(%dma_start3A_637 : memref<2048x1024xf32, #tpu.memory_space<hbm>>) target(%dma_start3A_627 : memref<2x1024xf32, #tpu.memory_space<vmem>>) offsets(%dma_start3A_630 : memref<2xi32, #tpu.memory_space<vmem>>) semaphore(%arg7 : memref<!tpu.dma_semaphore, #tpu.memory_space<semaphore_mem>>)
      %scan3A_638 = arith.constant 3 : i32
      %scan3A_639 = arith.addi %scan3A_582, %scan3A_638 : i32
      %add3A_640 = arith.constant 80 : i32
      %add3A_641 = arith.addi %add3A_640, %scan3A_639 : i32
      %dma_start3A_642 = arith.constant 2 : i32
      %dma_start3A_643 = arith.constant 0 : i32
      %dma_start3A_644 = arith.constant 0 : i32
      %dma_start3A_645 = tpu.memref_slice %arg6[%dma_start3A_642, %scan3A_639, %dma_start3A_643, %dma_start3A_644] : memref<3x16x2x1024xf32, #tpu.memory_space<vmem>> -> memref<1x1x2x1024xf32, #tpu.memory_space<vmem>>
      %dma_start3A_646 = tpu.memref_squeeze %dma_start3A_645 : memref<1x1x2x1024xf32, #tpu.memory_space<vmem>> -> memref<2x1024xf32, #tpu.memory_space<vmem>>
      %dma_start3A_647 = arith.constant 0 : i32
      %dma_start3A_648 = tpu.memref_slice %arg5[%add3A_641, %dma_start3A_647] : memref<128x2xi32, #tpu.memory_space<vmem>> -> memref<1x2xi32, #tpu.memory_space<vmem>>
      %dma_start3A_649 = tpu.memref_squeeze %dma_start3A_648 : memref<1x2xi32, #tpu.memory_space<vmem>> -> memref<2xi32, #tpu.memory_space<vmem>>
      %dma_start3A_650 = arith.constant 0 : i32
      %dma_start3A_651 = arith.constant 0 : i32
      %dma_start3A_652 = tpu.memref_slice %arg2[%select_n3A, %dma_start3A_650, %dma_start3A_651] : memref<4x2048x1024xf32, #tpu.memory_space<hbm>> -> memref<1x2048x1024xf32, #tpu.memory_space<hbm>>
      %dma_start3A_653 = tpu.memref_squeeze %dma_start3A_652 : memref<1x2048x1024xf32, #tpu.memory_space<hbm>> -> memref<2048x1024xf32, #tpu.memory_space<hbm>>
      %dma_start3A_654 = arith.constant 0 : i32
      %dma_start3A_655 = arith.constant 0 : i32
      %dma_start3A_656 = tpu.memref_slice %dma_start3A_653[%dma_start3A_654, %dma_start3A_655] : memref<2048x1024xf32, #tpu.memory_space<hbm>> -> memref<2048x1024xf32, #tpu.memory_space<hbm>>
      tpu.enqueue_indirect_dma source(%dma_start3A_656 : memref<2048x1024xf32, #tpu.memory_space<hbm>>) target(%dma_start3A_646 : memref<2x1024xf32, #tpu.memory_space<vmem>>) offsets(%dma_start3A_649 : memref<2xi32, #tpu.memory_space<vmem>>) semaphore(%arg7 : memref<!tpu.dma_semaphore, #tpu.memory_space<semaphore_mem>>)
      %scan3A_657 = arith.constant 4 : i32
      %scan3A_658 = arith.addi %scan3A_582, %scan3A_657 : i32
      %add3A_659 = arith.constant 80 : i32
      %add3A_660 = arith.addi %add3A_659, %scan3A_658 : i32
      %dma_start3A_661 = arith.constant 2 : i32
      %dma_start3A_662 = arith.constant 0 : i32
      %dma_start3A_663 = arith.constant 0 : i32
      %dma_start3A_664 = tpu.memref_slice %arg6[%dma_start3A_661, %scan3A_658, %dma_start3A_662, %dma_start3A_663] : memref<3x16x2x1024xf32, #tpu.memory_space<vmem>> -> memref<1x1x2x1024xf32, #tpu.memory_space<vmem>>
      %dma_start3A_665 = tpu.memref_squeeze %dma_start3A_664 : memref<1x1x2x1024xf32, #tpu.memory_space<vmem>> -> memref<2x1024xf32, #tpu.memory_space<vmem>>
      %dma_start3A_666 = arith.constant 0 : i32
      %dma_start3A_667 = tpu.memref_slice %arg5[%add3A_660, %dma_start3A_666] : memref<128x2xi32, #tpu.memory_space<vmem>> -> memref<1x2xi32, #tpu.memory_space<vmem>>
      %dma_start3A_668 = tpu.memref_squeeze %dma_start3A_667 : memref<1x2xi32, #tpu.memory_space<vmem>> -> memref<2xi32, #tpu.memory_space<vmem>>
      %dma_start3A_669 = arith.constant 0 : i32
      %dma_start3A_670 = arith.constant 0 : i32
      %dma_start3A_671 = tpu.memref_slice %arg2[%select_n3A, %dma_start3A_669, %dma_start3A_670] : memref<4x2048x1024xf32, #tpu.memory_space<hbm>> -> memref<1x2048x1024xf32, #tpu.memory_space<hbm>>
      %dma_start3A_672 = tpu.memref_squeeze %dma_start3A_671 : memref<1x2048x1024xf32, #tpu.memory_space<hbm>> -> memref<2048x1024xf32, #tpu.memory_space<hbm>>
      %dma_start3A_673 = arith.constant 0 : i32
      %dma_start3A_674 = arith.constant 0 : i32
      %dma_start3A_675 = tpu.memref_slice %dma_start3A_672[%dma_start3A_673, %dma_start3A_674] : memref<2048x1024xf32, #tpu.memory_space<hbm>> -> memref<2048x1024xf32, #tpu.memory_space<hbm>>
      tpu.enqueue_indirect_dma source(%dma_start3A_675 : memref<2048x1024xf32, #tpu.memory_space<hbm>>) target(%dma_start3A_665 : memref<2x1024xf32, #tpu.memory_space<vmem>>) offsets(%dma_start3A_668 : memref<2xi32, #tpu.memory_space<vmem>>) semaphore(%arg7 : memref<!tpu.dma_semaphore, #tpu.memory_space<semaphore_mem>>)
      %scan3A_676 = arith.constant 5 : i32
      %scan3A_677 = arith.addi %scan3A_582, %scan3A_676 : i32
      %add3A_678 = arith.constant 80 : i32
      %add3A_679 = arith.addi %add3A_678, %scan3A_677 : i32
      %dma_start3A_680 = arith.constant 2 : i32
      %dma_start3A_681 = arith.constant 0 : i32
      %dma_start3A_682 = arith.constant 0 : i32
      %dma_start3A_683 = tpu.memref_slice %arg6[%dma_start3A_680, %scan3A_677, %dma_start3A_681, %dma_start3A_682] : memref<3x16x2x1024xf32, #tpu.memory_space<vmem>> -> memref<1x1x2x1024xf32, #tpu.memory_space<vmem>>
      %dma_start3A_684 = tpu.memref_squeeze %dma_start3A_683 : memref<1x1x2x1024xf32, #tpu.memory_space<vmem>> -> memref<2x1024xf32, #tpu.memory_space<vmem>>
      %dma_start3A_685 = arith.constant 0 : i32
      %dma_start3A_686 = tpu.memref_slice %arg5[%add3A_679, %dma_start3A_685] : memref<128x2xi32, #tpu.memory_space<vmem>> -> memref<1x2xi32, #tpu.memory_space<vmem>>
      %dma_start3A_687 = tpu.memref_squeeze %dma_start3A_686 : memref<1x2xi32, #tpu.memory_space<vmem>> -> memref<2xi32, #tpu.memory_space<vmem>>
      %dma_start3A_688 = arith.constant 0 : i32
      %dma_start3A_689 = arith.constant 0 : i32
      %dma_start3A_690 = tpu.memref_slice %arg2[%select_n3A, %dma_start3A_688, %dma_start3A_689] : memref<4x2048x1024xf32, #tpu.memory_space<hbm>> -> memref<1x2048x1024xf32, #tpu.memory_space<hbm>>
      %dma_start3A_691 = tpu.memref_squeeze %dma_start3A_690 : memref<1x2048x1024xf32, #tpu.memory_space<hbm>> -> memref<2048x1024xf32, #tpu.memory_space<hbm>>
      %dma_start3A_692 = arith.constant 0 : i32
      %dma_start3A_693 = arith.constant 0 : i32
      %dma_start3A_694 = tpu.memref_slice %dma_start3A_691[%dma_start3A_692, %dma_start3A_693] : memref<2048x1024xf32, #tpu.memory_space<hbm>> -> memref<2048x1024xf32, #tpu.memory_space<hbm>>
      tpu.enqueue_indirect_dma source(%dma_start3A_694 : memref<2048x1024xf32, #tpu.memory_space<hbm>>) target(%dma_start3A_684 : memref<2x1024xf32, #tpu.memory_space<vmem>>) offsets(%dma_start3A_687 : memref<2xi32, #tpu.memory_space<vmem>>) semaphore(%arg7 : memref<!tpu.dma_semaphore, #tpu.memory_space<semaphore_mem>>)
      %scan3A_695 = arith.constant 6 : i32
      %scan3A_696 = arith.addi %scan3A_582, %scan3A_695 : i32
      %add3A_697 = arith.constant 80 : i32
      %add3A_698 = arith.addi %add3A_697, %scan3A_696 : i32
      %dma_start3A_699 = arith.constant 2 : i32
      %dma_start3A_700 = arith.constant 0 : i32
      %dma_start3A_701 = arith.constant 0 : i32
      %dma_start3A_702 = tpu.memref_slice %arg6[%dma_start3A_699, %scan3A_696, %dma_start3A_700, %dma_start3A_701] : memref<3x16x2x1024xf32, #tpu.memory_space<vmem>> -> memref<1x1x2x1024xf32, #tpu.memory_space<vmem>>
      %dma_start3A_703 = tpu.memref_squeeze %dma_start3A_702 : memref<1x1x2x1024xf32, #tpu.memory_space<vmem>> -> memref<2x1024xf32, #tpu.memory_space<vmem>>
      %dma_start3A_704 = arith.constant 0 : i32
      %dma_start3A_705 = tpu.memref_slice %arg5[%add3A_698, %dma_start3A_704] : memref<128x2xi32, #tpu.memory_space<vmem>> -> memref<1x2xi32, #tpu.memory_space<vmem>>
      %dma_start3A_706 = tpu.memref_squeeze %dma_start3A_705 : memref<1x2xi32, #tpu.memory_space<vmem>> -> memref<2xi32, #tpu.memory_space<vmem>>
      %dma_start3A_707 = arith.constant 0 : i32
      %dma_start3A_708 = arith.constant 0 : i32
      %dma_start3A_709 = tpu.memref_slice %arg2[%select_n3A, %dma_start3A_707, %dma_start3A_708] : memref<4x2048x1024xf32, #tpu.memory_space<hbm>> -> memref<1x2048x1024xf32, #tpu.memory_space<hbm>>
      %dma_start3A_710 = tpu.memref_squeeze %dma_start3A_709 : memref<1x2048x1024xf32, #tpu.memory_space<hbm>> -> memref<2048x1024xf32, #tpu.memory_space<hbm>>
      %dma_start3A_711 = arith.constant 0 : i32
      %dma_start3A_712 = arith.constant 0 : i32
      %dma_start3A_713 = tpu.memref_slice %dma_start3A_710[%dma_start3A_711, %dma_start3A_712] : memref<2048x1024xf32, #tpu.memory_space<hbm>> -> memref<2048x1024xf32, #tpu.memory_space<hbm>>
      tpu.enqueue_indirect_dma source(%dma_start3A_713 : memref<2048x1024xf32, #tpu.memory_space<hbm>>) target(%dma_start3A_703 : memref<2x1024xf32, #tpu.memory_space<vmem>>) offsets(%dma_start3A_706 : memref<2xi32, #tpu.memory_space<vmem>>) semaphore(%arg7 : memref<!tpu.dma_semaphore, #tpu.memory_space<semaphore_mem>>)
      %scan3A_714 = arith.constant 7 : i32
      %scan3A_715 = arith.addi %scan3A_582, %scan3A_714 : i32
      %add3A_716 = arith.constant 80 : i32
      %add3A_717 = arith.addi %add3A_716, %scan3A_715 : i32
      %dma_start3A_718 = arith.constant 2 : i32
      %dma_start3A_719 = arith.constant 0 : i32
      %dma_start3A_720 = arith.constant 0 : i32
      %dma_start3A_721 = tpu.memref_slice %arg6[%dma_start3A_718, %scan3A_715, %dma_start3A_719, %dma_start3A_720] : memref<3x16x2x1024xf32, #tpu.memory_space<vmem>> -> memref<1x1x2x1024xf32, #tpu.memory_space<vmem>>
      %dma_start3A_722 = tpu.memref_squeeze %dma_start3A_721 : memref<1x1x2x1024xf32, #tpu.memory_space<vmem>> -> memref<2x1024xf32, #tpu.memory_space<vmem>>
      %dma_start3A_723 = arith.constant 0 : i32
      %dma_start3A_724 = tpu.memref_slice %arg5[%add3A_717, %dma_start3A_723] : memref<128x2xi32, #tpu.memory_space<vmem>> -> memref<1x2xi32, #tpu.memory_space<vmem>>
      %dma_start3A_725 = tpu.memref_squeeze %dma_start3A_724 : memref<1x2xi32, #tpu.memory_space<vmem>> -> memref<2xi32, #tpu.memory_space<vmem>>
      %dma_start3A_726 = arith.constant 0 : i32
      %dma_start3A_727 = arith.constant 0 : i32
      %dma_start3A_728 = tpu.memref_slice %arg2[%select_n3A, %dma_start3A_726, %dma_start3A_727] : memref<4x2048x1024xf32, #tpu.memory_space<hbm>> -> memref<1x2048x1024xf32, #tpu.memory_space<hbm>>
      %dma_start3A_729 = tpu.memref_squeeze %dma_start3A_728 : memref<1x2048x1024xf32, #tpu.memory_space<hbm>> -> memref<2048x1024xf32, #tpu.memory_space<hbm>>
      %dma_start3A_730 = arith.constant 0 : i32
      %dma_start3A_731 = arith.constant 0 : i32
      %dma_start3A_732 = tpu.memref_slice %dma_start3A_729[%dma_start3A_730, %dma_start3A_731] : memref<2048x1024xf32, #tpu.memory_space<hbm>> -> memref<2048x1024xf32, #tpu.memory_space<hbm>>
      tpu.enqueue_indirect_dma source(%dma_start3A_732 : memref<2048x1024xf32, #tpu.memory_space<hbm>>) target(%dma_start3A_722 : memref<2x1024xf32, #tpu.memory_space<vmem>>) offsets(%dma_start3A_725 : memref<2xi32, #tpu.memory_space<vmem>>) semaphore(%arg7 : memref<!tpu.dma_semaphore, #tpu.memory_space<semaphore_mem>>)
    }
    %scan3A_254 = arith.constant 16 : i32
    %add3A_255 = arith.constant 0 : i32
    %add3A_256 = arith.addi %mul3A_32, %add3A_255 : i32
    %dma_wait3A_257 = arith.constant 0 : i32
    %dma_wait3A_258 = arith.constant 0 : i32
    %dma_wait3A_259 = arith.constant 0 : i32
    %dma_wait3A_260 = arith.constant 0 : i32
    %dma_wait3A_261 = tpu.memref_slice %arg6[%dma_wait3A_257, %dma_wait3A_258, %dma_wait3A_259, %dma_wait3A_260] : memref<3x16x2x1024xf32, #tpu.memory_space<vmem>> -> memref<1x16x2x1024xf32, #tpu.memory_space<vmem>>
    %dma_wait3A_262 = tpu.memref_squeeze %dma_wait3A_261 : memref<1x16x2x1024xf32, #tpu.memory_space<vmem>> -> memref<16x2x1024xf32, #tpu.memory_space<vmem>>
    %dma_wait3A_263 = arith.constant 0 : i32
    %dma_wait3A_264 = arith.constant 0 : i32
    %dma_wait3A_265 = tpu.memref_slice %arg4[%select_n3A, %add3A_256, %dma_wait3A_263, %dma_wait3A_264] : memref<4x1024x2x1024xf32, #tpu.memory_space<hbm>> -> memref<1x16x2x1024xf32, #tpu.memory_space<hbm>>
    %dma_wait3A_266 = tpu.memref_squeeze %dma_wait3A_265 : memref<1x16x2x1024xf32, #tpu.memory_space<hbm>> -> memref<16x2x1024xf32, #tpu.memory_space<hbm>>
    %dma_wait3A_267 = arith.constant 0 : i32
    %dma_wait3A_268 = arith.constant 0 : i32
    %dma_wait3A_269 = arith.constant 0 : i32
    %dma_wait3A_270 = tpu.memref_slice %arg6[%dma_wait3A_257, %dma_wait3A_267, %dma_wait3A_268, %dma_wait3A_269] : memref<3x16x2x1024xf32, #tpu.memory_space<vmem>> -> memref<1x16x2x1024xf32, #tpu.memory_space<vmem>>
    %dma_wait3A_271 = tpu.memref_squeeze %dma_wait3A_270 : memref<1x16x2x1024xf32, #tpu.memory_space<vmem>> -> memref<16x2x1024xf32, #tpu.memory_space<vmem>>
    %dma_wait3A_272 = arith.constant 0 : i32
    %dma_wait3A_273 = arith.constant 0 : i32
    %dma_wait3A_274 = tpu.memref_slice %arg4[%select_n3A, %add3A_256, %dma_wait3A_272, %dma_wait3A_273] : memref<4x1024x2x1024xf32, #tpu.memory_space<hbm>> -> memref<1x16x2x1024xf32, #tpu.memory_space<hbm>>
    %dma_wait3A_275 = tpu.memref_squeeze %dma_wait3A_274 : memref<1x16x2x1024xf32, #tpu.memory_space<hbm>> -> memref<16x2x1024xf32, #tpu.memory_space<hbm>>
    tpu.wait_dma2 semaphore(%arg7 : memref<!tpu.dma_semaphore, #tpu.memory_space<semaphore_mem>>) src(%dma_wait3A_275 : memref<16x2x1024xf32, #tpu.memory_space<hbm>>) dst(%dma_wait3A_271 : memref<16x2x1024xf32, #tpu.memory_space<vmem>>)
    %add3A_276 = arith.constant 48 : i32
    %add3A_277 = arith.addi %mul3A_32, %add3A_276 : i32
    %dma_start3A_278 = arith.constant 0 : i32
    %dma_start3A_279 = arith.constant 0 : i32
    %dma_start3A_280 = arith.constant 0 : i32
    %dma_start3A_281 = arith.constant 0 : i32
    %dma_start3A_282 = tpu.memref_slice %arg6[%dma_start3A_278, %dma_start3A_279, %dma_start3A_280, %dma_start3A_281] : memref<3x16x2x1024xf32, #tpu.memory_space<vmem>> -> memref<1x16x2x1024xf32, #tpu.memory_space<vmem>>
    %dma_start3A_283 = tpu.memref_squeeze %dma_start3A_282 : memref<1x16x2x1024xf32, #tpu.memory_space<vmem>> -> memref<16x2x1024xf32, #tpu.memory_space<vmem>>
    %dma_start3A_284 = arith.constant 0 : i32
    %dma_start3A_285 = arith.constant 0 : i32
    %dma_start3A_286 = tpu.memref_slice %arg4[%select_n3A, %add3A_277, %dma_start3A_284, %dma_start3A_285] : memref<4x1024x2x1024xf32, #tpu.memory_space<hbm>> -> memref<1x16x2x1024xf32, #tpu.memory_space<hbm>>
    %dma_start3A_287 = tpu.memref_squeeze %dma_start3A_286 : memref<1x16x2x1024xf32, #tpu.memory_space<hbm>> -> memref<16x2x1024xf32, #tpu.memory_space<hbm>>
    %dma_start3A_288 = arith.constant 0 : i32
    %dma_start3A_289 = arith.constant 0 : i32
    %dma_start3A_290 = tpu.memref_slice %arg4[%select_n3A, %add3A_277, %dma_start3A_288, %dma_start3A_289] : memref<4x1024x2x1024xf32, #tpu.memory_space<hbm>> -> memref<1x16x2x1024xf32, #tpu.memory_space<hbm>>
    %dma_start3A_291 = tpu.memref_squeeze %dma_start3A_290 : memref<1x16x2x1024xf32, #tpu.memory_space<hbm>> -> memref<16x2x1024xf32, #tpu.memory_space<hbm>>
    %dma_start3A_292 = arith.constant 0 : i32
    %dma_start3A_293 = arith.constant 0 : i32
    %dma_start3A_294 = arith.constant 0 : i32
    %dma_start3A_295 = tpu.memref_slice %arg6[%dma_start3A_278, %dma_start3A_292, %dma_start3A_293, %dma_start3A_294] : memref<3x16x2x1024xf32, #tpu.memory_space<vmem>> -> memref<1x16x2x1024xf32, #tpu.memory_space<vmem>>
    %dma_start3A_296 = tpu.memref_squeeze %dma_start3A_295 : memref<1x16x2x1024xf32, #tpu.memory_space<vmem>> -> memref<16x2x1024xf32, #tpu.memory_space<vmem>>
    tpu.enqueue_dma source(%dma_start3A_296 : memref<16x2x1024xf32, #tpu.memory_space<vmem>>) target(%dma_start3A_291 : memref<16x2x1024xf32, #tpu.memory_space<hbm>>) target_semaphore(%arg8 : memref<!tpu.dma_semaphore, #tpu.memory_space<semaphore_mem>>)
    %add3A_297 = arith.constant 0 : i32
    %add3A_298 = arith.addi %mul3A_32, %add3A_297 : i32
    %dma_wait3A_299 = arith.constant 0 : i32
    %dma_wait3A_300 = arith.constant 0 : i32
    %dma_wait3A_301 = arith.constant 0 : i32
    %dma_wait3A_302 = arith.constant 0 : i32
    %dma_wait3A_303 = tpu.memref_slice %arg6[%dma_wait3A_299, %dma_wait3A_300, %dma_wait3A_301, %dma_wait3A_302] : memref<3x16x2x1024xf32, #tpu.memory_space<vmem>> -> memref<1x16x2x1024xf32, #tpu.memory_space<vmem>>
    %dma_wait3A_304 = tpu.memref_squeeze %dma_wait3A_303 : memref<1x16x2x1024xf32, #tpu.memory_space<vmem>> -> memref<16x2x1024xf32, #tpu.memory_space<vmem>>
    %dma_wait3A_305 = arith.constant 0 : i32
    %dma_wait3A_306 = arith.constant 0 : i32
    %dma_wait3A_307 = tpu.memref_slice %arg4[%select_n3A, %add3A_298, %dma_wait3A_305, %dma_wait3A_306] : memref<4x1024x2x1024xf32, #tpu.memory_space<hbm>> -> memref<1x16x2x1024xf32, #tpu.memory_space<hbm>>
    %dma_wait3A_308 = tpu.memref_squeeze %dma_wait3A_307 : memref<1x16x2x1024xf32, #tpu.memory_space<hbm>> -> memref<16x2x1024xf32, #tpu.memory_space<hbm>>
    %dma_wait3A_309 = arith.constant 0 : i32
    %dma_wait3A_310 = arith.constant 0 : i32
    %dma_wait3A_311 = arith.constant 0 : i32
    %dma_wait3A_312 = tpu.memref_slice %arg6[%dma_wait3A_299, %dma_wait3A_309, %dma_wait3A_310, %dma_wait3A_311] : memref<3x16x2x1024xf32, #tpu.memory_space<vmem>> -> memref<1x16x2x1024xf32, #tpu.memory_space<vmem>>
    %dma_wait3A_313 = tpu.memref_squeeze %dma_wait3A_312 : memref<1x16x2x1024xf32, #tpu.memory_space<vmem>> -> memref<16x2x1024xf32, #tpu.memory_space<vmem>>
    %dma_wait3A_314 = arith.constant 0 : i32
    %dma_wait3A_315 = arith.constant 0 : i32
    %dma_wait3A_316 = tpu.memref_slice %arg4[%select_n3A, %add3A_298, %dma_wait3A_314, %dma_wait3A_315] : memref<4x1024x2x1024xf32, #tpu.memory_space<hbm>> -> memref<1x16x2x1024xf32, #tpu.memory_space<hbm>>
    %dma_wait3A_317 = tpu.memref_squeeze %dma_wait3A_316 : memref<1x16x2x1024xf32, #tpu.memory_space<hbm>> -> memref<16x2x1024xf32, #tpu.memory_space<hbm>>
    tpu.wait_dma2 semaphore(%arg8 : memref<!tpu.dma_semaphore, #tpu.memory_space<semaphore_mem>>) src(%dma_wait3A_317 : memref<16x2x1024xf32, #tpu.memory_space<hbm>>) dst(%dma_wait3A_313 : memref<16x2x1024xf32, #tpu.memory_space<vmem>>)
    %scan3A_318 = arith.constant 0 : i32
    %scan3A_319 = arith.constant 0 : i32
    %scan3A_320 = arith.constant 16 : i32
    %scan3A_321 = arith.addi %scan3A_319, %scan3A_320 : i32
    %scan3A_322 = arith.constant 8 : i32
    scf.for %scan3A_582 = %scan3A_319 to %scan3A_321 step %scan3A_322  : i32 {
      %add3A_583 = arith.constant 96 : i32
      %add3A_584 = arith.addi %add3A_583, %scan3A_582 : i32
      %dma_start3A_585 = arith.constant 0 : i32
      %dma_start3A_586 = arith.constant 0 : i32
      %dma_start3A_587 = arith.constant 0 : i32
      %dma_start3A_588 = tpu.memref_slice %arg6[%dma_start3A_585, %scan3A_582, %dma_start3A_586, %dma_start3A_587] : memref<3x16x2x1024xf32, #tpu.memory_space<vmem>> -> memref<1x1x2x1024xf32, #tpu.memory_space<vmem>>
      %dma_start3A_589 = tpu.memref_squeeze %dma_start3A_588 : memref<1x1x2x1024xf32, #tpu.memory_space<vmem>> -> memref<2x1024xf32, #tpu.memory_space<vmem>>
      %dma_start3A_590 = arith.constant 0 : i32
      %dma_start3A_591 = tpu.memref_slice %arg5[%add3A_584, %dma_start3A_590] : memref<128x2xi32, #tpu.memory_space<vmem>> -> memref<1x2xi32, #tpu.memory_space<vmem>>
      %dma_start3A_592 = tpu.memref_squeeze %dma_start3A_591 : memref<1x2xi32, #tpu.memory_space<vmem>> -> memref<2xi32, #tpu.memory_space<vmem>>
      %dma_start3A_593 = arith.constant 0 : i32
      %dma_start3A_594 = arith.constant 0 : i32
      %dma_start3A_595 = tpu.memref_slice %arg2[%select_n3A, %dma_start3A_593, %dma_start3A_594] : memref<4x2048x1024xf32, #tpu.memory_space<hbm>> -> memref<1x2048x1024xf32, #tpu.memory_space<hbm>>
      %dma_start3A_596 = tpu.memref_squeeze %dma_start3A_595 : memref<1x2048x1024xf32, #tpu.memory_space<hbm>> -> memref<2048x1024xf32, #tpu.memory_space<hbm>>
      %dma_start3A_597 = arith.constant 0 : i32
      %dma_start3A_598 = arith.constant 0 : i32
      %dma_start3A_599 = tpu.memref_slice %dma_start3A_596[%dma_start3A_597, %dma_start3A_598] : memref<2048x1024xf32, #tpu.memory_space<hbm>> -> memref<2048x1024xf32, #tpu.memory_space<hbm>>
      tpu.enqueue_indirect_dma source(%dma_start3A_599 : memref<2048x1024xf32, #tpu.memory_space<hbm>>) target(%dma_start3A_589 : memref<2x1024xf32, #tpu.memory_space<vmem>>) offsets(%dma_start3A_592 : memref<2xi32, #tpu.memory_space<vmem>>) semaphore(%arg7 : memref<!tpu.dma_semaphore, #tpu.memory_space<semaphore_mem>>)
      %scan3A_600 = arith.constant 1 : i32
      %scan3A_601 = arith.addi %scan3A_582, %scan3A_600 : i32
      %add3A_602 = arith.constant 96 : i32
      %add3A_603 = arith.addi %add3A_602, %scan3A_601 : i32
      %dma_start3A_604 = arith.constant 0 : i32
      %dma_start3A_605 = arith.constant 0 : i32
      %dma_start3A_606 = arith.constant 0 : i32
      %dma_start3A_607 = tpu.memref_slice %arg6[%dma_start3A_604, %scan3A_601, %dma_start3A_605, %dma_start3A_606] : memref<3x16x2x1024xf32, #tpu.memory_space<vmem>> -> memref<1x1x2x1024xf32, #tpu.memory_space<vmem>>
      %dma_start3A_608 = tpu.memref_squeeze %dma_start3A_607 : memref<1x1x2x1024xf32, #tpu.memory_space<vmem>> -> memref<2x1024xf32, #tpu.memory_space<vmem>>
      %dma_start3A_609 = arith.constant 0 : i32
      %dma_start3A_610 = tpu.memref_slice %arg5[%add3A_603, %dma_start3A_609] : memref<128x2xi32, #tpu.memory_space<vmem>> -> memref<1x2xi32, #tpu.memory_space<vmem>>
      %dma_start3A_611 = tpu.memref_squeeze %dma_start3A_610 : memref<1x2xi32, #tpu.memory_space<vmem>> -> memref<2xi32, #tpu.memory_space<vmem>>
      %dma_start3A_612 = arith.constant 0 : i32
      %dma_start3A_613 = arith.constant 0 : i32
      %dma_start3A_614 = tpu.memref_slice %arg2[%select_n3A, %dma_start3A_612, %dma_start3A_613] : memref<4x2048x1024xf32, #tpu.memory_space<hbm>> -> memref<1x2048x1024xf32, #tpu.memory_space<hbm>>
      %dma_start3A_615 = tpu.memref_squeeze %dma_start3A_614 : memref<1x2048x1024xf32, #tpu.memory_space<hbm>> -> memref<2048x1024xf32, #tpu.memory_space<hbm>>
      %dma_start3A_616 = arith.constant 0 : i32
      %dma_start3A_617 = arith.constant 0 : i32
      %dma_start3A_618 = tpu.memref_slice %dma_start3A_615[%dma_start3A_616, %dma_start3A_617] : memref<2048x1024xf32, #tpu.memory_space<hbm>> -> memref<2048x1024xf32, #tpu.memory_space<hbm>>
      tpu.enqueue_indirect_dma source(%dma_start3A_618 : memref<2048x1024xf32, #tpu.memory_space<hbm>>) target(%dma_start3A_608 : memref<2x1024xf32, #tpu.memory_space<vmem>>) offsets(%dma_start3A_611 : memref<2xi32, #tpu.memory_space<vmem>>) semaphore(%arg7 : memref<!tpu.dma_semaphore, #tpu.memory_space<semaphore_mem>>)
      %scan3A_619 = arith.constant 2 : i32
      %scan3A_620 = arith.addi %scan3A_582, %scan3A_619 : i32
      %add3A_621 = arith.constant 96 : i32
      %add3A_622 = arith.addi %add3A_621, %scan3A_620 : i32
      %dma_start3A_623 = arith.constant 0 : i32
      %dma_start3A_624 = arith.constant 0 : i32
      %dma_start3A_625 = arith.constant 0 : i32
      %dma_start3A_626 = tpu.memref_slice %arg6[%dma_start3A_623, %scan3A_620, %dma_start3A_624, %dma_start3A_625] : memref<3x16x2x1024xf32, #tpu.memory_space<vmem>> -> memref<1x1x2x1024xf32, #tpu.memory_space<vmem>>
      %dma_start3A_627 = tpu.memref_squeeze %dma_start3A_626 : memref<1x1x2x1024xf32, #tpu.memory_space<vmem>> -> memref<2x1024xf32, #tpu.memory_space<vmem>>
      %dma_start3A_628 = arith.constant 0 : i32
      %dma_start3A_629 = tpu.memref_slice %arg5[%add3A_622, %dma_start3A_628] : memref<128x2xi32, #tpu.memory_space<vmem>> -> memref<1x2xi32, #tpu.memory_space<vmem>>
      %dma_start3A_630 = tpu.memref_squeeze %dma_start3A_629 : memref<1x2xi32, #tpu.memory_space<vmem>> -> memref<2xi32, #tpu.memory_space<vmem>>
      %dma_start3A_631 = arith.constant 0 : i32
      %dma_start3A_632 = arith.constant 0 : i32
      %dma_start3A_633 = tpu.memref_slice %arg2[%select_n3A, %dma_start3A_631, %dma_start3A_632] : memref<4x2048x1024xf32, #tpu.memory_space<hbm>> -> memref<1x2048x1024xf32, #tpu.memory_space<hbm>>
      %dma_start3A_634 = tpu.memref_squeeze %dma_start3A_633 : memref<1x2048x1024xf32, #tpu.memory_space<hbm>> -> memref<2048x1024xf32, #tpu.memory_space<hbm>>
      %dma_start3A_635 = arith.constant 0 : i32
      %dma_start3A_636 = arith.constant 0 : i32
      %dma_start3A_637 = tpu.memref_slice %dma_start3A_634[%dma_start3A_635, %dma_start3A_636] : memref<2048x1024xf32, #tpu.memory_space<hbm>> -> memref<2048x1024xf32, #tpu.memory_space<hbm>>
      tpu.enqueue_indirect_dma source(%dma_start3A_637 : memref<2048x1024xf32, #tpu.memory_space<hbm>>) target(%dma_start3A_627 : memref<2x1024xf32, #tpu.memory_space<vmem>>) offsets(%dma_start3A_630 : memref<2xi32, #tpu.memory_space<vmem>>) semaphore(%arg7 : memref<!tpu.dma_semaphore, #tpu.memory_space<semaphore_mem>>)
      %scan3A_638 = arith.constant 3 : i32
      %scan3A_639 = arith.addi %scan3A_582, %scan3A_638 : i32
      %add3A_640 = arith.constant 96 : i32
      %add3A_641 = arith.addi %add3A_640, %scan3A_639 : i32
      %dma_start3A_642 = arith.constant 0 : i32
      %dma_start3A_643 = arith.constant 0 : i32
      %dma_start3A_644 = arith.constant 0 : i32
      %dma_start3A_645 = tpu.memref_slice %arg6[%dma_start3A_642, %scan3A_639, %dma_start3A_643, %dma_start3A_644] : memref<3x16x2x1024xf32, #tpu.memory_space<vmem>> -> memref<1x1x2x1024xf32, #tpu.memory_space<vmem>>
      %dma_start3A_646 = tpu.memref_squeeze %dma_start3A_645 : memref<1x1x2x1024xf32, #tpu.memory_space<vmem>> -> memref<2x1024xf32, #tpu.memory_space<vmem>>
      %dma_start3A_647 = arith.constant 0 : i32
      %dma_start3A_648 = tpu.memref_slice %arg5[%add3A_641, %dma_start3A_647] : memref<128x2xi32, #tpu.memory_space<vmem>> -> memref<1x2xi32, #tpu.memory_space<vmem>>
      %dma_start3A_649 = tpu.memref_squeeze %dma_start3A_648 : memref<1x2xi32, #tpu.memory_space<vmem>> -> memref<2xi32, #tpu.memory_space<vmem>>
      %dma_start3A_650 = arith.constant 0 : i32
      %dma_start3A_651 = arith.constant 0 : i32
      %dma_start3A_652 = tpu.memref_slice %arg2[%select_n3A, %dma_start3A_650, %dma_start3A_651] : memref<4x2048x1024xf32, #tpu.memory_space<hbm>> -> memref<1x2048x1024xf32, #tpu.memory_space<hbm>>
      %dma_start3A_653 = tpu.memref_squeeze %dma_start3A_652 : memref<1x2048x1024xf32, #tpu.memory_space<hbm>> -> memref<2048x1024xf32, #tpu.memory_space<hbm>>
      %dma_start3A_654 = arith.constant 0 : i32
      %dma_start3A_655 = arith.constant 0 : i32
      %dma_start3A_656 = tpu.memref_slice %dma_start3A_653[%dma_start3A_654, %dma_start3A_655] : memref<2048x1024xf32, #tpu.memory_space<hbm>> -> memref<2048x1024xf32, #tpu.memory_space<hbm>>
      tpu.enqueue_indirect_dma source(%dma_start3A_656 : memref<2048x1024xf32, #tpu.memory_space<hbm>>) target(%dma_start3A_646 : memref<2x1024xf32, #tpu.memory_space<vmem>>) offsets(%dma_start3A_649 : memref<2xi32, #tpu.memory_space<vmem>>) semaphore(%arg7 : memref<!tpu.dma_semaphore, #tpu.memory_space<semaphore_mem>>)
      %scan3A_657 = arith.constant 4 : i32
      %scan3A_658 = arith.addi %scan3A_582, %scan3A_657 : i32
      %add3A_659 = arith.constant 96 : i32
      %add3A_660 = arith.addi %add3A_659, %scan3A_658 : i32
      %dma_start3A_661 = arith.constant 0 : i32
      %dma_start3A_662 = arith.constant 0 : i32
      %dma_start3A_663 = arith.constant 0 : i32
      %dma_start3A_664 = tpu.memref_slice %arg6[%dma_start3A_661, %scan3A_658, %dma_start3A_662, %dma_start3A_663] : memref<3x16x2x1024xf32, #tpu.memory_space<vmem>> -> memref<1x1x2x1024xf32, #tpu.memory_space<vmem>>
      %dma_start3A_665 = tpu.memref_squeeze %dma_start3A_664 : memref<1x1x2x1024xf32, #tpu.memory_space<vmem>> -> memref<2x1024xf32, #tpu.memory_space<vmem>>
      %dma_start3A_666 = arith.constant 0 : i32
      %dma_start3A_667 = tpu.memref_slice %arg5[%add3A_660, %dma_start3A_666] : memref<128x2xi32, #tpu.memory_space<vmem>> -> memref<1x2xi32, #tpu.memory_space<vmem>>
      %dma_start3A_668 = tpu.memref_squeeze %dma_start3A_667 : memref<1x2xi32, #tpu.memory_space<vmem>> -> memref<2xi32, #tpu.memory_space<vmem>>
      %dma_start3A_669 = arith.constant 0 : i32
      %dma_start3A_670 = arith.constant 0 : i32
      %dma_start3A_671 = tpu.memref_slice %arg2[%select_n3A, %dma_start3A_669, %dma_start3A_670] : memref<4x2048x1024xf32, #tpu.memory_space<hbm>> -> memref<1x2048x1024xf32, #tpu.memory_space<hbm>>
      %dma_start3A_672 = tpu.memref_squeeze %dma_start3A_671 : memref<1x2048x1024xf32, #tpu.memory_space<hbm>> -> memref<2048x1024xf32, #tpu.memory_space<hbm>>
      %dma_start3A_673 = arith.constant 0 : i32
      %dma_start3A_674 = arith.constant 0 : i32
      %dma_start3A_675 = tpu.memref_slice %dma_start3A_672[%dma_start3A_673, %dma_start3A_674] : memref<2048x1024xf32, #tpu.memory_space<hbm>> -> memref<2048x1024xf32, #tpu.memory_space<hbm>>
      tpu.enqueue_indirect_dma source(%dma_start3A_675 : memref<2048x1024xf32, #tpu.memory_space<hbm>>) target(%dma_start3A_665 : memref<2x1024xf32, #tpu.memory_space<vmem>>) offsets(%dma_start3A_668 : memref<2xi32, #tpu.memory_space<vmem>>) semaphore(%arg7 : memref<!tpu.dma_semaphore, #tpu.memory_space<semaphore_mem>>)
      %scan3A_676 = arith.constant 5 : i32
      %scan3A_677 = arith.addi %scan3A_582, %scan3A_676 : i32
      %add3A_678 = arith.constant 96 : i32
      %add3A_679 = arith.addi %add3A_678, %scan3A_677 : i32
      %dma_start3A_680 = arith.constant 0 : i32
      %dma_start3A_681 = arith.constant 0 : i32
      %dma_start3A_682 = arith.constant 0 : i32
      %dma_start3A_683 = tpu.memref_slice %arg6[%dma_start3A_680, %scan3A_677, %dma_start3A_681, %dma_start3A_682] : memref<3x16x2x1024xf32, #tpu.memory_space<vmem>> -> memref<1x1x2x1024xf32, #tpu.memory_space<vmem>>
      %dma_start3A_684 = tpu.memref_squeeze %dma_start3A_683 : memref<1x1x2x1024xf32, #tpu.memory_space<vmem>> -> memref<2x1024xf32, #tpu.memory_space<vmem>>
      %dma_start3A_685 = arith.constant 0 : i32
      %dma_start3A_686 = tpu.memref_slice %arg5[%add3A_679, %dma_start3A_685] : memref<128x2xi32, #tpu.memory_space<vmem>> -> memref<1x2xi32, #tpu.memory_space<vmem>>
      %dma_start3A_687 = tpu.memref_squeeze %dma_start3A_686 : memref<1x2xi32, #tpu.memory_space<vmem>> -> memref<2xi32, #tpu.memory_space<vmem>>
      %dma_start3A_688 = arith.constant 0 : i32
      %dma_start3A_689 = arith.constant 0 : i32
      %dma_start3A_690 = tpu.memref_slice %arg2[%select_n3A, %dma_start3A_688, %dma_start3A_689] : memref<4x2048x1024xf32, #tpu.memory_space<hbm>> -> memref<1x2048x1024xf32, #tpu.memory_space<hbm>>
      %dma_start3A_691 = tpu.memref_squeeze %dma_start3A_690 : memref<1x2048x1024xf32, #tpu.memory_space<hbm>> -> memref<2048x1024xf32, #tpu.memory_space<hbm>>
      %dma_start3A_692 = arith.constant 0 : i32
      %dma_start3A_693 = arith.constant 0 : i32
      %dma_start3A_694 = tpu.memref_slice %dma_start3A_691[%dma_start3A_692, %dma_start3A_693] : memref<2048x1024xf32, #tpu.memory_space<hbm>> -> memref<2048x1024xf32, #tpu.memory_space<hbm>>
      tpu.enqueue_indirect_dma source(%dma_start3A_694 : memref<2048x1024xf32, #tpu.memory_space<hbm>>) target(%dma_start3A_684 : memref<2x1024xf32, #tpu.memory_space<vmem>>) offsets(%dma_start3A_687 : memref<2xi32, #tpu.memory_space<vmem>>) semaphore(%arg7 : memref<!tpu.dma_semaphore, #tpu.memory_space<semaphore_mem>>)
      %scan3A_695 = arith.constant 6 : i32
      %scan3A_696 = arith.addi %scan3A_582, %scan3A_695 : i32
      %add3A_697 = arith.constant 96 : i32
      %add3A_698 = arith.addi %add3A_697, %scan3A_696 : i32
      %dma_start3A_699 = arith.constant 0 : i32
      %dma_start3A_700 = arith.constant 0 : i32
      %dma_start3A_701 = arith.constant 0 : i32
      %dma_start3A_702 = tpu.memref_slice %arg6[%dma_start3A_699, %scan3A_696, %dma_start3A_700, %dma_start3A_701] : memref<3x16x2x1024xf32, #tpu.memory_space<vmem>> -> memref<1x1x2x1024xf32, #tpu.memory_space<vmem>>
      %dma_start3A_703 = tpu.memref_squeeze %dma_start3A_702 : memref<1x1x2x1024xf32, #tpu.memory_space<vmem>> -> memref<2x1024xf32, #tpu.memory_space<vmem>>
      %dma_start3A_704 = arith.constant 0 : i32
      %dma_start3A_705 = tpu.memref_slice %arg5[%add3A_698, %dma_start3A_704] : memref<128x2xi32, #tpu.memory_space<vmem>> -> memref<1x2xi32, #tpu.memory_space<vmem>>
      %dma_start3A_706 = tpu.memref_squeeze %dma_start3A_705 : memref<1x2xi32, #tpu.memory_space<vmem>> -> memref<2xi32, #tpu.memory_space<vmem>>
      %dma_start3A_707 = arith.constant 0 : i32
      %dma_start3A_708 = arith.constant 0 : i32
      %dma_start3A_709 = tpu.memref_slice %arg2[%select_n3A, %dma_start3A_707, %dma_start3A_708] : memref<4x2048x1024xf32, #tpu.memory_space<hbm>> -> memref<1x2048x1024xf32, #tpu.memory_space<hbm>>
      %dma_start3A_710 = tpu.memref_squeeze %dma_start3A_709 : memref<1x2048x1024xf32, #tpu.memory_space<hbm>> -> memref<2048x1024xf32, #tpu.memory_space<hbm>>
      %dma_start3A_711 = arith.constant 0 : i32
      %dma_start3A_712 = arith.constant 0 : i32
      %dma_start3A_713 = tpu.memref_slice %dma_start3A_710[%dma_start3A_711, %dma_start3A_712] : memref<2048x1024xf32, #tpu.memory_space<hbm>> -> memref<2048x1024xf32, #tpu.memory_space<hbm>>
      tpu.enqueue_indirect_dma source(%dma_start3A_713 : memref<2048x1024xf32, #tpu.memory_space<hbm>>) target(%dma_start3A_703 : memref<2x1024xf32, #tpu.memory_space<vmem>>) offsets(%dma_start3A_706 : memref<2xi32, #tpu.memory_space<vmem>>) semaphore(%arg7 : memref<!tpu.dma_semaphore, #tpu.memory_space<semaphore_mem>>)
      %scan3A_714 = arith.constant 7 : i32
      %scan3A_715 = arith.addi %scan3A_582, %scan3A_714 : i32
      %add3A_716 = arith.constant 96 : i32
      %add3A_717 = arith.addi %add3A_716, %scan3A_715 : i32
      %dma_start3A_718 = arith.constant 0 : i32
      %dma_start3A_719 = arith.constant 0 : i32
      %dma_start3A_720 = arith.constant 0 : i32
      %dma_start3A_721 = tpu.memref_slice %arg6[%dma_start3A_718, %scan3A_715, %dma_start3A_719, %dma_start3A_720] : memref<3x16x2x1024xf32, #tpu.memory_space<vmem>> -> memref<1x1x2x1024xf32, #tpu.memory_space<vmem>>
      %dma_start3A_722 = tpu.memref_squeeze %dma_start3A_721 : memref<1x1x2x1024xf32, #tpu.memory_space<vmem>> -> memref<2x1024xf32, #tpu.memory_space<vmem>>
      %dma_start3A_723 = arith.constant 0 : i32
      %dma_start3A_724 = tpu.memref_slice %arg5[%add3A_717, %dma_start3A_723] : memref<128x2xi32, #tpu.memory_space<vmem>> -> memref<1x2xi32, #tpu.memory_space<vmem>>
      %dma_start3A_725 = tpu.memref_squeeze %dma_start3A_724 : memref<1x2xi32, #tpu.memory_space<vmem>> -> memref<2xi32, #tpu.memory_space<vmem>>
      %dma_start3A_726 = arith.constant 0 : i32
      %dma_start3A_727 = arith.constant 0 : i32
      %dma_start3A_728 = tpu.memref_slice %arg2[%select_n3A, %dma_start3A_726, %dma_start3A_727] : memref<4x2048x1024xf32, #tpu.memory_space<hbm>> -> memref<1x2048x1024xf32, #tpu.memory_space<hbm>>
      %dma_start3A_729 = tpu.memref_squeeze %dma_start3A_728 : memref<1x2048x1024xf32, #tpu.memory_space<hbm>> -> memref<2048x1024xf32, #tpu.memory_space<hbm>>
      %dma_start3A_730 = arith.constant 0 : i32
      %dma_start3A_731 = arith.constant 0 : i32
      %dma_start3A_732 = tpu.memref_slice %dma_start3A_729[%dma_start3A_730, %dma_start3A_731] : memref<2048x1024xf32, #tpu.memory_space<hbm>> -> memref<2048x1024xf32, #tpu.memory_space<hbm>>
      tpu.enqueue_indirect_dma source(%dma_start3A_732 : memref<2048x1024xf32, #tpu.memory_space<hbm>>) target(%dma_start3A_722 : memref<2x1024xf32, #tpu.memory_space<vmem>>) offsets(%dma_start3A_725 : memref<2xi32, #tpu.memory_space<vmem>>) semaphore(%arg7 : memref<!tpu.dma_semaphore, #tpu.memory_space<semaphore_mem>>)
    }
    %scan3A_323 = arith.constant 16 : i32
    %add3A_324 = arith.constant 0 : i32
    %add3A_325 = arith.addi %mul3A_32, %add3A_324 : i32
    %dma_wait3A_326 = arith.constant 1 : i32
    %dma_wait3A_327 = arith.constant 0 : i32
    %dma_wait3A_328 = arith.constant 0 : i32
    %dma_wait3A_329 = arith.constant 0 : i32
    %dma_wait3A_330 = tpu.memref_slice %arg6[%dma_wait3A_326, %dma_wait3A_327, %dma_wait3A_328, %dma_wait3A_329] : memref<3x16x2x1024xf32, #tpu.memory_space<vmem>> -> memref<1x16x2x1024xf32, #tpu.memory_space<vmem>>
    %dma_wait3A_331 = tpu.memref_squeeze %dma_wait3A_330 : memref<1x16x2x1024xf32, #tpu.memory_space<vmem>> -> memref<16x2x1024xf32, #tpu.memory_space<vmem>>
    %dma_wait3A_332 = arith.constant 0 : i32
    %dma_wait3A_333 = arith.constant 0 : i32
    %dma_wait3A_334 = tpu.memref_slice %arg4[%select_n3A, %add3A_325, %dma_wait3A_332, %dma_wait3A_333] : memref<4x1024x2x1024xf32, #tpu.memory_space<hbm>> -> memref<1x16x2x1024xf32, #tpu.memory_space<hbm>>
    %dma_wait3A_335 = tpu.memref_squeeze %dma_wait3A_334 : memref<1x16x2x1024xf32, #tpu.memory_space<hbm>> -> memref<16x2x1024xf32, #tpu.memory_space<hbm>>
    %dma_wait3A_336 = arith.constant 0 : i32
    %dma_wait3A_337 = arith.constant 0 : i32
    %dma_wait3A_338 = arith.constant 0 : i32
    %dma_wait3A_339 = tpu.memref_slice %arg6[%dma_wait3A_326, %dma_wait3A_336, %dma_wait3A_337, %dma_wait3A_338] : memref<3x16x2x1024xf32, #tpu.memory_space<vmem>> -> memref<1x16x2x1024xf32, #tpu.memory_space<vmem>>
    %dma_wait3A_340 = tpu.memref_squeeze %dma_wait3A_339 : memref<1x16x2x1024xf32, #tpu.memory_space<vmem>> -> memref<16x2x1024xf32, #tpu.memory_space<vmem>>
    %dma_wait3A_341 = arith.constant 0 : i32
    %dma_wait3A_342 = arith.constant 0 : i32
    %dma_wait3A_343 = tpu.memref_slice %arg4[%select_n3A, %add3A_325, %dma_wait3A_341, %dma_wait3A_342] : memref<4x1024x2x1024xf32, #tpu.memory_space<hbm>> -> memref<1x16x2x1024xf32, #tpu.memory_space<hbm>>
    %dma_wait3A_344 = tpu.memref_squeeze %dma_wait3A_343 : memref<1x16x2x1024xf32, #tpu.memory_space<hbm>> -> memref<16x2x1024xf32, #tpu.memory_space<hbm>>
    tpu.wait_dma2 semaphore(%arg7 : memref<!tpu.dma_semaphore, #tpu.memory_space<semaphore_mem>>) src(%dma_wait3A_344 : memref<16x2x1024xf32, #tpu.memory_space<hbm>>) dst(%dma_wait3A_340 : memref<16x2x1024xf32, #tpu.memory_space<vmem>>)
    %add3A_345 = arith.constant 64 : i32
    %add3A_346 = arith.addi %mul3A_32, %add3A_345 : i32
    %dma_start3A_347 = arith.constant 1 : i32
    %dma_start3A_348 = arith.constant 0 : i32
    %dma_start3A_349 = arith.constant 0 : i32
    %dma_start3A_350 = arith.constant 0 : i32
    %dma_start3A_351 = tpu.memref_slice %arg6[%dma_start3A_347, %dma_start3A_348, %dma_start3A_349, %dma_start3A_350] : memref<3x16x2x1024xf32, #tpu.memory_space<vmem>> -> memref<1x16x2x1024xf32, #tpu.memory_space<vmem>>
    %dma_start3A_352 = tpu.memref_squeeze %dma_start3A_351 : memref<1x16x2x1024xf32, #tpu.memory_space<vmem>> -> memref<16x2x1024xf32, #tpu.memory_space<vmem>>
    %dma_start3A_353 = arith.constant 0 : i32
    %dma_start3A_354 = arith.constant 0 : i32
    %dma_start3A_355 = tpu.memref_slice %arg4[%select_n3A, %add3A_346, %dma_start3A_353, %dma_start3A_354] : memref<4x1024x2x1024xf32, #tpu.memory_space<hbm>> -> memref<1x16x2x1024xf32, #tpu.memory_space<hbm>>
    %dma_start3A_356 = tpu.memref_squeeze %dma_start3A_355 : memref<1x16x2x1024xf32, #tpu.memory_space<hbm>> -> memref<16x2x1024xf32, #tpu.memory_space<hbm>>
    %dma_start3A_357 = arith.constant 0 : i32
    %dma_start3A_358 = arith.constant 0 : i32
    %dma_start3A_359 = tpu.memref_slice %arg4[%select_n3A, %add3A_346, %dma_start3A_357, %dma_start3A_358] : memref<4x1024x2x1024xf32, #tpu.memory_space<hbm>> -> memref<1x16x2x1024xf32, #tpu.memory_space<hbm>>
    %dma_start3A_360 = tpu.memref_squeeze %dma_start3A_359 : memref<1x16x2x1024xf32, #tpu.memory_space<hbm>> -> memref<16x2x1024xf32, #tpu.memory_space<hbm>>
    %dma_start3A_361 = arith.constant 0 : i32
    %dma_start3A_362 = arith.constant 0 : i32
    %dma_start3A_363 = arith.constant 0 : i32
    %dma_start3A_364 = tpu.memref_slice %arg6[%dma_start3A_347, %dma_start3A_361, %dma_start3A_362, %dma_start3A_363] : memref<3x16x2x1024xf32, #tpu.memory_space<vmem>> -> memref<1x16x2x1024xf32, #tpu.memory_space<vmem>>
    %dma_start3A_365 = tpu.memref_squeeze %dma_start3A_364 : memref<1x16x2x1024xf32, #tpu.memory_space<vmem>> -> memref<16x2x1024xf32, #tpu.memory_space<vmem>>
    tpu.enqueue_dma source(%dma_start3A_365 : memref<16x2x1024xf32, #tpu.memory_space<vmem>>) target(%dma_start3A_360 : memref<16x2x1024xf32, #tpu.memory_space<hbm>>) target_semaphore(%arg8 : memref<!tpu.dma_semaphore, #tpu.memory_space<semaphore_mem>>)
    %add3A_366 = arith.constant 0 : i32
    %add3A_367 = arith.addi %mul3A_32, %add3A_366 : i32
    %dma_wait3A_368 = arith.constant 1 : i32
    %dma_wait3A_369 = arith.constant 0 : i32
    %dma_wait3A_370 = arith.constant 0 : i32
    %dma_wait3A_371 = arith.constant 0 : i32
    %dma_wait3A_372 = tpu.memref_slice %arg6[%dma_wait3A_368, %dma_wait3A_369, %dma_wait3A_370, %dma_wait3A_371] : memref<3x16x2x1024xf32, #tpu.memory_space<vmem>> -> memref<1x16x2x1024xf32, #tpu.memory_space<vmem>>
    %dma_wait3A_373 = tpu.memref_squeeze %dma_wait3A_372 : memref<1x16x2x1024xf32, #tpu.memory_space<vmem>> -> memref<16x2x1024xf32, #tpu.memory_space<vmem>>
    %dma_wait3A_374 = arith.constant 0 : i32
    %dma_wait3A_375 = arith.constant 0 : i32
    %dma_wait3A_376 = tpu.memref_slice %arg4[%select_n3A, %add3A_367, %dma_wait3A_374, %dma_wait3A_375] : memref<4x1024x2x1024xf32, #tpu.memory_space<hbm>> -> memref<1x16x2x1024xf32, #tpu.memory_space<hbm>>
    %dma_wait3A_377 = tpu.memref_squeeze %dma_wait3A_376 : memref<1x16x2x1024xf32, #tpu.memory_space<hbm>> -> memref<16x2x1024xf32, #tpu.memory_space<hbm>>
    %dma_wait3A_378 = arith.constant 0 : i32
    %dma_wait3A_379 = arith.constant 0 : i32
    %dma_wait3A_380 = arith.constant 0 : i32
    %dma_wait3A_381 = tpu.memref_slice %arg6[%dma_wait3A_368, %dma_wait3A_378, %dma_wait3A_379, %dma_wait3A_380] : memref<3x16x2x1024xf32, #tpu.memory_space<vmem>> -> memref<1x16x2x1024xf32, #tpu.memory_space<vmem>>
    %dma_wait3A_382 = tpu.memref_squeeze %dma_wait3A_381 : memref<1x16x2x1024xf32, #tpu.memory_space<vmem>> -> memref<16x2x1024xf32, #tpu.memory_space<vmem>>
    %dma_wait3A_383 = arith.constant 0 : i32
    %dma_wait3A_384 = arith.constant 0 : i32
    %dma_wait3A_385 = tpu.memref_slice %arg4[%select_n3A, %add3A_367, %dma_wait3A_383, %dma_wait3A_384] : memref<4x1024x2x1024xf32, #tpu.memory_space<hbm>> -> memref<1x16x2x1024xf32, #tpu.memory_space<hbm>>
    %dma_wait3A_386 = tpu.memref_squeeze %dma_wait3A_385 : memref<1x16x2x1024xf32, #tpu.memory_space<hbm>> -> memref<16x2x1024xf32, #tpu.memory_space<hbm>>
    tpu.wait_dma2 semaphore(%arg8 : memref<!tpu.dma_semaphore, #tpu.memory_space<semaphore_mem>>) src(%dma_wait3A_386 : memref<16x2x1024xf32, #tpu.memory_space<hbm>>) dst(%dma_wait3A_382 : memref<16x2x1024xf32, #tpu.memory_space<vmem>>)
    %scan3A_387 = arith.constant 0 : i32
    %scan3A_388 = arith.constant 0 : i32
    %scan3A_389 = arith.constant 16 : i32
    %scan3A_390 = arith.addi %scan3A_388, %scan3A_389 : i32
    %scan3A_391 = arith.constant 8 : i32
    scf.for %scan3A_582 = %scan3A_388 to %scan3A_390 step %scan3A_391  : i32 {
      %add3A_583 = arith.constant 112 : i32
      %add3A_584 = arith.addi %add3A_583, %scan3A_582 : i32
      %dma_start3A_585 = arith.constant 1 : i32
      %dma_start3A_586 = arith.constant 0 : i32
      %dma_start3A_587 = arith.constant 0 : i32
      %dma_start3A_588 = tpu.memref_slice %arg6[%dma_start3A_585, %scan3A_582, %dma_start3A_586, %dma_start3A_587] : memref<3x16x2x1024xf32, #tpu.memory_space<vmem>> -> memref<1x1x2x1024xf32, #tpu.memory_space<vmem>>
      %dma_start3A_589 = tpu.memref_squeeze %dma_start3A_588 : memref<1x1x2x1024xf32, #tpu.memory_space<vmem>> -> memref<2x1024xf32, #tpu.memory_space<vmem>>
      %dma_start3A_590 = arith.constant 0 : i32
      %dma_start3A_591 = tpu.memref_slice %arg5[%add3A_584, %dma_start3A_590] : memref<128x2xi32, #tpu.memory_space<vmem>> -> memref<1x2xi32, #tpu.memory_space<vmem>>
      %dma_start3A_592 = tpu.memref_squeeze %dma_start3A_591 : memref<1x2xi32, #tpu.memory_space<vmem>> -> memref<2xi32, #tpu.memory_space<vmem>>
      %dma_start3A_593 = arith.constant 0 : i32
      %dma_start3A_594 = arith.constant 0 : i32
      %dma_start3A_595 = tpu.memref_slice %arg2[%select_n3A, %dma_start3A_593, %dma_start3A_594] : memref<4x2048x1024xf32, #tpu.memory_space<hbm>> -> memref<1x2048x1024xf32, #tpu.memory_space<hbm>>
      %dma_start3A_596 = tpu.memref_squeeze %dma_start3A_595 : memref<1x2048x1024xf32, #tpu.memory_space<hbm>> -> memref<2048x1024xf32, #tpu.memory_space<hbm>>
      %dma_start3A_597 = arith.constant 0 : i32
      %dma_start3A_598 = arith.constant 0 : i32
      %dma_start3A_599 = tpu.memref_slice %dma_start3A_596[%dma_start3A_597, %dma_start3A_598] : memref<2048x1024xf32, #tpu.memory_space<hbm>> -> memref<2048x1024xf32, #tpu.memory_space<hbm>>
      tpu.enqueue_indirect_dma source(%dma_start3A_599 : memref<2048x1024xf32, #tpu.memory_space<hbm>>) target(%dma_start3A_589 : memref<2x1024xf32, #tpu.memory_space<vmem>>) offsets(%dma_start3A_592 : memref<2xi32, #tpu.memory_space<vmem>>) semaphore(%arg7 : memref<!tpu.dma_semaphore, #tpu.memory_space<semaphore_mem>>)
      %scan3A_600 = arith.constant 1 : i32
      %scan3A_601 = arith.addi %scan3A_582, %scan3A_600 : i32
      %add3A_602 = arith.constant 112 : i32
      %add3A_603 = arith.addi %add3A_602, %scan3A_601 : i32
      %dma_start3A_604 = arith.constant 1 : i32
      %dma_start3A_605 = arith.constant 0 : i32
      %dma_start3A_606 = arith.constant 0 : i32
      %dma_start3A_607 = tpu.memref_slice %arg6[%dma_start3A_604, %scan3A_601, %dma_start3A_605, %dma_start3A_606] : memref<3x16x2x1024xf32, #tpu.memory_space<vmem>> -> memref<1x1x2x1024xf32, #tpu.memory_space<vmem>>
      %dma_start3A_608 = tpu.memref_squeeze %dma_start3A_607 : memref<1x1x2x1024xf32, #tpu.memory_space<vmem>> -> memref<2x1024xf32, #tpu.memory_space<vmem>>
      %dma_start3A_609 = arith.constant 0 : i32
      %dma_start3A_610 = tpu.memref_slice %arg5[%add3A_603, %dma_start3A_609] : memref<128x2xi32, #tpu.memory_space<vmem>> -> memref<1x2xi32, #tpu.memory_space<vmem>>
      %dma_start3A_611 = tpu.memref_squeeze %dma_start3A_610 : memref<1x2xi32, #tpu.memory_space<vmem>> -> memref<2xi32, #tpu.memory_space<vmem>>
      %dma_start3A_612 = arith.constant 0 : i32
      %dma_start3A_613 = arith.constant 0 : i32
      %dma_start3A_614 = tpu.memref_slice %arg2[%select_n3A, %dma_start3A_612, %dma_start3A_613] : memref<4x2048x1024xf32, #tpu.memory_space<hbm>> -> memref<1x2048x1024xf32, #tpu.memory_space<hbm>>
      %dma_start3A_615 = tpu.memref_squeeze %dma_start3A_614 : memref<1x2048x1024xf32, #tpu.memory_space<hbm>> -> memref<2048x1024xf32, #tpu.memory_space<hbm>>
      %dma_start3A_616 = arith.constant 0 : i32
      %dma_start3A_617 = arith.constant 0 : i32
      %dma_start3A_618 = tpu.memref_slice %dma_start3A_615[%dma_start3A_616, %dma_start3A_617] : memref<2048x1024xf32, #tpu.memory_space<hbm>> -> memref<2048x1024xf32, #tpu.memory_space<hbm>>
      tpu.enqueue_indirect_dma source(%dma_start3A_618 : memref<2048x1024xf32, #tpu.memory_space<hbm>>) target(%dma_start3A_608 : memref<2x1024xf32, #tpu.memory_space<vmem>>) offsets(%dma_start3A_611 : memref<2xi32, #tpu.memory_space<vmem>>) semaphore(%arg7 : memref<!tpu.dma_semaphore, #tpu.memory_space<semaphore_mem>>)
      %scan3A_619 = arith.constant 2 : i32
      %scan3A_620 = arith.addi %scan3A_582, %scan3A_619 : i32
      %add3A_621 = arith.constant 112 : i32
      %add3A_622 = arith.addi %add3A_621, %scan3A_620 : i32
      %dma_start3A_623 = arith.constant 1 : i32
      %dma_start3A_624 = arith.constant 0 : i32
      %dma_start3A_625 = arith.constant 0 : i32
      %dma_start3A_626 = tpu.memref_slice %arg6[%dma_start3A_623, %scan3A_620, %dma_start3A_624, %dma_start3A_625] : memref<3x16x2x1024xf32, #tpu.memory_space<vmem>> -> memref<1x1x2x1024xf32, #tpu.memory_space<vmem>>
      %dma_start3A_627 = tpu.memref_squeeze %dma_start3A_626 : memref<1x1x2x1024xf32, #tpu.memory_space<vmem>> -> memref<2x1024xf32, #tpu.memory_space<vmem>>
      %dma_start3A_628 = arith.constant 0 : i32
      %dma_start3A_629 = tpu.memref_slice %arg5[%add3A_622, %dma_start3A_628] : memref<128x2xi32, #tpu.memory_space<vmem>> -> memref<1x2xi32, #tpu.memory_space<vmem>>
      %dma_start3A_630 = tpu.memref_squeeze %dma_start3A_629 : memref<1x2xi32, #tpu.memory_space<vmem>> -> memref<2xi32, #tpu.memory_space<vmem>>
      %dma_start3A_631 = arith.constant 0 : i32
      %dma_start3A_632 = arith.constant 0 : i32
      %dma_start3A_633 = tpu.memref_slice %arg2[%select_n3A, %dma_start3A_631, %dma_start3A_632] : memref<4x2048x1024xf32, #tpu.memory_space<hbm>> -> memref<1x2048x1024xf32, #tpu.memory_space<hbm>>
      %dma_start3A_634 = tpu.memref_squeeze %dma_start3A_633 : memref<1x2048x1024xf32, #tpu.memory_space<hbm>> -> memref<2048x1024xf32, #tpu.memory_space<hbm>>
      %dma_start3A_635 = arith.constant 0 : i32
      %dma_start3A_636 = arith.constant 0 : i32
      %dma_start3A_637 = tpu.memref_slice %dma_start3A_634[%dma_start3A_635, %dma_start3A_636] : memref<2048x1024xf32, #tpu.memory_space<hbm>> -> memref<2048x1024xf32, #tpu.memory_space<hbm>>
      tpu.enqueue_indirect_dma source(%dma_start3A_637 : memref<2048x1024xf32, #tpu.memory_space<hbm>>) target(%dma_start3A_627 : memref<2x1024xf32, #tpu.memory_space<vmem>>) offsets(%dma_start3A_630 : memref<2xi32, #tpu.memory_space<vmem>>) semaphore(%arg7 : memref<!tpu.dma_semaphore, #tpu.memory_space<semaphore_mem>>)
      %scan3A_638 = arith.constant 3 : i32
      %scan3A_639 = arith.addi %scan3A_582, %scan3A_638 : i32
      %add3A_640 = arith.constant 112 : i32
      %add3A_641 = arith.addi %add3A_640, %scan3A_639 : i32
      %dma_start3A_642 = arith.constant 1 : i32
      %dma_start3A_643 = arith.constant 0 : i32
      %dma_start3A_644 = arith.constant 0 : i32
      %dma_start3A_645 = tpu.memref_slice %arg6[%dma_start3A_642, %scan3A_639, %dma_start3A_643, %dma_start3A_644] : memref<3x16x2x1024xf32, #tpu.memory_space<vmem>> -> memref<1x1x2x1024xf32, #tpu.memory_space<vmem>>
      %dma_start3A_646 = tpu.memref_squeeze %dma_start3A_645 : memref<1x1x2x1024xf32, #tpu.memory_space<vmem>> -> memref<2x1024xf32, #tpu.memory_space<vmem>>
      %dma_start3A_647 = arith.constant 0 : i32
      %dma_start3A_648 = tpu.memref_slice %arg5[%add3A_641, %dma_start3A_647] : memref<128x2xi32, #tpu.memory_space<vmem>> -> memref<1x2xi32, #tpu.memory_space<vmem>>
      %dma_start3A_649 = tpu.memref_squeeze %dma_start3A_648 : memref<1x2xi32, #tpu.memory_space<vmem>> -> memref<2xi32, #tpu.memory_space<vmem>>
      %dma_start3A_650 = arith.constant 0 : i32
      %dma_start3A_651 = arith.constant 0 : i32
      %dma_start3A_652 = tpu.memref_slice %arg2[%select_n3A, %dma_start3A_650, %dma_start3A_651] : memref<4x2048x1024xf32, #tpu.memory_space<hbm>> -> memref<1x2048x1024xf32, #tpu.memory_space<hbm>>
      %dma_start3A_653 = tpu.memref_squeeze %dma_start3A_652 : memref<1x2048x1024xf32, #tpu.memory_space<hbm>> -> memref<2048x1024xf32, #tpu.memory_space<hbm>>
      %dma_start3A_654 = arith.constant 0 : i32
      %dma_start3A_655 = arith.constant 0 : i32
      %dma_start3A_656 = tpu.memref_slice %dma_start3A_653[%dma_start3A_654, %dma_start3A_655] : memref<2048x1024xf32, #tpu.memory_space<hbm>> -> memref<2048x1024xf32, #tpu.memory_space<hbm>>
      tpu.enqueue_indirect_dma source(%dma_start3A_656 : memref<2048x1024xf32, #tpu.memory_space<hbm>>) target(%dma_start3A_646 : memref<2x1024xf32, #tpu.memory_space<vmem>>) offsets(%dma_start3A_649 : memref<2xi32, #tpu.memory_space<vmem>>) semaphore(%arg7 : memref<!tpu.dma_semaphore, #tpu.memory_space<semaphore_mem>>)
      %scan3A_657 = arith.constant 4 : i32
      %scan3A_658 = arith.addi %scan3A_582, %scan3A_657 : i32
      %add3A_659 = arith.constant 112 : i32
      %add3A_660 = arith.addi %add3A_659, %scan3A_658 : i32
      %dma_start3A_661 = arith.constant 1 : i32
      %dma_start3A_662 = arith.constant 0 : i32
      %dma_start3A_663 = arith.constant 0 : i32
      %dma_start3A_664 = tpu.memref_slice %arg6[%dma_start3A_661, %scan3A_658, %dma_start3A_662, %dma_start3A_663] : memref<3x16x2x1024xf32, #tpu.memory_space<vmem>> -> memref<1x1x2x1024xf32, #tpu.memory_space<vmem>>
      %dma_start3A_665 = tpu.memref_squeeze %dma_start3A_664 : memref<1x1x2x1024xf32, #tpu.memory_space<vmem>> -> memref<2x1024xf32, #tpu.memory_space<vmem>>
      %dma_start3A_666 = arith.constant 0 : i32
      %dma_start3A_667 = tpu.memref_slice %arg5[%add3A_660, %dma_start3A_666] : memref<128x2xi32, #tpu.memory_space<vmem>> -> memref<1x2xi32, #tpu.memory_space<vmem>>
      %dma_start3A_668 = tpu.memref_squeeze %dma_start3A_667 : memref<1x2xi32, #tpu.memory_space<vmem>> -> memref<2xi32, #tpu.memory_space<vmem>>
      %dma_start3A_669 = arith.constant 0 : i32
      %dma_start3A_670 = arith.constant 0 : i32
      %dma_start3A_671 = tpu.memref_slice %arg2[%select_n3A, %dma_start3A_669, %dma_start3A_670] : memref<4x2048x1024xf32, #tpu.memory_space<hbm>> -> memref<1x2048x1024xf32, #tpu.memory_space<hbm>>
      %dma_start3A_672 = tpu.memref_squeeze %dma_start3A_671 : memref<1x2048x1024xf32, #tpu.memory_space<hbm>> -> memref<2048x1024xf32, #tpu.memory_space<hbm>>
      %dma_start3A_673 = arith.constant 0 : i32
      %dma_start3A_674 = arith.constant 0 : i32
      %dma_start3A_675 = tpu.memref_slice %dma_start3A_672[%dma_start3A_673, %dma_start3A_674] : memref<2048x1024xf32, #tpu.memory_space<hbm>> -> memref<2048x1024xf32, #tpu.memory_space<hbm>>
      tpu.enqueue_indirect_dma source(%dma_start3A_675 : memref<2048x1024xf32, #tpu.memory_space<hbm>>) target(%dma_start3A_665 : memref<2x1024xf32, #tpu.memory_space<vmem>>) offsets(%dma_start3A_668 : memref<2xi32, #tpu.memory_space<vmem>>) semaphore(%arg7 : memref<!tpu.dma_semaphore, #tpu.memory_space<semaphore_mem>>)
      %scan3A_676 = arith.constant 5 : i32
      %scan3A_677 = arith.addi %scan3A_582, %scan3A_676 : i32
      %add3A_678 = arith.constant 112 : i32
      %add3A_679 = arith.addi %add3A_678, %scan3A_677 : i32
      %dma_start3A_680 = arith.constant 1 : i32
      %dma_start3A_681 = arith.constant 0 : i32
      %dma_start3A_682 = arith.constant 0 : i32
      %dma_start3A_683 = tpu.memref_slice %arg6[%dma_start3A_680, %scan3A_677, %dma_start3A_681, %dma_start3A_682] : memref<3x16x2x1024xf32, #tpu.memory_space<vmem>> -> memref<1x1x2x1024xf32, #tpu.memory_space<vmem>>
      %dma_start3A_684 = tpu.memref_squeeze %dma_start3A_683 : memref<1x1x2x1024xf32, #tpu.memory_space<vmem>> -> memref<2x1024xf32, #tpu.memory_space<vmem>>
      %dma_start3A_685 = arith.constant 0 : i32
      %dma_start3A_686 = tpu.memref_slice %arg5[%add3A_679, %dma_start3A_685] : memref<128x2xi32, #tpu.memory_space<vmem>> -> memref<1x2xi32, #tpu.memory_space<vmem>>
      %dma_start3A_687 = tpu.memref_squeeze %dma_start3A_686 : memref<1x2xi32, #tpu.memory_space<vmem>> -> memref<2xi32, #tpu.memory_space<vmem>>
      %dma_start3A_688 = arith.constant 0 : i32
      %dma_start3A_689 = arith.constant 0 : i32
      %dma_start3A_690 = tpu.memref_slice %arg2[%select_n3A, %dma_start3A_688, %dma_start3A_689] : memref<4x2048x1024xf32, #tpu.memory_space<hbm>> -> memref<1x2048x1024xf32, #tpu.memory_space<hbm>>
      %dma_start3A_691 = tpu.memref_squeeze %dma_start3A_690 : memref<1x2048x1024xf32, #tpu.memory_space<hbm>> -> memref<2048x1024xf32, #tpu.memory_space<hbm>>
      %dma_start3A_692 = arith.constant 0 : i32
      %dma_start3A_693 = arith.constant 0 : i32
      %dma_start3A_694 = tpu.memref_slice %dma_start3A_691[%dma_start3A_692, %dma_start3A_693] : memref<2048x1024xf32, #tpu.memory_space<hbm>> -> memref<2048x1024xf32, #tpu.memory_space<hbm>>
      tpu.enqueue_indirect_dma source(%dma_start3A_694 : memref<2048x1024xf32, #tpu.memory_space<hbm>>) target(%dma_start3A_684 : memref<2x1024xf32, #tpu.memory_space<vmem>>) offsets(%dma_start3A_687 : memref<2xi32, #tpu.memory_space<vmem>>) semaphore(%arg7 : memref<!tpu.dma_semaphore, #tpu.memory_space<semaphore_mem>>)
      %scan3A_695 = arith.constant 6 : i32
      %scan3A_696 = arith.addi %scan3A_582, %scan3A_695 : i32
      %add3A_697 = arith.constant 112 : i32
      %add3A_698 = arith.addi %add3A_697, %scan3A_696 : i32
      %dma_start3A_699 = arith.constant 1 : i32
      %dma_start3A_700 = arith.constant 0 : i32
      %dma_start3A_701 = arith.constant 0 : i32
      %dma_start3A_702 = tpu.memref_slice %arg6[%dma_start3A_699, %scan3A_696, %dma_start3A_700, %dma_start3A_701] : memref<3x16x2x1024xf32, #tpu.memory_space<vmem>> -> memref<1x1x2x1024xf32, #tpu.memory_space<vmem>>
      %dma_start3A_703 = tpu.memref_squeeze %dma_start3A_702 : memref<1x1x2x1024xf32, #tpu.memory_space<vmem>> -> memref<2x1024xf32, #tpu.memory_space<vmem>>
      %dma_start3A_704 = arith.constant 0 : i32
      %dma_start3A_705 = tpu.memref_slice %arg5[%add3A_698, %dma_start3A_704] : memref<128x2xi32, #tpu.memory_space<vmem>> -> memref<1x2xi32, #tpu.memory_space<vmem>>
      %dma_start3A_706 = tpu.memref_squeeze %dma_start3A_705 : memref<1x2xi32, #tpu.memory_space<vmem>> -> memref<2xi32, #tpu.memory_space<vmem>>
      %dma_start3A_707 = arith.constant 0 : i32
      %dma_start3A_708 = arith.constant 0 : i32
      %dma_start3A_709 = tpu.memref_slice %arg2[%select_n3A, %dma_start3A_707, %dma_start3A_708] : memref<4x2048x1024xf32, #tpu.memory_space<hbm>> -> memref<1x2048x1024xf32, #tpu.memory_space<hbm>>
      %dma_start3A_710 = tpu.memref_squeeze %dma_start3A_709 : memref<1x2048x1024xf32, #tpu.memory_space<hbm>> -> memref<2048x1024xf32, #tpu.memory_space<hbm>>
      %dma_start3A_711 = arith.constant 0 : i32
      %dma_start3A_712 = arith.constant 0 : i32
      %dma_start3A_713 = tpu.memref_slice %dma_start3A_710[%dma_start3A_711, %dma_start3A_712] : memref<2048x1024xf32, #tpu.memory_space<hbm>> -> memref<2048x1024xf32, #tpu.memory_space<hbm>>
      tpu.enqueue_indirect_dma source(%dma_start3A_713 : memref<2048x1024xf32, #tpu.memory_space<hbm>>) target(%dma_start3A_703 : memref<2x1024xf32, #tpu.memory_space<vmem>>) offsets(%dma_start3A_706 : memref<2xi32, #tpu.memory_space<vmem>>) semaphore(%arg7 : memref<!tpu.dma_semaphore, #tpu.memory_space<semaphore_mem>>)
      %scan3A_714 = arith.constant 7 : i32
      %scan3A_715 = arith.addi %scan3A_582, %scan3A_714 : i32
      %add3A_716 = arith.constant 112 : i32
      %add3A_717 = arith.addi %add3A_716, %scan3A_715 : i32
      %dma_start3A_718 = arith.constant 1 : i32
      %dma_start3A_719 = arith.constant 0 : i32
      %dma_start3A_720 = arith.constant 0 : i32
      %dma_start3A_721 = tpu.memref_slice %arg6[%dma_start3A_718, %scan3A_715, %dma_start3A_719, %dma_start3A_720] : memref<3x16x2x1024xf32, #tpu.memory_space<vmem>> -> memref<1x1x2x1024xf32, #tpu.memory_space<vmem>>
      %dma_start3A_722 = tpu.memref_squeeze %dma_start3A_721 : memref<1x1x2x1024xf32, #tpu.memory_space<vmem>> -> memref<2x1024xf32, #tpu.memory_space<vmem>>
      %dma_start3A_723 = arith.constant 0 : i32
      %dma_start3A_724 = tpu.memref_slice %arg5[%add3A_717, %dma_start3A_723] : memref<128x2xi32, #tpu.memory_space<vmem>> -> memref<1x2xi32, #tpu.memory_space<vmem>>
      %dma_start3A_725 = tpu.memref_squeeze %dma_start3A_724 : memref<1x2xi32, #tpu.memory_space<vmem>> -> memref<2xi32, #tpu.memory_space<vmem>>
      %dma_start3A_726 = arith.constant 0 : i32
      %dma_start3A_727 = arith.constant 0 : i32
      %dma_start3A_728 = tpu.memref_slice %arg2[%select_n3A, %dma_start3A_726, %dma_start3A_727] : memref<4x2048x1024xf32, #tpu.memory_space<hbm>> -> memref<1x2048x1024xf32, #tpu.memory_space<hbm>>
      %dma_start3A_729 = tpu.memref_squeeze %dma_start3A_728 : memref<1x2048x1024xf32, #tpu.memory_space<hbm>> -> memref<2048x1024xf32, #tpu.memory_space<hbm>>
      %dma_start3A_730 = arith.constant 0 : i32
      %dma_start3A_731 = arith.constant 0 : i32
      %dma_start3A_732 = tpu.memref_slice %dma_start3A_729[%dma_start3A_730, %dma_start3A_731] : memref<2048x1024xf32, #tpu.memory_space<hbm>> -> memref<2048x1024xf32, #tpu.memory_space<hbm>>
      tpu.enqueue_indirect_dma source(%dma_start3A_732 : memref<2048x1024xf32, #tpu.memory_space<hbm>>) target(%dma_start3A_722 : memref<2x1024xf32, #tpu.memory_space<vmem>>) offsets(%dma_start3A_725 : memref<2xi32, #tpu.memory_space<vmem>>) semaphore(%arg7 : memref<!tpu.dma_semaphore, #tpu.memory_space<semaphore_mem>>)
    }
    %scan3A_392 = arith.constant 16 : i32
    %add3A_393 = arith.constant 0 : i32
    %add3A_394 = arith.addi %mul3A_32, %add3A_393 : i32
    %dma_wait3A_395 = arith.constant 2 : i32
    %dma_wait3A_396 = arith.constant 0 : i32
    %dma_wait3A_397 = arith.constant 0 : i32
    %dma_wait3A_398 = arith.constant 0 : i32
    %dma_wait3A_399 = tpu.memref_slice %arg6[%dma_wait3A_395, %dma_wait3A_396, %dma_wait3A_397, %dma_wait3A_398] : memref<3x16x2x1024xf32, #tpu.memory_space<vmem>> -> memref<1x16x2x1024xf32, #tpu.memory_space<vmem>>
    %dma_wait3A_400 = tpu.memref_squeeze %dma_wait3A_399 : memref<1x16x2x1024xf32, #tpu.memory_space<vmem>> -> memref<16x2x1024xf32, #tpu.memory_space<vmem>>
    %dma_wait3A_401 = arith.constant 0 : i32
    %dma_wait3A_402 = arith.constant 0 : i32
    %dma_wait3A_403 = tpu.memref_slice %arg4[%select_n3A, %add3A_394, %dma_wait3A_401, %dma_wait3A_402] : memref<4x1024x2x1024xf32, #tpu.memory_space<hbm>> -> memref<1x16x2x1024xf32, #tpu.memory_space<hbm>>
    %dma_wait3A_404 = tpu.memref_squeeze %dma_wait3A_403 : memref<1x16x2x1024xf32, #tpu.memory_space<hbm>> -> memref<16x2x1024xf32, #tpu.memory_space<hbm>>
    %dma_wait3A_405 = arith.constant 0 : i32
    %dma_wait3A_406 = arith.constant 0 : i32
    %dma_wait3A_407 = arith.constant 0 : i32
    %dma_wait3A_408 = tpu.memref_slice %arg6[%dma_wait3A_395, %dma_wait3A_405, %dma_wait3A_406, %dma_wait3A_407] : memref<3x16x2x1024xf32, #tpu.memory_space<vmem>> -> memref<1x16x2x1024xf32, #tpu.memory_space<vmem>>
    %dma_wait3A_409 = tpu.memref_squeeze %dma_wait3A_408 : memref<1x16x2x1024xf32, #tpu.memory_space<vmem>> -> memref<16x2x1024xf32, #tpu.memory_space<vmem>>
    %dma_wait3A_410 = arith.constant 0 : i32
    %dma_wait3A_411 = arith.constant 0 : i32
    %dma_wait3A_412 = tpu.memref_slice %arg4[%select_n3A, %add3A_394, %dma_wait3A_410, %dma_wait3A_411] : memref<4x1024x2x1024xf32, #tpu.memory_space<hbm>> -> memref<1x16x2x1024xf32, #tpu.memory_space<hbm>>
    %dma_wait3A_413 = tpu.memref_squeeze %dma_wait3A_412 : memref<1x16x2x1024xf32, #tpu.memory_space<hbm>> -> memref<16x2x1024xf32, #tpu.memory_space<hbm>>
    tpu.wait_dma2 semaphore(%arg7 : memref<!tpu.dma_semaphore, #tpu.memory_space<semaphore_mem>>) src(%dma_wait3A_413 : memref<16x2x1024xf32, #tpu.memory_space<hbm>>) dst(%dma_wait3A_409 : memref<16x2x1024xf32, #tpu.memory_space<vmem>>)
    %add3A_414 = arith.constant 80 : i32
    %add3A_415 = arith.addi %mul3A_32, %add3A_414 : i32
    %dma_start3A_416 = arith.constant 2 : i32
    %dma_start3A_417 = arith.constant 0 : i32
    %dma_start3A_418 = arith.constant 0 : i32
    %dma_start3A_419 = arith.constant 0 : i32
    %dma_start3A_420 = tpu.memref_slice %arg6[%dma_start3A_416, %dma_start3A_417, %dma_start3A_418, %dma_start3A_419] : memref<3x16x2x1024xf32, #tpu.memory_space<vmem>> -> memref<1x16x2x1024xf32, #tpu.memory_space<vmem>>
    %dma_start3A_421 = tpu.memref_squeeze %dma_start3A_420 : memref<1x16x2x1024xf32, #tpu.memory_space<vmem>> -> memref<16x2x1024xf32, #tpu.memory_space<vmem>>
    %dma_start3A_422 = arith.constant 0 : i32
    %dma_start3A_423 = arith.constant 0 : i32
    %dma_start3A_424 = tpu.memref_slice %arg4[%select_n3A, %add3A_415, %dma_start3A_422, %dma_start3A_423] : memref<4x1024x2x1024xf32, #tpu.memory_space<hbm>> -> memref<1x16x2x1024xf32, #tpu.memory_space<hbm>>
    %dma_start3A_425 = tpu.memref_squeeze %dma_start3A_424 : memref<1x16x2x1024xf32, #tpu.memory_space<hbm>> -> memref<16x2x1024xf32, #tpu.memory_space<hbm>>
    %dma_start3A_426 = arith.constant 0 : i32
    %dma_start3A_427 = arith.constant 0 : i32
    %dma_start3A_428 = tpu.memref_slice %arg4[%select_n3A, %add3A_415, %dma_start3A_426, %dma_start3A_427] : memref<4x1024x2x1024xf32, #tpu.memory_space<hbm>> -> memref<1x16x2x1024xf32, #tpu.memory_space<hbm>>
    %dma_start3A_429 = tpu.memref_squeeze %dma_start3A_428 : memref<1x16x2x1024xf32, #tpu.memory_space<hbm>> -> memref<16x2x1024xf32, #tpu.memory_space<hbm>>
    %dma_start3A_430 = arith.constant 0 : i32
    %dma_start3A_431 = arith.constant 0 : i32
    %dma_start3A_432 = arith.constant 0 : i32
    %dma_start3A_433 = tpu.memref_slice %arg6[%dma_start3A_416, %dma_start3A_430, %dma_start3A_431, %dma_start3A_432] : memref<3x16x2x1024xf32, #tpu.memory_space<vmem>> -> memref<1x16x2x1024xf32, #tpu.memory_space<vmem>>
    %dma_start3A_434 = tpu.memref_squeeze %dma_start3A_433 : memref<1x16x2x1024xf32, #tpu.memory_space<vmem>> -> memref<16x2x1024xf32, #tpu.memory_space<vmem>>
    tpu.enqueue_dma source(%dma_start3A_434 : memref<16x2x1024xf32, #tpu.memory_space<vmem>>) target(%dma_start3A_429 : memref<16x2x1024xf32, #tpu.memory_space<hbm>>) target_semaphore(%arg8 : memref<!tpu.dma_semaphore, #tpu.memory_space<semaphore_mem>>)
    %add3A_435 = arith.constant 0 : i32
    %add3A_436 = arith.addi %mul3A_32, %add3A_435 : i32
    %dma_wait3A_437 = arith.constant 0 : i32
    %dma_wait3A_438 = arith.constant 0 : i32
    %dma_wait3A_439 = arith.constant 0 : i32
    %dma_wait3A_440 = arith.constant 0 : i32
    %dma_wait3A_441 = tpu.memref_slice %arg6[%dma_wait3A_437, %dma_wait3A_438, %dma_wait3A_439, %dma_wait3A_440] : memref<3x16x2x1024xf32, #tpu.memory_space<vmem>> -> memref<1x16x2x1024xf32, #tpu.memory_space<vmem>>
    %dma_wait3A_442 = tpu.memref_squeeze %dma_wait3A_441 : memref<1x16x2x1024xf32, #tpu.memory_space<vmem>> -> memref<16x2x1024xf32, #tpu.memory_space<vmem>>
    %dma_wait3A_443 = arith.constant 0 : i32
    %dma_wait3A_444 = arith.constant 0 : i32
    %dma_wait3A_445 = tpu.memref_slice %arg4[%select_n3A, %add3A_436, %dma_wait3A_443, %dma_wait3A_444] : memref<4x1024x2x1024xf32, #tpu.memory_space<hbm>> -> memref<1x16x2x1024xf32, #tpu.memory_space<hbm>>
    %dma_wait3A_446 = tpu.memref_squeeze %dma_wait3A_445 : memref<1x16x2x1024xf32, #tpu.memory_space<hbm>> -> memref<16x2x1024xf32, #tpu.memory_space<hbm>>
    %dma_wait3A_447 = arith.constant 0 : i32
    %dma_wait3A_448 = arith.constant 0 : i32
    %dma_wait3A_449 = arith.constant 0 : i32
    %dma_wait3A_450 = tpu.memref_slice %arg6[%dma_wait3A_437, %dma_wait3A_447, %dma_wait3A_448, %dma_wait3A_449] : memref<3x16x2x1024xf32, #tpu.memory_space<vmem>> -> memref<1x16x2x1024xf32, #tpu.memory_space<vmem>>
    %dma_wait3A_451 = tpu.memref_squeeze %dma_wait3A_450 : memref<1x16x2x1024xf32, #tpu.memory_space<vmem>> -> memref<16x2x1024xf32, #tpu.memory_space<vmem>>
    %dma_wait3A_452 = arith.constant 0 : i32
    %dma_wait3A_453 = arith.constant 0 : i32
    %dma_wait3A_454 = tpu.memref_slice %arg4[%select_n3A, %add3A_436, %dma_wait3A_452, %dma_wait3A_453] : memref<4x1024x2x1024xf32, #tpu.memory_space<hbm>> -> memref<1x16x2x1024xf32, #tpu.memory_space<hbm>>
    %dma_wait3A_455 = tpu.memref_squeeze %dma_wait3A_454 : memref<1x16x2x1024xf32, #tpu.memory_space<hbm>> -> memref<16x2x1024xf32, #tpu.memory_space<hbm>>
    tpu.wait_dma2 semaphore(%arg7 : memref<!tpu.dma_semaphore, #tpu.memory_space<semaphore_mem>>) src(%dma_wait3A_455 : memref<16x2x1024xf32, #tpu.memory_space<hbm>>) dst(%dma_wait3A_451 : memref<16x2x1024xf32, #tpu.memory_space<vmem>>)
    %add3A_456 = arith.constant 96 : i32
    %add3A_457 = arith.addi %mul3A_32, %add3A_456 : i32
    %dma_start3A_458 = arith.constant 0 : i32
    %dma_start3A_459 = arith.constant 0 : i32
    %dma_start3A_460 = arith.constant 0 : i32
    %dma_start3A_461 = arith.constant 0 : i32
    %dma_start3A_462 = tpu.memref_slice %arg6[%dma_start3A_458, %dma_start3A_459, %dma_start3A_460, %dma_start3A_461] : memref<3x16x2x1024xf32, #tpu.memory_space<vmem>> -> memref<1x16x2x1024xf32, #tpu.memory_space<vmem>>
    %dma_start3A_463 = tpu.memref_squeeze %dma_start3A_462 : memref<1x16x2x1024xf32, #tpu.memory_space<vmem>> -> memref<16x2x1024xf32, #tpu.memory_space<vmem>>
    %dma_start3A_464 = arith.constant 0 : i32
    %dma_start3A_465 = arith.constant 0 : i32
    %dma_start3A_466 = tpu.memref_slice %arg4[%select_n3A, %add3A_457, %dma_start3A_464, %dma_start3A_465] : memref<4x1024x2x1024xf32, #tpu.memory_space<hbm>> -> memref<1x16x2x1024xf32, #tpu.memory_space<hbm>>
    %dma_start3A_467 = tpu.memref_squeeze %dma_start3A_466 : memref<1x16x2x1024xf32, #tpu.memory_space<hbm>> -> memref<16x2x1024xf32, #tpu.memory_space<hbm>>
    %dma_start3A_468 = arith.constant 0 : i32
    %dma_start3A_469 = arith.constant 0 : i32
    %dma_start3A_470 = tpu.memref_slice %arg4[%select_n3A, %add3A_457, %dma_start3A_468, %dma_start3A_469] : memref<4x1024x2x1024xf32, #tpu.memory_space<hbm>> -> memref<1x16x2x1024xf32, #tpu.memory_space<hbm>>
    %dma_start3A_471 = tpu.memref_squeeze %dma_start3A_470 : memref<1x16x2x1024xf32, #tpu.memory_space<hbm>> -> memref<16x2x1024xf32, #tpu.memory_space<hbm>>
    %dma_start3A_472 = arith.constant 0 : i32
    %dma_start3A_473 = arith.constant 0 : i32
    %dma_start3A_474 = arith.constant 0 : i32
    %dma_start3A_475 = tpu.memref_slice %arg6[%dma_start3A_458, %dma_start3A_472, %dma_start3A_473, %dma_start3A_474] : memref<3x16x2x1024xf32, #tpu.memory_space<vmem>> -> memref<1x16x2x1024xf32, #tpu.memory_space<vmem>>
    %dma_start3A_476 = tpu.memref_squeeze %dma_start3A_475 : memref<1x16x2x1024xf32, #tpu.memory_space<vmem>> -> memref<16x2x1024xf32, #tpu.memory_space<vmem>>
    tpu.enqueue_dma source(%dma_start3A_476 : memref<16x2x1024xf32, #tpu.memory_space<vmem>>) target(%dma_start3A_471 : memref<16x2x1024xf32, #tpu.memory_space<hbm>>) target_semaphore(%arg8 : memref<!tpu.dma_semaphore, #tpu.memory_space<semaphore_mem>>)
    %add3A_477 = arith.constant 0 : i32
    %add3A_478 = arith.addi %mul3A_32, %add3A_477 : i32
    %dma_wait3A_479 = arith.constant 1 : i32
    %dma_wait3A_480 = arith.constant 0 : i32
    %dma_wait3A_481 = arith.constant 0 : i32
    %dma_wait3A_482 = arith.constant 0 : i32
    %dma_wait3A_483 = tpu.memref_slice %arg6[%dma_wait3A_479, %dma_wait3A_480, %dma_wait3A_481, %dma_wait3A_482] : memref<3x16x2x1024xf32, #tpu.memory_space<vmem>> -> memref<1x16x2x1024xf32, #tpu.memory_space<vmem>>
    %dma_wait3A_484 = tpu.memref_squeeze %dma_wait3A_483 : memref<1x16x2x1024xf32, #tpu.memory_space<vmem>> -> memref<16x2x1024xf32, #tpu.memory_space<vmem>>
    %dma_wait3A_485 = arith.constant 0 : i32
    %dma_wait3A_486 = arith.constant 0 : i32
    %dma_wait3A_487 = tpu.memref_slice %arg4[%select_n3A, %add3A_478, %dma_wait3A_485, %dma_wait3A_486] : memref<4x1024x2x1024xf32, #tpu.memory_space<hbm>> -> memref<1x16x2x1024xf32, #tpu.memory_space<hbm>>
    %dma_wait3A_488 = tpu.memref_squeeze %dma_wait3A_487 : memref<1x16x2x1024xf32, #tpu.memory_space<hbm>> -> memref<16x2x1024xf32, #tpu.memory_space<hbm>>
    %dma_wait3A_489 = arith.constant 0 : i32
    %dma_wait3A_490 = arith.constant 0 : i32
    %dma_wait3A_491 = arith.constant 0 : i32
    %dma_wait3A_492 = tpu.memref_slice %arg6[%dma_wait3A_479, %dma_wait3A_489, %dma_wait3A_490, %dma_wait3A_491] : memref<3x16x2x1024xf32, #tpu.memory_space<vmem>> -> memref<1x16x2x1024xf32, #tpu.memory_space<vmem>>
    %dma_wait3A_493 = tpu.memref_squeeze %dma_wait3A_492 : memref<1x16x2x1024xf32, #tpu.memory_space<vmem>> -> memref<16x2x1024xf32, #tpu.memory_space<vmem>>
    %dma_wait3A_494 = arith.constant 0 : i32
    %dma_wait3A_495 = arith.constant 0 : i32
    %dma_wait3A_496 = tpu.memref_slice %arg4[%select_n3A, %add3A_478, %dma_wait3A_494, %dma_wait3A_495] : memref<4x1024x2x1024xf32, #tpu.memory_space<hbm>> -> memref<1x16x2x1024xf32, #tpu.memory_space<hbm>>
    %dma_wait3A_497 = tpu.memref_squeeze %dma_wait3A_496 : memref<1x16x2x1024xf32, #tpu.memory_space<hbm>> -> memref<16x2x1024xf32, #tpu.memory_space<hbm>>
    tpu.wait_dma2 semaphore(%arg7 : memref<!tpu.dma_semaphore, #tpu.memory_space<semaphore_mem>>) src(%dma_wait3A_497 : memref<16x2x1024xf32, #tpu.memory_space<hbm>>) dst(%dma_wait3A_493 : memref<16x2x1024xf32, #tpu.memory_space<vmem>>)
    %add3A_498 = arith.constant 112 : i32
    %add3A_499 = arith.addi %mul3A_32, %add3A_498 : i32
    %dma_start3A_500 = arith.constant 1 : i32
    %dma_start3A_501 = arith.constant 0 : i32
    %dma_start3A_502 = arith.constant 0 : i32
    %dma_start3A_503 = arith.constant 0 : i32
    %dma_start3A_504 = tpu.memref_slice %arg6[%dma_start3A_500, %dma_start3A_501, %dma_start3A_502, %dma_start3A_503] : memref<3x16x2x1024xf32, #tpu.memory_space<vmem>> -> memref<1x16x2x1024xf32, #tpu.memory_space<vmem>>
    %dma_start3A_505 = tpu.memref_squeeze %dma_start3A_504 : memref<1x16x2x1024xf32, #tpu.memory_space<vmem>> -> memref<16x2x1024xf32, #tpu.memory_space<vmem>>
    %dma_start3A_506 = arith.constant 0 : i32
    %dma_start3A_507 = arith.constant 0 : i32
    %dma_start3A_508 = tpu.memref_slice %arg4[%select_n3A, %add3A_499, %dma_start3A_506, %dma_start3A_507] : memref<4x1024x2x1024xf32, #tpu.memory_space<hbm>> -> memref<1x16x2x1024xf32, #tpu.memory_space<hbm>>
    %dma_start3A_509 = tpu.memref_squeeze %dma_start3A_508 : memref<1x16x2x1024xf32, #tpu.memory_space<hbm>> -> memref<16x2x1024xf32, #tpu.memory_space<hbm>>
    %dma_start3A_510 = arith.constant 0 : i32
    %dma_start3A_511 = arith.constant 0 : i32
    %dma_start3A_512 = tpu.memref_slice %arg4[%select_n3A, %add3A_499, %dma_start3A_510, %dma_start3A_511] : memref<4x1024x2x1024xf32, #tpu.memory_space<hbm>> -> memref<1x16x2x1024xf32, #tpu.memory_space<hbm>>
    %dma_start3A_513 = tpu.memref_squeeze %dma_start3A_512 : memref<1x16x2x1024xf32, #tpu.memory_space<hbm>> -> memref<16x2x1024xf32, #tpu.memory_space<hbm>>
    %dma_start3A_514 = arith.constant 0 : i32
    %dma_start3A_515 = arith.constant 0 : i32
    %dma_start3A_516 = arith.constant 0 : i32
    %dma_start3A_517 = tpu.memref_slice %arg6[%dma_start3A_500, %dma_start3A_514, %dma_start3A_515, %dma_start3A_516] : memref<3x16x2x1024xf32, #tpu.memory_space<vmem>> -> memref<1x16x2x1024xf32, #tpu.memory_space<vmem>>
    %dma_start3A_518 = tpu.memref_squeeze %dma_start3A_517 : memref<1x16x2x1024xf32, #tpu.memory_space<vmem>> -> memref<16x2x1024xf32, #tpu.memory_space<vmem>>
    tpu.enqueue_dma source(%dma_start3A_518 : memref<16x2x1024xf32, #tpu.memory_space<vmem>>) target(%dma_start3A_513 : memref<16x2x1024xf32, #tpu.memory_space<hbm>>) target_semaphore(%arg8 : memref<!tpu.dma_semaphore, #tpu.memory_space<semaphore_mem>>)
    %add3A_519 = arith.constant 0 : i32
    %add3A_520 = arith.addi %mul3A_32, %add3A_519 : i32
    %dma_wait3A_521 = arith.constant 0 : i32
    %dma_wait3A_522 = arith.constant 0 : i32
    %dma_wait3A_523 = arith.constant 0 : i32
    %dma_wait3A_524 = arith.constant 0 : i32
    %dma_wait3A_525 = tpu.memref_slice %arg6[%dma_wait3A_521, %dma_wait3A_522, %dma_wait3A_523, %dma_wait3A_524] : memref<3x16x2x1024xf32, #tpu.memory_space<vmem>> -> memref<1x16x2x1024xf32, #tpu.memory_space<vmem>>
    %dma_wait3A_526 = tpu.memref_squeeze %dma_wait3A_525 : memref<1x16x2x1024xf32, #tpu.memory_space<vmem>> -> memref<16x2x1024xf32, #tpu.memory_space<vmem>>
    %dma_wait3A_527 = arith.constant 0 : i32
    %dma_wait3A_528 = arith.constant 0 : i32
    %dma_wait3A_529 = tpu.memref_slice %arg4[%select_n3A, %add3A_520, %dma_wait3A_527, %dma_wait3A_528] : memref<4x1024x2x1024xf32, #tpu.memory_space<hbm>> -> memref<1x16x2x1024xf32, #tpu.memory_space<hbm>>
    %dma_wait3A_530 = tpu.memref_squeeze %dma_wait3A_529 : memref<1x16x2x1024xf32, #tpu.memory_space<hbm>> -> memref<16x2x1024xf32, #tpu.memory_space<hbm>>
    %dma_wait3A_531 = arith.constant 0 : i32
    %dma_wait3A_532 = arith.constant 0 : i32
    %dma_wait3A_533 = arith.constant 0 : i32
    %dma_wait3A_534 = tpu.memref_slice %arg6[%dma_wait3A_521, %dma_wait3A_531, %dma_wait3A_532, %dma_wait3A_533] : memref<3x16x2x1024xf32, #tpu.memory_space<vmem>> -> memref<1x16x2x1024xf32, #tpu.memory_space<vmem>>
    %dma_wait3A_535 = tpu.memref_squeeze %dma_wait3A_534 : memref<1x16x2x1024xf32, #tpu.memory_space<vmem>> -> memref<16x2x1024xf32, #tpu.memory_space<vmem>>
    %dma_wait3A_536 = arith.constant 0 : i32
    %dma_wait3A_537 = arith.constant 0 : i32
    %dma_wait3A_538 = tpu.memref_slice %arg4[%select_n3A, %add3A_520, %dma_wait3A_536, %dma_wait3A_537] : memref<4x1024x2x1024xf32, #tpu.memory_space<hbm>> -> memref<1x16x2x1024xf32, #tpu.memory_space<hbm>>
    %dma_wait3A_539 = tpu.memref_squeeze %dma_wait3A_538 : memref<1x16x2x1024xf32, #tpu.memory_space<hbm>> -> memref<16x2x1024xf32, #tpu.memory_space<hbm>>
    tpu.wait_dma2 semaphore(%arg8 : memref<!tpu.dma_semaphore, #tpu.memory_space<semaphore_mem>>) src(%dma_wait3A_539 : memref<16x2x1024xf32, #tpu.memory_space<hbm>>) dst(%dma_wait3A_535 : memref<16x2x1024xf32, #tpu.memory_space<vmem>>)
    %add3A_540 = arith.constant 0 : i32
    %add3A_541 = arith.addi %mul3A_32, %add3A_540 : i32
    %dma_wait3A_542 = arith.constant 1 : i32
    %dma_wait3A_543 = arith.constant 0 : i32
    %dma_wait3A_544 = arith.constant 0 : i32
    %dma_wait3A_545 = arith.constant 0 : i32
    %dma_wait3A_546 = tpu.memref_slice %arg6[%dma_wait3A_542, %dma_wait3A_543, %dma_wait3A_544, %dma_wait3A_545] : memref<3x16x2x1024xf32, #tpu.memory_space<vmem>> -> memref<1x16x2x1024xf32, #tpu.memory_space<vmem>>
    %dma_wait3A_547 = tpu.memref_squeeze %dma_wait3A_546 : memref<1x16x2x1024xf32, #tpu.memory_space<vmem>> -> memref<16x2x1024xf32, #tpu.memory_space<vmem>>
    %dma_wait3A_548 = arith.constant 0 : i32
    %dma_wait3A_549 = arith.constant 0 : i32
    %dma_wait3A_550 = tpu.memref_slice %arg4[%select_n3A, %add3A_541, %dma_wait3A_548, %dma_wait3A_549] : memref<4x1024x2x1024xf32, #tpu.memory_space<hbm>> -> memref<1x16x2x1024xf32, #tpu.memory_space<hbm>>
    %dma_wait3A_551 = tpu.memref_squeeze %dma_wait3A_550 : memref<1x16x2x1024xf32, #tpu.memory_space<hbm>> -> memref<16x2x1024xf32, #tpu.memory_space<hbm>>
    %dma_wait3A_552 = arith.constant 0 : i32
    %dma_wait3A_553 = arith.constant 0 : i32
    %dma_wait3A_554 = arith.constant 0 : i32
    %dma_wait3A_555 = tpu.memref_slice %arg6[%dma_wait3A_542, %dma_wait3A_552, %dma_wait3A_553, %dma_wait3A_554] : memref<3x16x2x1024xf32, #tpu.memory_space<vmem>> -> memref<1x16x2x1024xf32, #tpu.memory_space<vmem>>
    %dma_wait3A_556 = tpu.memref_squeeze %dma_wait3A_555 : memref<1x16x2x1024xf32, #tpu.memory_space<vmem>> -> memref<16x2x1024xf32, #tpu.memory_space<vmem>>
    %dma_wait3A_557 = arith.constant 0 : i32
    %dma_wait3A_558 = arith.constant 0 : i32
    %dma_wait3A_559 = tpu.memref_slice %arg4[%select_n3A, %add3A_541, %dma_wait3A_557, %dma_wait3A_558] : memref<4x1024x2x1024xf32, #tpu.memory_space<hbm>> -> memref<1x16x2x1024xf32, #tpu.memory_space<hbm>>
    %dma_wait3A_560 = tpu.memref_squeeze %dma_wait3A_559 : memref<1x16x2x1024xf32, #tpu.memory_space<hbm>> -> memref<16x2x1024xf32, #tpu.memory_space<hbm>>
    tpu.wait_dma2 semaphore(%arg8 : memref<!tpu.dma_semaphore, #tpu.memory_space<semaphore_mem>>) src(%dma_wait3A_560 : memref<16x2x1024xf32, #tpu.memory_space<hbm>>) dst(%dma_wait3A_556 : memref<16x2x1024xf32, #tpu.memory_space<vmem>>)
    %add3A_561 = arith.constant 0 : i32
    %add3A_562 = arith.addi %mul3A_32, %add3A_561 : i32
    %dma_wait3A_563 = arith.constant 2 : i32
    %dma_wait3A_564 = arith.constant 0 : i32
    %dma_wait3A_565 = arith.constant 0 : i32
    %dma_wait3A_566 = arith.constant 0 : i32
    %dma_wait3A_567 = tpu.memref_slice %arg6[%dma_wait3A_563, %dma_wait3A_564, %dma_wait3A_565, %dma_wait3A_566] : memref<3x16x2x1024xf32, #tpu.memory_space<vmem>> -> memref<1x16x2x1024xf32, #tpu.memory_space<vmem>>
    %dma_wait3A_568 = tpu.memref_squeeze %dma_wait3A_567 : memref<1x16x2x1024xf32, #tpu.memory_space<vmem>> -> memref<16x2x1024xf32, #tpu.memory_space<vmem>>
    %dma_wait3A_569 = arith.constant 0 : i32
    %dma_wait3A_570 = arith.constant 0 : i32
    %dma_wait3A_571 = tpu.memref_slice %arg4[%select_n3A, %add3A_562, %dma_wait3A_569, %dma_wait3A_570] : memref<4x1024x2x1024xf32, #tpu.memory_space<hbm>> -> memref<1x16x2x1024xf32, #tpu.memory_space<hbm>>
    %dma_wait3A_572 = tpu.memref_squeeze %dma_wait3A_571 : memref<1x16x2x1024xf32, #tpu.memory_space<hbm>> -> memref<16x2x1024xf32, #tpu.memory_space<hbm>>
    %dma_wait3A_573 = arith.constant 0 : i32
    %dma_wait3A_574 = arith.constant 0 : i32
    %dma_wait3A_575 = arith.constant 0 : i32
    %dma_wait3A_576 = tpu.memref_slice %arg6[%dma_wait3A_563, %dma_wait3A_573, %dma_wait3A_574, %dma_wait3A_575] : memref<3x16x2x1024xf32, #tpu.memory_space<vmem>> -> memref<1x16x2x1024xf32, #tpu.memory_space<vmem>>
    %dma_wait3A_577 = tpu.memref_squeeze %dma_wait3A_576 : memref<1x16x2x1024xf32, #tpu.memory_space<vmem>> -> memref<16x2x1024xf32, #tpu.memory_space<vmem>>
    %dma_wait3A_578 = arith.constant 0 : i32
    %dma_wait3A_579 = arith.constant 0 : i32
    %dma_wait3A_580 = tpu.memref_slice %arg4[%select_n3A, %add3A_562, %dma_wait3A_578, %dma_wait3A_579] : memref<4x1024x2x1024xf32, #tpu.memory_space<hbm>> -> memref<1x16x2x1024xf32, #tpu.memory_space<hbm>>
    %dma_wait3A_581 = tpu.memref_squeeze %dma_wait3A_580 : memref<1x16x2x1024xf32, #tpu.memory_space<hbm>> -> memref<16x2x1024xf32, #tpu.memory_space<hbm>>
    tpu.wait_dma2 semaphore(%arg8 : memref<!tpu.dma_semaphore, #tpu.memory_space<semaphore_mem>>) src(%dma_wait3A_581 : memref<16x2x1024xf32, #tpu.memory_space<hbm>>) dst(%dma_wait3A_577 : memref<16x2x1024xf32, #tpu.memory_space<vmem>>)
    return
  }
}

</mosaic_0001>

<sc_bundles>
// kernel: _split_pathways.3.cloned.1.call-start
scs
__scs_entry_jumppad:
0x0: {  	(pc) =	sbr.rel $0x88, $3  }
0x1: {  	(tag) =	ssettag $0x0;
	lr =	simm.s32 $0x1  }
0x2: {  	[smem:$0x3F9F] =	sst lr;
	_ =	strace $0xD0000000  }
0x3: {  	_ = 	snop  }
0x4: {  	_ = 	snop  }
0x5: {  	_ = 	snop  }
0x6: {  	_ = 	snop  }
0x7: {  	_ = 	snop  }
__scs_overlays_trampoline_lowered:
0x8: {  	[smem:$0x3FAE] =	sst s0  }
0x9: {  	[smem:$0x3FAF] =	sst s1  }
0xa: {  	[smem:$0x3FB0] =	sst s2  }
0xb: {  	[smem:$0x3FB1] =	sst s3  }
0xc: {  	[smem:$0x3FB2] =	sst s4  }
0xd: {  	[smem:$0x3FB3] =	sst s5  }
0xe: {  	[smem:$0x3FB4] =	sst s6  }
0xf: {  	[smem:$0x3FB5] =	sst s7  }
0x10: {  	[smem:$0x3FB6] =	sst s8  }
0x11: {  	[smem:$0x3FB7] =	sst s9;
	s0 =	simm.s32 @!p0 $0x0  }
0x12: {  	s1 =	sld [smem:$0x3F9D];
	s0 =	simm.s32 @p0 $0x1  }
0x13: {  	[smem:$0x3FB8] =	sst s0;
	s0 =	simm.s32 @!p1 $0x0  }
0x14: {  	s2 =	sld [smem:$0x3F9C];
	s0 =	simm.s32 @p1 $0x1  }
0x15: {  	[smem:$0x3FB9] =	sst s0;
	s0 =	simm.s32 @!p2 $0x0  }
0x16: {  	s3 =	sld [smem:$0x3FDB];
	s0 =	simm.s32 @p2 $0x1  }
0x17: {  	s4 =	simm.s32 $0x1BF5;
	[smem:$0x3FBB] =	sst s0  }
0x18: {  	s0 =	sld [smem:$0x3F9E];
	_ =	swait.ge [sflag:s4], $0x0  }
0x19: {  	s7 =	sld [smem:$0x3F9F]  }
0x1a: {  	s8 =	sadd.s32 $0xFFFFE003, lr  }
0x1b: {  	s9 =	sadd.s32 $0xFFFFFEF7, lr;
	s5 =	simm.s32 $0xFFFFFFFF;
	p2 =	slt.u32 s8, $0xFFFFF086  }
0x1c: {  	p1 =	slt.u32 s9, $0xF7A;
	s5 =	simm.s32 @!p2 $0x0  }
0x1d: {  	s5 =	simm.s32 @p1 $0x1;
	p0 =	seq.s32 s7, s2  }
0x1e: {  	s7 =	smul.u32 @!p0 $0xF7A, s2;
	p2 =	seq.s32 @!p0 s5, $0x0  }
0x1f: {  	s9 =	smul.u32 $0xF7A, s1;
	s8 =	simm.s32 @!p0 $0x1BF5;
	p2 =	por !p2, p0  }
0x20: {  	[sflag:s8] =	ssyncset.s32 @!p0 $0xFFFFF086;
	s6 =	sadd.s32 @!p0 s3, s7;
	s7 =	simm.s32 @!p0 $0x108  }
0x21: {  	s3 =	sadd.s32 s3, s9;
	s6 =	sadd.s32 @!p0 $0x88, s6;
	s7 =	simm.s32 @p2 $0x1082  }
0x22: {  	[simem:s7], [sflag:s8] =	dma.local @!p0 [hbm:s6], $0xF7A  }
0x23: {  	s9 =	sor.u32 $0xD0000000, s2;
	s6 =	simm.s32 $0x108;
	_ =	swait.ge @!p0 [sflag:s8], $0x0  }
0x24: {  	s3 =	sadd.s32 $0x88, s3;
	s6 =	simm.s32 @!p1 $0x1082;
	[sflag:s4] =	ssyncset.s32 $0xFFFFF086  }
0x25: {  	[simem:s6], [sflag:s4] =	dma.local [hbm:s3], $0xF7A  }
0x26: {  	[smem:$0x3F9F] =	sst s1;
	(tag) =	ssettag s2;
	_ =	strace s9  }
0x27: {  	s1 =	sld [smem:$0x3FAF]  }
0x28: {  	s2 =	sld [smem:$0x3FB0]  }
0x29: {  	s4 =	sld [smem:$0x3FB2]  }
0x2a: {  	p0 =	seq.s32 s5, $0x0;
	s5 =	sld [smem:$0x3FB3]  }
0x2b: {  	s6 =	sld [smem:$0x3FB4]  }
0x2c: {  	s7 =	sld [smem:$0x3FB5]  }
0x2d: {  	s3 =	simm.s32 $0x108;
	s8 =	sld [smem:$0x3FB6]  }
0x2e: {  	s3 =	simm.s32 @!p0 $0x1082;
	s9 =	sld [smem:$0x3FB7]  }
0x2f: {  	lr =	sadd.s32 s0, s3;
	s0 =	sld [smem:$0x3FAE]  }
0x30: {  	s3 =	sld [smem:$0x3FB1]  }
0x31: {  	[smem:$0x3FBA] =	sst s10  }
0x32: {  	s10 =	sld [smem:$0x3FB8];
	_ =	sdelay $0x3  }
0x33: {  	p0 =	seq.s32 s10, $0x1;
	s10 =	sld [smem:$0x3FBA];
	_ =	sdelay $0x3  }
0x34: {  	[smem:$0x3FBA] =	sst s10  }
0x35: {  	s10 =	sld [smem:$0x3FB9];
	_ =	sdelay $0x3  }
0x36: {  	p1 =	seq.s32 s10, $0x1;
	s10 =	sld [smem:$0x3FBA];
	_ =	sdelay $0x3  }
0x37: {  	[smem:$0x3FBA] =	sst s10  }
0x38: {  	s10 =	sld [smem:$0x3FBB]  }
0x39: {  	_ = 	snop;
	(pc) =	sbr.ind lr, $3  }
0x3a: {  	_ = 	snop  }
0x3b: {  	_ = 	snop  }
0x3c: {  	p2 =	seq.s32 s10, $0x1;
	s10 =	sld [smem:$0x3FBA]  }
0x3d: {  	_ =	shalt  }
0x3e: {  	_ =	shalt  }
0x3f: {  	_ =	shalt  }
0x40: {  	_ =	shalt  }
0x41: {  	_ =	shalt  }
0x42: {  	_ =	shalt  }
0x43: {  	_ =	shalt  }
0x44: {  	_ =	shalt  }
0x45: {  	_ =	shalt  }
0x46: {  	_ =	shalt  }
0x47: {  	_ =	shalt  }
0x48: {  	_ =	shalt  }
0x49: {  	_ =	shalt  }
0x4a: {  	_ =	shalt  }
0x4b: {  	_ =	shalt  }
0x4c: {  	_ =	shalt  }
0x4d: {  	_ =	shalt  }
0x4e: {  	_ =	shalt  }
0x4f: {  	_ =	shalt  }
0x50: {  	_ =	shalt  }
0x51: {  	_ =	shalt  }
0x52: {  	_ =	shalt  }
0x53: {  	_ =	shalt  }
0x54: {  	_ =	shalt  }
0x55: {  	_ =	shalt  }
0x56: {  	_ =	shalt  }
0x57: {  	_ =	shalt  }
0x58: {  	_ =	shalt  }
0x59: {  	_ =	shalt  }
0x5a: {  	_ =	shalt  }
0x5b: {  	_ =	shalt  }
0x5c: {  	_ =	shalt  }
0x5d: {  	_ =	shalt  }
0x5e: {  	_ =	shalt  }
0x5f: {  	_ =	shalt  }
0x60: {  	_ =	shalt  }
0x61: {  	_ =	shalt  }
0x62: {  	_ =	shalt  }
0x63: {  	_ =	shalt  }
0x64: {  	_ =	shalt  }
0x65: {  	_ =	shalt  }
0x66: {  	_ =	shalt  }
0x67: {  	_ =	shalt  }
0x68: {  	_ =	shalt  }
0x69: {  	_ =	shalt  }
0x6a: {  	_ =	shalt  }
0x6b: {  	_ =	shalt  }
0x6c: {  	_ =	shalt  }
0x6d: {  	_ =	shalt  }
0x6e: {  	_ =	shalt  }
0x6f: {  	_ =	shalt  }
0x70: {  	_ =	shalt  }
0x71: {  	_ =	shalt  }
0x72: {  	_ =	shalt  }
0x73: {  	_ =	shalt  }
0x74: {  	_ =	shalt  }
0x75: {  	_ =	shalt  }
0x76: {  	_ =	shalt  }
0x77: {  	_ =	shalt  }
0x78: {  	_ =	shalt  }
0x79: {  	_ =	shalt  }
0x7a: {  	_ =	shalt  }
0x7b: {  	_ =	shalt  }
0x7c: {  	_ =	shalt  }
0x7d: {  	_ =	shalt  }
0x7e: {  	_ =	shalt  }
0x7f: {  	_ =	shalt  }
0x80: {  	_ =	shalt  }
0x81: {  	_ =	shalt  }
0x82: {  	_ =	shalt  }
0x83: {  	_ =	shalt  }
0x84: {  	_ =	shalt  }
0x85: {  	_ =	shalt  }
0x86: {  	_ =	shalt  }
0x87: {  	_ =	shalt  }
.Lfunc_end0:
.L_simem_size_0:
called_computation_lowered:
.L_overlay_start_0:
0x88: {  	s2 =	sld [smem:$0x3FD9]  }
0x89: {  	s3 =	sld [smem:$0x3FFE];
	_ =	sdelay $0x1  }
0x8a: {  	s1 =	srdreg.scid  }
0x8b: {  	s0 =	sand.u32 $0x1, s1  }
0x8c: {  	s17 =	sshll.u32 s0, $0xA;
	s2 =	sadd.s32 s3, s2  }
0x8d: {  	s2 =	sadd.s32 s2, s17  }
0x8e: {  	[smem:$0x3FC6] =	sst s2  }
0x8f: {  	_ = 	snop  }
0x90: {  	s2 =	sld [smem:$0x3FC9]  }
0x91: {  	s18 =	sld [smem:$0x3FD0];
	(tm) =	ssettm $0x1  }
0x92: {  	s4 =	sld [smem:$0x3FFB];
	_ =	sdelay $0x3  }
0x93: {  	_ =	strace s4  }
0x94: {  	s4 =	sld [smem:$0x3FFC];
	_ =	sdelay $0x3  }
0x95: {  	_ =	strace s4  }
0x96: {  	s4 =	sld [smem:$0x3FFD];
	_ =	sdelay $0x3  }
0x97: {  	_ =	strace s4  }
0x98: {  	_ =	strace $0x8FFFFFFF  }
0x99: {  	s19 =	sld [smem:$0x3FDB];
	_ =	sdelay $0x1  }
0x9a: {  	s5 =	simm.s32 $_scs_section_size  }
0x9b: {  	s6 =	simm.s32 $_size__tile_overlayer_lowered;
	s7 =	simm.s32 $_tile_overlayer_lowered  }
0x9c: {  	s22 =	simm.s32 $0x1BFF;
	s21 =	sshll.u32 s7, $0x1;
	s4 =	sadd.s32 s5, s19  }
0x9d: {  	s8 =	simm.s32 $0x0;
	s20 =	sshll.u32 s6, $0x1;
	s6 =	sadd.s32 s21, s4  }
0x9e: {  	[timem:s8], [sflag:s22] =	dma.local [hbm:s6], s20  }
0x9f: {  	_ =	swait.ge [sflag:s22], s20  }
0xa0: {  	s5 =	ssub.s32 $0x0, s20;
	[sflag:s22] =	ssyncset.done $0x0  }
0xa1: {  	[sflag:s22] =	ssyncadd.s32 s5;
	_ =	sdelay $0x1  }
0xa2: {  	s23 =	simm.s32 $0x1B8B  }
0xa3: {  	_ =	swait.ge [sflag:s23], $0x1  }
0xa4: {  	[sflag:s23] =	ssyncset.done $0x0  }
0xa5: {  	s25 =	simm.s32 $0x1B8E;
	s24 =	sld [smem:$0x3FFE];
	[sflag:s23] =	ssyncadd.s32 $0xFFFFFFFF  }
0xa6: {  	s26 =	simm.s32 $execute0_lowered;
	[smem:$0x3FD2] =	sst s25  }
0xa7: {  	s6 =	sshll.u32 s26, $0x1;
	_ =	strace $0x80000046;
	[dreg:$0x1] =	wrdreg $0xFFFFFFFF  }
0xa8: {  	s28 =	simm.s32 $_size_execute0_lowered;
	s4 =	sadd.s32 s4, s6;
	[dreg:$0x0] =	wrdreg $0x0  }
0xa9: {  	s6 =	sshll.u32 s28, $0x1;
	[dreg:$0x2] =	wrdreg s4  }
0xaa: {  	[dreg:$0x3] =	wrdreg s6  }
0xab: {  	[dreg:$0x4] =	wrdreg $0xC0  }
0xac: {  	_ =	task [dreg:s8], $0x5FFFF  }
0xad: {  	[dreg:$0x1] =	wrdreg $0xFFFFFFFF  }
0xae: {  	[dreg:$0x0] =	wrdreg $0x60  }
0xaf: {  	[dreg:$0x2] =	wrdreg s2  }
0xb0: {  	[dreg:$0x3] =	wrdreg s24  }
0xb1: {  	[dreg:$0x4] =	wrdreg s18  }
0xb2: {  	[dreg:$0x5] =	wrdreg $0x9  }
0xb3: {  	_ =	task.clear_ibuf [dreg:s8], $0x6FFFF;
	_ =	strace $0x90000046  }
0xb4: {  	s29 =	simm.s32 $0x9;
	_ =	strace $0x80000048  }
0xb5: {  	_ =	swait.ge [sflag:s29], $0x1  }
0xb6: {  	[sflag:s29] =	ssyncadd.s32 $0xFFFFFFFF  }
0xb7: {  	_ =	strace $0x90000048  }
0xb8: {  	_ =	sfence  }
0xb9: {  	s30 =	sld [smem:$0x0];
	_ =	sdelay $0x2  }
0xba: {  	s31 =	sshll.u32 s1, $0xD;
	s1 =	sshrl.u32 s1, $0x2  }
0xbb: {  	s3 =	sand.u32 $0x4000, s31;
	s1 =	sadd.s32 s1, s30  }
0xbc: {  	s0 =	sor.u32 s3, s0;
	s1 =	sshll.u32 s1, $0x11  }
0xbd: {  	s0 =	sor.u32 s1, s0  }
0xbe: {  	s0 =	sadd.s32 $0x8F2B, s0  }
0xbf: {  	[sflag:s0] =	ssyncadd.remote.s32 $0x1  }
0xc0: {  	_ =	sfence.sel $0xFFFF  }
0xc1: {  	[dreg:$0x0] =	wrdreg $0xFFFFFFFF;
	(pc) =	sbr.abs _section_cstart, $3  }
0xc2: {  	[dreg:$0x1] =	wrdreg $0xFFFFFFFF  }
0xc3: {  	_ =	task.clear_ibuf [dreg:s8], $0x2FFFF;
	_ =	strace $0x9FFFFFFF  }
0xc4: {  	(tm) =	ssettm $0x7FFFFFFF  }
0xc5: {  	_ =	shalt  }
tec
execute0_lowered:
.L_overlay_start_1:
0x0: {  	(tag) =	ssettag $0x1  }
0x1: {  	s4 =	rddreg [dreg:$0x0]  }
0x2: {  	s3 =	rddreg [dreg:$0x1]  }
0x3: {  	s5 =	rddreg [dreg:$0x2]  }
0x4: {  	s0 =	rddreg [dreg:$0x3]  }
0x5: {  	s1 =	stileid.u32;
	s2 =	simm.s32 $0x0;
	s6 =	srdreg.scid  }
0x6: {  	s14 =	simm.s32 $0x3;
	s15 =	simm.s32 $0x1;
	s16 =	simm.s32 $0x4000  }
0x7: {  	s17 =	simm.s32 $0x2;
	s18 =	simm.s32 $0xC000;
	s19 =	simm.s32 $0x14000  }
0x8: {  	s20 =	simm.s32 $0x0;
	s7 =	sshll.u32 s1, $0x1;
	[smem:$0x7FF] =	sst s2  }
0x9: {  	s6 =	sand.u32 $0x1, s6;
	s9 =	sshll.u32 s1, $0x10;
	s7 =	sand.u32 $0x6, s7  }
0xa: {  	_ =	strace $0x80000047;
	s9 =	sand.u32 $0xC0000, s9;
	s7 =	sor.u32 s6, s7  }
0xb: {  	s6 =	ssub.s32 $0x2, s6;
	s8 =	sshll.u32 s7, $0xB;
	s7 =	sshll.u32 s7, $0xF  }
0xc: {  	s4 =	sadd.s32 s4, s9;
	s10 =	sshrl.u32 s6, $0x1;
	s31 =	sor.u32 s9, s7  }
0xd: {  	s3 =	sadd.s32 s8, s3;
	s13 =	ssub.s32 s6, s10;
	s5 =	sadd.s32 s5, s31  }
0xe: {  	v0 =	vlaneseq.u32;
	s3 =	sadd.s32 $0x400, s3;
	s13 =	smax.u32 s13, $0x1;
	s6 =	sadd.s32 $0x1000, s5  }
0xf: {  	v1 =	vshrl.u32 v0, $0x1;
	s7 =	sadd.s32 $0x2000, s5;
	s8 =	sadd.s32 $0x3000, s5;
	s9 =	sadd.s32 $0x4000, s5  }
0x10: {  	vm0 =	vmmov $0xffff;
	v0 =	vand.u32 $0x1, v0;
	v1 =	vmul.u32 $0x8, v1;
	s10 =	sadd.s32 $0x5000, s5;
	s11 =	sadd.s32 $0x6000, s5;
	s12 =	sadd.s32 $0x7000, s5  }
.LBB2_1:
0x11: {  	[tilespmem:s2], [sflag:$0x3] =	stream.linear.gather [hbm4b:s3+s2], $0x4000, $0x38;
	[tilespmem:$0x1C000] =	vst v63  }
0x12: {  	_ =	swait.ge [sflag:s14], $0x4000  }
0x13: {  	p0 =	por $0x1, $0x1;
	[sflag:s14] =	ssyncset.done $0x0  }
0x14: {  	p1 =	por $0x1, $0x1;
	s22 =	simm.s32 $0x0;
	[sflag:s14] =	ssyncadd.s32 $0xFFFFC000  }
.LBB2_2:
0x15: {  	s21 =	sshll.u32 s22, $0x7  }
0x16: {  	s21 =	sand.u32 $0x3FFFFF80, s21  }
0x17: {  	v2 =	vld.msk [tilespmem:s21+$0x0], $0x3;
	_ =	sdelay $0x4  }
0x18: {  	v3 =	vshll.u32 v2, $0x3  }
0x19: {  	v2 =	vand.u32 $0x7, v2;
	v3 =	vand.u32 $0xFFFFFFC0, v3  }
0x1a: {  	v2 =	vor.u32 v2, v3  }
0x1b: {  	v2 =	vperm.xlane v2, v0;
	_ =	sdelay $0x1  }
0x1c: {  	v2 =	vadd.s32 v1, v2;
	_ =	sdelay $0x1  }
0x1d: {  	s30 =	sshll.u32 s22, $0xB;
	s31 =	sor.u32 $0x1, s22  }
0x1e: {  	s24 =	sshll.u32 s31, $0x7;
	s21 =	sand.u32 $0x3FFFF800, s30  }
0x1f: {  	s24 =	sand.u32 $0x3FFFFF80, s24;
	s23 =	sadd.s32 $0x4000, s21;
	s21 =	simm.s32 $0x0  }
0x20: {  	[tilespmem:s23], [sflag:$0x1] =	stream.indirect_vreg.gather [hbm4b:s4+s21], $0x80, v2, vm0, $0xb8;
	[tilespmem:$0x1C000] =	vst v63  }
0x21: {  	v2 =	vld.msk [tilespmem:s24+$0x0], $0x3;
	_ =	sdelay $0x4  }
0x22: {  	v3 =	vshll.u32 v2, $0x3  }
0x23: {  	v2 =	vand.u32 $0x7, v2;
	v3 =	vand.u32 $0xFFFFFFC0, v3  }
0x24: {  	v2 =	vor.u32 v2, v3  }
0x25: {  	v2 =	vperm.xlane v2, v0;
	_ =	sdelay $0x1  }
0x26: {  	v2 =	vadd.s32 v1, v2;
	_ =	sdelay $0x1  }
0x27: {  	s25 =	sor.u32 $0x2, s22;
	s23 =	sshll.u32 s31, $0xB  }
0x28: {  	s26 =	sshll.u32 s25, $0x7;
	s23 =	sand.u32 $0x3FFFF800, s23  }
0x29: {  	s24 =	sand.u32 $0x3FFFFF80, s26;
	s23 =	sadd.s32 $0x4000, s23  }
0x2a: {  	[tilespmem:s23], [sflag:$0x1] =	stream.indirect_vreg.gather [hbm4b:s4+s21], $0x80, v2, vm0, $0xb8;
	[tilespmem:$0x1C000] =	vst v63  }
0x2b: {  	v2 =	vld.msk [tilespmem:s24+$0x0], $0x3;
	_ =	sdelay $0x4  }
0x2c: {  	v3 =	vshll.u32 v2, $0x3  }
0x2d: {  	v2 =	vand.u32 $0x7, v2;
	v3 =	vand.u32 $0xFFFFFFC0, v3  }
0x2e: {  	v2 =	vor.u32 v2, v3  }
0x2f: {  	v2 =	vperm.xlane v2, v0;
	_ =	sdelay $0x1  }
0x30: {  	v2 =	vadd.s32 v1, v2;
	_ =	sdelay $0x1  }
0x31: {  	s28 =	sor.u32 $0x3, s22;
	s23 =	sshll.u32 s25, $0xB  }
0x32: {  	s29 =	sshll.u32 s28, $0x7;
	s23 =	sand.u32 $0x3FFFF800, s23  }
0x33: {  	s24 =	sand.u32 $0x3FFFFF80, s29;
	s23 =	sadd.s32 $0x4000, s23  }
0x34: {  	[tilespmem:s23], [sflag:$0x1] =	stream.indirect_vreg.gather [hbm4b:s4+s21], $0x80, v2, vm0, $0xb8;
	[tilespmem:$0x1C000] =	vst v63  }
0x35: {  	v2 =	vld.msk [tilespmem:s24+$0x0], $0x3;
	_ =	sdelay $0x4  }
0x36: {  	v3 =	vshll.u32 v2, $0x3  }
0x37: {  	v2 =	vand.u32 $0x7, v2;
	v3 =	vand.u32 $0xFFFFFFC0, v3  }
0x38: {  	v2 =	vor.u32 v2, v3  }
0x39: {  	v2 =	vperm.xlane v2, v0;
	_ =	sdelay $0x1  }
0x3a: {  	v2 =	vadd.s32 v1, v2;
	_ =	sdelay $0x1  }
0x3b: {  	s30 =	sor.u32 $0x4, s22;
	s23 =	sshll.u32 s28, $0xB  }
0x3c: {  	s31 =	sshll.u32 s30, $0x7;
	s23 =	sand.u32 $0x3FFFF800, s23  }
0x3d: {  	s24 =	sand.u32 $0x3FFFFF80, s31;
	s23 =	sadd.s32 $0x4000, s23  }
0x3e: {  	[tilespmem:s23], [sflag:$0x1] =	stream.indirect_vreg.gather [hbm4b:s4+s21], $0x80, v2, vm0, $0xb8;
	[tilespmem:$0x1C000] =	vst v63  }
0x3f: {  	v2 =	vld.msk [tilespmem:s24+$0x0], $0x3;
	_ =	sdelay $0x4  }
0x40: {  	v3 =	vshll.u32 v2, $0x3  }
0x41: {  	v2 =	vand.u32 $0x7, v2;
	v3 =	vand.u32 $0xFFFFFFC0, v3  }
0x42: {  	v2 =	vor.u32 v2, v3  }
0x43: {  	v2 =	vperm.xlane v2, v0;
	_ =	sdelay $0x1  }
0x44: {  	v2 =	vadd.s32 v1, v2;
	_ =	sdelay $0x1  }
0x45: {  	s25 =	sor.u32 $0x5, s22;
	s23 =	sshll.u32 s30, $0xB  }
0x46: {  	s26 =	sshll.u32 s25, $0x7;
	s23 =	sand.u32 $0x3FFFF800, s23  }
0x47: {  	s24 =	sand.u32 $0x3FFFFF80, s26;
	s23 =	sadd.s32 $0x4000, s23  }
0x48: {  	[tilespmem:s23], [sflag:$0x1] =	stream.indirect_vreg.gather [hbm4b:s4+s21], $0x80, v2, vm0, $0xb8;
	[tilespmem:$0x1C000] =	vst v63  }
0x49: {  	v2 =	vld.msk [tilespmem:s24+$0x0], $0x3;
	_ =	sdelay $0x4  }
0x4a: {  	v3 =	vshll.u32 v2, $0x3  }
0x4b: {  	v2 =	vand.u32 $0x7, v2;
	v3 =	vand.u32 $0xFFFFFFC0, v3  }
0x4c: {  	v2 =	vor.u32 v2, v3  }
0x4d: {  	v2 =	vperm.xlane v2, v0;
	_ =	sdelay $0x1  }
0x4e: {  	v2 =	vadd.s32 v1, v2;
	_ =	sdelay $0x1  }
0x4f: {  	s28 =	sor.u32 $0x6, s22;
	s23 =	sshll.u32 s25, $0xB  }
0x50: {  	s29 =	sshll.u32 s28, $0x7;
	s23 =	sand.u32 $0x3FFFF800, s23  }
0x51: {  	s24 =	sand.u32 $0x3FFFFF80, s29;
	s23 =	sadd.s32 $0x4000, s23  }
0x52: {  	[tilespmem:s23], [sflag:$0x1] =	stream.indirect_vreg.gather [hbm4b:s4+s21], $0x80, v2, vm0, $0xb8;
	[tilespmem:$0x1C000] =	vst v63  }
0x53: {  	v2 =	vld.msk [tilespmem:s24+$0x0], $0x3;
	_ =	sdelay $0x4  }
0x54: {  	v3 =	vshll.u32 v2, $0x3  }
0x55: {  	v2 =	vand.u32 $0x7, v2;
	v3 =	vand.u32 $0xFFFFFFC0, v3  }
0x56: {  	v2 =	vor.u32 v2, v3  }
0x57: {  	v2 =	vperm.xlane v2, v0;
	_ =	sdelay $0x1  }
0x58: {  	v2 =	vadd.s32 v1, v2;
	_ =	sdelay $0x1  }
0x59: {  	s23 =	sshll.u32 s28, $0xB  }
0x5a: {  	s30 =	sor.u32 $0x7, s22;
	s23 =	sand.u32 $0x3FFFF800, s23  }
0x5b: {  	s31 =	sshll.u32 s30, $0x7;
	s23 =	sadd.s32 $0x4000, s23  }
0x5c: {  	[tilespmem:s23], [sflag:$0x1] =	stream.indirect_vreg.gather [hbm4b:s4+s21], $0x80, v2, vm0, $0xb8;
	[tilespmem:$0x1C000] =	vst v63  }
0x5d: {  	s23 =	sand.u32 $0x3FFFFF80, s31  }
0x5e: {  	v2 =	vld.msk [tilespmem:s23+$0x0], $0x3;
	_ =	sdelay $0x4  }
0x5f: {  	v3 =	vshll.u32 v2, $0x3  }
0x60: {  	v2 =	vand.u32 $0x7, v2;
	v3 =	vand.u32 $0xFFFFFFC0, v3  }
0x61: {  	v2 =	vor.u32 v2, v3  }
0x62: {  	v2 =	vperm.xlane v2, v0;
	_ =	sdelay $0x1  }
0x63: {  	v2 =	vadd.s32 v1, v2  }
0x64: {  	p2 =	por p1, p1  }
.Ltmp0:
0x65: {  	s22 =	sshll.u32 s30, $0xB;
	(pc) =	sbr.rel @p2 .LBB2_2-.Ltmp0, $4  }
0x66: {  	s22 =	sand.u32 $0x3FFFF800, s22  }
0x67: {  	s22 =	sadd.s32 $0x4000, s22  }
0x68: {  	[tilespmem:s22], [sflag:$0x1] =	stream.indirect_vreg.gather [hbm4b:s4+s21], $0x80, v2, vm0, $0xb8;
	[tilespmem:$0x1C000] =	vst v63  }
0x69: {  	p1 =	por $0x0, $0x0;
	s22 =	simm.s32 $0x8  }
0x6a: {  	s23 =	simm.s32 $0x0  }
.LBB2_4:
0x6b: {  	s22 =	sshll.u32 s23, $0x7  }
0x6c: {  	s22 =	sand.u32 $0x3FFFFF80, s22  }
0x6d: {  	v2 =	vld.msk [tilespmem:s22+$0x800], $0x3;
	_ =	sdelay $0x4  }
0x6e: {  	v3 =	vshll.u32 v2, $0x3  }
0x6f: {  	v2 =	vand.u32 $0x7, v2;
	v3 =	vand.u32 $0xFFFFFFC0, v3  }
0x70: {  	v2 =	vor.u32 v2, v3  }
0x71: {  	v2 =	vperm.xlane v2, v0;
	_ =	sdelay $0x1  }
0x72: {  	v2 =	vadd.s32 v1, v2;
	_ =	sdelay $0x1  }
0x73: {  	s30 =	sshll.u32 s23, $0xB  }
0x74: {  	s23 =	sand.u32 $0x3FFFF800, s30  }
0x75: {  	s24 =	sadd.s32 $0xC000, s23  }
0x76: {  	[tilespmem:s24], [sflag:$0x1] =	stream.indirect_vreg.gather [hbm4b:s4+s21], $0x80, v2, vm0, $0xb8;
	[tilespmem:$0x1C000] =	vst v63  }
0x77: {  	v2 =	vld.msk [tilespmem:s22+$0x880], $0x3;
	_ =	sdelay $0x4  }
0x78: {  	v3 =	vshll.u32 v2, $0x3  }
0x79: {  	v2 =	vand.u32 $0x7, v2;
	v3 =	vand.u32 $0xFFFFFFC0, v3  }
0x7a: {  	v2 =	vor.u32 v2, v3  }
0x7b: {  	v2 =	vperm.xlane v2, v0;
	_ =	sdelay $0x1  }
0x7c: {  	v2 =	vadd.s32 v1, v2;
	_ =	sdelay $0x3  }
0x7d: {  	s31 =	sadd.s32 $0xC800, s23  }
0x7e: {  	[tilespmem:s31], [sflag:$0x1] =	stream.indirect_vreg.gather [hbm4b:s4+s21], $0x80, v2, vm0, $0xb8;
	[tilespmem:$0x1C000] =	vst v63  }
0x7f: {  	v2 =	vld.msk [tilespmem:s22+$0x900], $0x3;
	_ =	sdelay $0x4  }
0x80: {  	v3 =	vshll.u32 v2, $0x3  }
0x81: {  	v2 =	vand.u32 $0x7, v2;
	v3 =	vand.u32 $0xFFFFFFC0, v3  }
0x82: {  	v2 =	vor.u32 v2, v3  }
0x83: {  	v2 =	vperm.xlane v2, v0;
	_ =	sdelay $0x1  }
0x84: {  	v2 =	vadd.s32 v1, v2;
	_ =	sdelay $0x3  }
0x85: {  	s25 =	sadd.s32 $0xD000, s23  }
0x86: {  	[tilespmem:s25], [sflag:$0x1] =	stream.indirect_vreg.gather [hbm4b:s4+s21], $0x80, v2, vm0, $0xb8;
	[tilespmem:$0x1C000] =	vst v63  }
0x87: {  	v2 =	vld.msk [tilespmem:s22+$0x980], $0x3;
	_ =	sdelay $0x4  }
0x88: {  	v3 =	vshll.u32 v2, $0x3  }
0x89: {  	v2 =	vand.u32 $0x7, v2;
	v3 =	vand.u32 $0xFFFFFFC0, v3  }
0x8a: {  	v2 =	vor.u32 v2, v3  }
0x8b: {  	v2 =	vperm.xlane v2, v0;
	_ =	sdelay $0x1  }
0x8c: {  	v2 =	vadd.s32 v1, v2;
	_ =	sdelay $0x3  }
0x8d: {  	s26 =	sadd.s32 $0xD800, s23  }
0x8e: {  	[tilespmem:s26], [sflag:$0x1] =	stream.indirect_vreg.gather [hbm4b:s4+s21], $0x80, v2, vm0, $0xb8;
	[tilespmem:$0x1C000] =	vst v63  }
0x8f: {  	v2 =	vld.msk [tilespmem:s22+$0xA00], $0x3;
	_ =	sdelay $0x4  }
0x90: {  	v3 =	vshll.u32 v2, $0x3  }
0x91: {  	v2 =	vand.u32 $0x7, v2;
	v3 =	vand.u32 $0xFFFFFFC0, v3  }
0x92: {  	v2 =	vor.u32 v2, v3  }
0x93: {  	v2 =	vperm.xlane v2, v0;
	_ =	sdelay $0x1  }
0x94: {  	v2 =	vadd.s32 v1, v2;
	_ =	sdelay $0x3  }
0x95: {  	s28 =	sadd.s32 $0xE000, s23  }
0x96: {  	[tilespmem:s28], [sflag:$0x1] =	stream.indirect_vreg.gather [hbm4b:s4+s21], $0x80, v2, vm0, $0xb8;
	[tilespmem:$0x1C000] =	vst v63  }
0x97: {  	v2 =	vld.msk [tilespmem:s22+$0xA80], $0x3;
	_ =	sdelay $0x4  }
0x98: {  	v3 =	vshll.u32 v2, $0x3  }
0x99: {  	v2 =	vand.u32 $0x7, v2;
	v3 =	vand.u32 $0xFFFFFFC0, v3  }
0x9a: {  	v2 =	vor.u32 v2, v3  }
0x9b: {  	v2 =	vperm.xlane v2, v0;
	_ =	sdelay $0x1  }
0x9c: {  	v2 =	vadd.s32 v1, v2;
	_ =	sdelay $0x3  }
0x9d: {  	s29 =	sadd.s32 $0xE800, s23  }
0x9e: {  	[tilespmem:s29], [sflag:$0x1] =	stream.indirect_vreg.gather [hbm4b:s4+s21], $0x80, v2, vm0, $0xb8;
	[tilespmem:$0x1C000] =	vst v63  }
0x9f: {  	v2 =	vld.msk [tilespmem:s22+$0xB00], $0x3;
	_ =	sdelay $0x4  }
0xa0: {  	v3 =	vshll.u32 v2, $0x3  }
0xa1: {  	v2 =	vand.u32 $0x7, v2;
	v3 =	vand.u32 $0xFFFFFFC0, v3  }
0xa2: {  	v2 =	vor.u32 v2, v3  }
0xa3: {  	v2 =	vperm.xlane v2, v0;
	_ =	sdelay $0x1  }
0xa4: {  	v2 =	vadd.s32 v1, v2;
	_ =	sdelay $0x3  }
0xa5: {  	s30 =	sadd.s32 $0xF000, s23  }
0xa6: {  	[tilespmem:s30], [sflag:$0x1] =	stream.indirect_vreg.gather [hbm4b:s4+s21], $0x80, v2, vm0, $0xb8;
	[tilespmem:$0x1C000] =	vst v63  }
0xa7: {  	v2 =	vld.msk [tilespmem:s22+$0xB80], $0x3;
	_ =	sdelay $0x4  }
0xa8: {  	v3 =	vshll.u32 v2, $0x3  }
0xa9: {  	v2 =	vand.u32 $0x7, v2;
	v3 =	vand.u32 $0xFFFFFFC0, v3  }
0xaa: {  	v2 =	vor.u32 v2, v3  }
0xab: {  	v2 =	vperm.xlane v2, v0;
	_ =	sdelay $0x1  }
0xac: {  	p2 =	por p0, p0;
	v2 =	vadd.s32 v1, v2  }
.Ltmp1:
0xad: {  	_ = 	snop;
	(pc) =	sbr.rel @p2 .LBB2_4-.Ltmp1, $4  }
0xae: {  	_ = 	snop  }
0xaf: {  	p1 =	por $0x1, $0x1  }
0xb0: {  	p0 =	por $0x0, $0x0;
	s31 =	sadd.s32 $0xF800, s23;
	s23 =	simm.s32 $0x8  }
0xb1: {  	[tilespmem:s31], [sflag:$0x1] =	stream.indirect_vreg.gather [hbm4b:s4+s21], $0x80, v2, vm0, $0xb8;
	[tilespmem:$0x1C000] =	vst v63  }
.LBB2_5:
0xb2: {  	s22 =	sshll.u32 s21, $0x7  }
0xb3: {  	s22 =	sand.u32 $0x3FFFFF80, s22  }
0xb4: {  	v2 =	vld.msk [tilespmem:s22+$0x1000], $0x3;
	_ =	sdelay $0x4  }
0xb5: {  	v3 =	vshll.u32 v2, $0x3  }
0xb6: {  	v2 =	vand.u32 $0x7, v2;
	v3 =	vand.u32 $0xFFFFFFC0, v3  }
0xb7: {  	v2 =	vor.u32 v2, v3  }
0xb8: {  	v2 =	vperm.xlane v2, v0;
	_ =	sdelay $0x1  }
0xb9: {  	v2 =	vadd.s32 v1, v2;
	_ =	sdelay $0x1  }
0xba: {  	s24 =	sshll.u32 s21, $0xB  }
0xbb: {  	s21 =	sand.u32 $0x3FFFF800, s24  }
0xbc: {  	s23 =	sadd.s32 $0x14000, s21  }
0xbd: {  	[tilespmem:s23], [sflag:$0x1] =	stream.indirect_vreg.gather [hbm4b:s4+s2], $0x80, v2, vm0, $0xb8;
	[tilespmem:$0x1C000] =	vst v63  }
0xbe: {  	v2 =	vld.msk [tilespmem:s22+$0x1080], $0x3;
	_ =	sdelay $0x4  }
0xbf: {  	v3 =	vshll.u32 v2, $0x3  }
0xc0: {  	v2 =	vand.u32 $0x7, v2;
	v3 =	vand.u32 $0xFFFFFFC0, v3  }
0xc1: {  	v2 =	vor.u32 v2, v3  }
0xc2: {  	v2 =	vperm.xlane v2, v0;
	_ =	sdelay $0x1  }
0xc3: {  	v2 =	vadd.s32 v1, v2;
	_ =	sdelay $0x3  }
0xc4: {  	s25 =	sadd.s32 $0x14800, s21  }
0xc5: {  	[tilespmem:s25], [sflag:$0x1] =	stream.indirect_vreg.gather [hbm4b:s4+s2], $0x80, v2, vm0, $0xb8;
	[tilespmem:$0x1C000] =	vst v63  }
0xc6: {  	v2 =	vld.msk [tilespmem:s22+$0x1100], $0x3;
	_ =	sdelay $0x4  }
0xc7: {  	v3 =	vshll.u32 v2, $0x3  }
0xc8: {  	v2 =	vand.u32 $0x7, v2;
	v3 =	vand.u32 $0xFFFFFFC0, v3  }
0xc9: {  	v2 =	vor.u32 v2, v3  }
0xca: {  	v2 =	vperm.xlane v2, v0;
	_ =	sdelay $0x1  }
0xcb: {  	v2 =	vadd.s32 v1, v2;
	_ =	sdelay $0x3  }
0xcc: {  	s26 =	sadd.s32 $0x15000, s21  }
0xcd: {  	[tilespmem:s26], [sflag:$0x1] =	stream.indirect_vreg.gather [hbm4b:s4+s2], $0x80, v2, vm0, $0xb8;
	[tilespmem:$0x1C000] =	vst v63  }
0xce: {  	v2 =	vld.msk [tilespmem:s22+$0x1180], $0x3;
	_ =	sdelay $0x4  }
0xcf: {  	v3 =	vshll.u32 v2, $0x3  }
0xd0: {  	v2 =	vand.u32 $0x7, v2;
	v3 =	vand.u32 $0xFFFFFFC0, v3  }
0xd1: {  	v2 =	vor.u32 v2, v3  }
0xd2: {  	v2 =	vperm.xlane v2, v0;
	_ =	sdelay $0x1  }
0xd3: {  	v2 =	vadd.s32 v1, v2;
	_ =	sdelay $0x3  }
0xd4: {  	s28 =	sadd.s32 $0x15800, s21  }
0xd5: {  	[tilespmem:s28], [sflag:$0x1] =	stream.indirect_vreg.gather [hbm4b:s4+s2], $0x80, v2, vm0, $0xb8;
	[tilespmem:$0x1C000] =	vst v63  }
0xd6: {  	v2 =	vld.msk [tilespmem:s22+$0x1200], $0x3;
	_ =	sdelay $0x4  }
0xd7: {  	v3 =	vshll.u32 v2, $0x3  }
0xd8: {  	v2 =	vand.u32 $0x7, v2;
	v3 =	vand.u32 $0xFFFFFFC0, v3  }
0xd9: {  	v2 =	vor.u32 v2, v3  }
0xda: {  	v2 =	vperm.xlane v2, v0;
	_ =	sdelay $0x1  }
0xdb: {  	v2 =	vadd.s32 v1, v2;
	_ =	sdelay $0x3  }
0xdc: {  	s29 =	sadd.s32 $0x16000, s21  }
0xdd: {  	[tilespmem:s29], [sflag:$0x1] =	stream.indirect_vreg.gather [hbm4b:s4+s2], $0x80, v2, vm0, $0xb8;
	[tilespmem:$0x1C000] =	vst v63  }
0xde: {  	v2 =	vld.msk [tilespmem:s22+$0x1280], $0x3;
	_ =	sdelay $0x4  }
0xdf: {  	v3 =	vshll.u32 v2, $0x3  }
0xe0: {  	v2 =	vand.u32 $0x7, v2;
	v3 =	vand.u32 $0xFFFFFFC0, v3  }
0xe1: {  	v2 =	vor.u32 v2, v3  }
0xe2: {  	v2 =	vperm.xlane v2, v0;
	_ =	sdelay $0x1  }
0xe3: {  	v2 =	vadd.s32 v1, v2;
	_ =	sdelay $0x3  }
0xe4: {  	s30 =	sadd.s32 $0x16800, s21  }
0xe5: {  	[tilespmem:s30], [sflag:$0x1] =	stream.indirect_vreg.gather [hbm4b:s4+s2], $0x80, v2, vm0, $0xb8;
	[tilespmem:$0x1C000] =	vst v63  }
0xe6: {  	v2 =	vld.msk [tilespmem:s22+$0x1300], $0x3;
	_ =	sdelay $0x4  }
0xe7: {  	v3 =	vshll.u32 v2, $0x3  }
0xe8: {  	v2 =	vand.u32 $0x7, v2;
	v3 =	vand.u32 $0xFFFFFFC0, v3  }
0xe9: {  	v2 =	vor.u32 v2, v3  }
0xea: {  	v2 =	vperm.xlane v2, v0;
	_ =	sdelay $0x1  }
0xeb: {  	v2 =	vadd.s32 v1, v2;
	_ =	sdelay $0x3  }
0xec: {  	s31 =	sadd.s32 $0x17000, s21  }
0xed: {  	[tilespmem:s31], [sflag:$0x1] =	stream.indirect_vreg.gather [hbm4b:s4+s2], $0x80, v2, vm0, $0xb8;
	[tilespmem:$0x1C000] =	vst v63  }
0xee: {  	v2 =	vld.msk [tilespmem:s22+$0x1380], $0x3;
	_ =	sdelay $0x4  }
0xef: {  	v3 =	vshll.u32 v2, $0x3  }
0xf0: {  	v2 =	vand.u32 $0x7, v2;
	v3 =	vand.u32 $0xFFFFFFC0, v3  }
0xf1: {  	v2 =	vor.u32 v2, v3  }
0xf2: {  	v2 =	vperm.xlane v2, v0;
	_ =	sdelay $0x1  }
0xf3: {  	v2 =	vadd.s32 v1, v2  }
0xf4: {  	p0 =	por p1, p1  }
.Ltmp2:
0xf5: {  	_ = 	snop;
	(pc) =	sbr.rel @p0 .LBB2_5-.Ltmp2, $4  }
0xf6: {  	_ = 	snop  }
0xf7: {  	s21 =	sadd.s32 $0x17800, s21  }
0xf8: {  	[tilespmem:s21], [sflag:$0x1] =	stream.indirect_vreg.gather [hbm4b:s4+s2], $0x80, v2, vm0, $0xb8;
	[tilespmem:$0x1C000] =	vst v63  }
0xf9: {  	p1 =	por $0x0, $0x0;
	s21 =	simm.s32 $0x8  }
0xfa: {  	_ =	swait.ge [sflag:s15], $0x8000  }
0xfb: {  	[sflag:s15] =	ssyncset.done $0x0  }
0xfc: {  	s22 =	simm.s32 $0x0;
	[sflag:s15] =	ssyncadd.s32 $0xFFFF8000  }
0xfd: {  	[hbm4b:s5+s22] =	stream.linear.scatter [tilespmem:s16], [sflag:$0x2], $0x8000, $0x38;
	[tilespmem:$0x1C000] =	vst v63  }
0xfe: {  	_ =	swait.ge [sflag:s17], $0x8000  }
0xff: {  	[sflag:s17] =	ssyncset.done $0x0  }
0x100: {  	p0 =	por $0x1, $0x1;
	[sflag:s17] =	ssyncadd.s32 $0xFFFF8000  }
.LBB2_7:
0x101: {  	s21 =	sshll.u32 s22, $0x7  }
0x102: {  	s21 =	sand.u32 $0x3FFFFF80, s21  }
0x103: {  	v2 =	vld.msk [tilespmem:s21+$0x1800], $0x3;
	_ =	sdelay $0x4  }
0x104: {  	v3 =	vshll.u32 v2, $0x3  }
0x105: {  	v2 =	vand.u32 $0x7, v2;
	v3 =	vand.u32 $0xFFFFFFC0, v3  }
0x106: {  	v2 =	vor.u32 v2, v3  }
0x107: {  	v2 =	vperm.xlane v2, v0;
	_ =	sdelay $0x1  }
0x108: {  	v2 =	vadd.s32 v1, v2;
	_ =	sdelay $0x1  }
0x109: {  	s23 =	sshll.u32 s22, $0xB  }
0x10a: {  	s22 =	sand.u32 $0x3FFFF800, s23  }
0x10b: {  	s23 =	sadd.s32 $0x4000, s22  }
0x10c: {  	[tilespmem:s23], [sflag:$0x1] =	stream.indirect_vreg.gather [hbm4b:s4+s2], $0x80, v2, vm0, $0xb8;
	[tilespmem:$0x1C000] =	vst v63  }
0x10d: {  	v2 =	vld.msk [tilespmem:s21+$0x1880], $0x3;
	_ =	sdelay $0x4  }
0x10e: {  	v3 =	vshll.u32 v2, $0x3  }
0x10f: {  	v2 =	vand.u32 $0x7, v2;
	v3 =	vand.u32 $0xFFFFFFC0, v3  }
0x110: {  	v2 =	vor.u32 v2, v3  }
0x111: {  	v2 =	vperm.xlane v2, v0;
	_ =	sdelay $0x1  }
0x112: {  	v2 =	vadd.s32 v1, v2;
	_ =	sdelay $0x3  }
0x113: {  	s24 =	sadd.s32 $0x4800, s22  }
0x114: {  	[tilespmem:s24], [sflag:$0x1] =	stream.indirect_vreg.gather [hbm4b:s4+s2], $0x80, v2, vm0, $0xb8;
	[tilespmem:$0x1C000] =	vst v63  }
0x115: {  	v2 =	vld.msk [tilespmem:s21+$0x1900], $0x3;
	_ =	sdelay $0x4  }
0x116: {  	v3 =	vshll.u32 v2, $0x3  }
0x117: {  	v2 =	vand.u32 $0x7, v2;
	v3 =	vand.u32 $0xFFFFFFC0, v3  }
0x118: {  	v2 =	vor.u32 v2, v3  }
0x119: {  	v2 =	vperm.xlane v2, v0;
	_ =	sdelay $0x1  }
0x11a: {  	v2 =	vadd.s32 v1, v2;
	_ =	sdelay $0x3  }
0x11b: {  	s25 =	sadd.s32 $0x5000, s22  }
0x11c: {  	[tilespmem:s25], [sflag:$0x1] =	stream.indirect_vreg.gather [hbm4b:s4+s2], $0x80, v2, vm0, $0xb8;
	[tilespmem:$0x1C000] =	vst v63  }
0x11d: {  	v2 =	vld.msk [tilespmem:s21+$0x1980], $0x3;
	_ =	sdelay $0x4  }
0x11e: {  	v3 =	vshll.u32 v2, $0x3  }
0x11f: {  	v2 =	vand.u32 $0x7, v2;
	v3 =	vand.u32 $0xFFFFFFC0, v3  }
0x120: {  	v2 =	vor.u32 v2, v3  }
0x121: {  	v2 =	vperm.xlane v2, v0;
	_ =	sdelay $0x1  }
0x122: {  	v2 =	vadd.s32 v1, v2;
	_ =	sdelay $0x3  }
0x123: {  	s26 =	sadd.s32 $0x5800, s22  }
0x124: {  	[tilespmem:s26], [sflag:$0x1] =	stream.indirect_vreg.gather [hbm4b:s4+s2], $0x80, v2, vm0, $0xb8;
	[tilespmem:$0x1C000] =	vst v63  }
0x125: {  	v2 =	vld.msk [tilespmem:s21+$0x1A00], $0x3;
	_ =	sdelay $0x4  }
0x126: {  	v3 =	vshll.u32 v2, $0x3  }
0x127: {  	v2 =	vand.u32 $0x7, v2;
	v3 =	vand.u32 $0xFFFFFFC0, v3  }
0x128: {  	v2 =	vor.u32 v2, v3  }
0x129: {  	v2 =	vperm.xlane v2, v0;
	_ =	sdelay $0x1  }
0x12a: {  	v2 =	vadd.s32 v1, v2;
	_ =	sdelay $0x3  }
0x12b: {  	s28 =	sadd.s32 $0x6000, s22  }
0x12c: {  	[tilespmem:s28], [sflag:$0x1] =	stream.indirect_vreg.gather [hbm4b:s4+s2], $0x80, v2, vm0, $0xb8;
	[tilespmem:$0x1C000] =	vst v63  }
0x12d: {  	v2 =	vld.msk [tilespmem:s21+$0x1A80], $0x3;
	_ =	sdelay $0x4  }
0x12e: {  	v3 =	vshll.u32 v2, $0x3  }
0x12f: {  	v2 =	vand.u32 $0x7, v2;
	v3 =	vand.u32 $0xFFFFFFC0, v3  }
0x130: {  	v2 =	vor.u32 v2, v3  }
0x131: {  	v2 =	vperm.xlane v2, v0;
	_ =	sdelay $0x1  }
0x132: {  	v2 =	vadd.s32 v1, v2;
	_ =	sdelay $0x3  }
0x133: {  	s29 =	sadd.s32 $0x6800, s22  }
0x134: {  	[tilespmem:s29], [sflag:$0x1] =	stream.indirect_vreg.gather [hbm4b:s4+s2], $0x80, v2, vm0, $0xb8;
	[tilespmem:$0x1C000] =	vst v63  }
0x135: {  	v2 =	vld.msk [tilespmem:s21+$0x1B00], $0x3;
	_ =	sdelay $0x4  }
0x136: {  	v3 =	vshll.u32 v2, $0x3  }
0x137: {  	v2 =	vand.u32 $0x7, v2;
	v3 =	vand.u32 $0xFFFFFFC0, v3  }
0x138: {  	v2 =	vor.u32 v2, v3  }
0x139: {  	v2 =	vperm.xlane v2, v0;
	_ =	sdelay $0x1  }
0x13a: {  	v2 =	vadd.s32 v1, v2;
	_ =	sdelay $0x3  }
0x13b: {  	s30 =	sadd.s32 $0x7000, s22  }
0x13c: {  	[tilespmem:s30], [sflag:$0x1] =	stream.indirect_vreg.gather [hbm4b:s4+s2], $0x80, v2, vm0, $0xb8;
	[tilespmem:$0x1C000] =	vst v63  }
0x13d: {  	v2 =	vld.msk [tilespmem:s21+$0x1B80], $0x3;
	_ =	sdelay $0x4  }
0x13e: {  	v3 =	vshll.u32 v2, $0x3  }
0x13f: {  	v2 =	vand.u32 $0x7, v2;
	v3 =	vand.u32 $0xFFFFFFC0, v3  }
0x140: {  	v2 =	vor.u32 v2, v3  }
0x141: {  	v2 =	vperm.xlane v2, v0;
	_ =	sdelay $0x1  }
0x142: {  	p1 =	por p0, p0;
	v2 =	vadd.s32 v1, v2  }
.Ltmp3:
0x143: {  	_ = 	snop;
	(pc) =	sbr.rel @p1 .LBB2_7-.Ltmp3, $3  }
0x144: {  	_ =	sdelay $0x1  }
0x145: {  	p0 =	por $0x0, $0x0;
	s31 =	sadd.s32 $0x7800, s22;
	s22 =	simm.s32 $0x8  }
0x146: {  	[tilespmem:s31], [sflag:$0x1] =	stream.indirect_vreg.gather [hbm4b:s4+s2], $0x80, v2, vm0, $0xb8;
	[tilespmem:$0x1C000] =	vst v63  }
0x147: {  	_ =	swait.ge [sflag:s15], $0x8000  }
0x148: {  	[sflag:s15] =	ssyncset.done $0x0  }
0x149: {  	s22 =	simm.s32 $0x0;
	[sflag:s15] =	ssyncadd.s32 $0xFFFF8000  }
0x14a: {  	[hbm4b:s6+s22] =	stream.linear.scatter [tilespmem:s18], [sflag:$0x2], $0x8000, $0x38;
	[tilespmem:$0x1C000] =	vst v63  }
0x14b: {  	_ =	swait.ge [sflag:s17], $0x8000  }
0x14c: {  	[sflag:s17] =	ssyncset.done $0x0  }
0x14d: {  	p0 =	por $0x1, $0x1;
	[sflag:s17] =	ssyncadd.s32 $0xFFFF8000  }
.LBB2_9:
0x14e: {  	s21 =	sshll.u32 s22, $0x7  }
0x14f: {  	s21 =	sand.u32 $0x3FFFFF80, s21  }
0x150: {  	v2 =	vld.msk [tilespmem:s21+$0x2000], $0x3;
	_ =	sdelay $0x4  }
0x151: {  	v3 =	vshll.u32 v2, $0x3  }
0x152: {  	v2 =	vand.u32 $0x7, v2;
	v3 =	vand.u32 $0xFFFFFFC0, v3  }
0x153: {  	v2 =	vor.u32 v2, v3  }
0x154: {  	v2 =	vperm.xlane v2, v0;
	_ =	sdelay $0x1  }
0x155: {  	v2 =	vadd.s32 v1, v2;
	_ =	sdelay $0x1  }
0x156: {  	s23 =	sshll.u32 s22, $0xB  }
0x157: {  	s22 =	sand.u32 $0x3FFFF800, s23  }
0x158: {  	s23 =	sadd.s32 $0xC000, s22  }
0x159: {  	[tilespmem:s23], [sflag:$0x1] =	stream.indirect_vreg.gather [hbm4b:s4+s2], $0x80, v2, vm0, $0xb8;
	[tilespmem:$0x1C000] =	vst v63  }
0x15a: {  	v2 =	vld.msk [tilespmem:s21+$0x2080], $0x3;
	_ =	sdelay $0x4  }
0x15b: {  	v3 =	vshll.u32 v2, $0x3  }
0x15c: {  	v2 =	vand.u32 $0x7, v2;
	v3 =	vand.u32 $0xFFFFFFC0, v3  }
0x15d: {  	v2 =	vor.u32 v2, v3  }
0x15e: {  	v2 =	vperm.xlane v2, v0;
	_ =	sdelay $0x1  }
0x15f: {  	v2 =	vadd.s32 v1, v2;
	_ =	sdelay $0x3  }
0x160: {  	s24 =	sadd.s32 $0xC800, s22  }
0x161: {  	[tilespmem:s24], [sflag:$0x1] =	stream.indirect_vreg.gather [hbm4b:s4+s2], $0x80, v2, vm0, $0xb8;
	[tilespmem:$0x1C000] =	vst v63  }
0x162: {  	v2 =	vld.msk [tilespmem:s21+$0x2100], $0x3;
	_ =	sdelay $0x4  }
0x163: {  	v3 =	vshll.u32 v2, $0x3  }
0x164: {  	v2 =	vand.u32 $0x7, v2;
	v3 =	vand.u32 $0xFFFFFFC0, v3  }
0x165: {  	v2 =	vor.u32 v2, v3  }
0x166: {  	v2 =	vperm.xlane v2, v0;
	_ =	sdelay $0x1  }
0x167: {  	v2 =	vadd.s32 v1, v2;
	_ =	sdelay $0x3  }
0x168: {  	s25 =	sadd.s32 $0xD000, s22  }
0x169: {  	[tilespmem:s25], [sflag:$0x1] =	stream.indirect_vreg.gather [hbm4b:s4+s2], $0x80, v2, vm0, $0xb8;
	[tilespmem:$0x1C000] =	vst v63  }
0x16a: {  	v2 =	vld.msk [tilespmem:s21+$0x2180], $0x3;
	_ =	sdelay $0x4  }
0x16b: {  	v3 =	vshll.u32 v2, $0x3  }
0x16c: {  	v2 =	vand.u32 $0x7, v2;
	v3 =	vand.u32 $0xFFFFFFC0, v3  }
0x16d: {  	v2 =	vor.u32 v2, v3  }
0x16e: {  	v2 =	vperm.xlane v2, v0;
	_ =	sdelay $0x1  }
0x16f: {  	v2 =	vadd.s32 v1, v2;
	_ =	sdelay $0x3  }
0x170: {  	s26 =	sadd.s32 $0xD800, s22  }
0x171: {  	[tilespmem:s26], [sflag:$0x1] =	stream.indirect_vreg.gather [hbm4b:s4+s2], $0x80, v2, vm0, $0xb8;
	[tilespmem:$0x1C000] =	vst v63  }
0x172: {  	v2 =	vld.msk [tilespmem:s21+$0x2200], $0x3;
	_ =	sdelay $0x4  }
0x173: {  	v3 =	vshll.u32 v2, $0x3  }
0x174: {  	v2 =	vand.u32 $0x7, v2;
	v3 =	vand.u32 $0xFFFFFFC0, v3  }
0x175: {  	v2 =	vor.u32 v2, v3  }
0x176: {  	v2 =	vperm.xlane v2, v0;
	_ =	sdelay $0x1  }
0x177: {  	v2 =	vadd.s32 v1, v2;
	_ =	sdelay $0x3  }
0x178: {  	s28 =	sadd.s32 $0xE000, s22  }
0x179: {  	[tilespmem:s28], [sflag:$0x1] =	stream.indirect_vreg.gather [hbm4b:s4+s2], $0x80, v2, vm0, $0xb8;
	[tilespmem:$0x1C000] =	vst v63  }
0x17a: {  	v2 =	vld.msk [tilespmem:s21+$0x2280], $0x3;
	_ =	sdelay $0x4  }
0x17b: {  	v3 =	vshll.u32 v2, $0x3  }
0x17c: {  	v2 =	vand.u32 $0x7, v2;
	v3 =	vand.u32 $0xFFFFFFC0, v3  }
0x17d: {  	v2 =	vor.u32 v2, v3  }
0x17e: {  	v2 =	vperm.xlane v2, v0;
	_ =	sdelay $0x1  }
0x17f: {  	v2 =	vadd.s32 v1, v2;
	_ =	sdelay $0x3  }
0x180: {  	s29 =	sadd.s32 $0xE800, s22  }
0x181: {  	[tilespmem:s29], [sflag:$0x1] =	stream.indirect_vreg.gather [hbm4b:s4+s2], $0x80, v2, vm0, $0xb8;
	[tilespmem:$0x1C000] =	vst v63  }
0x182: {  	v2 =	vld.msk [tilespmem:s21+$0x2300], $0x3;
	_ =	sdelay $0x4  }
0x183: {  	v3 =	vshll.u32 v2, $0x3  }
0x184: {  	v2 =	vand.u32 $0x7, v2;
	v3 =	vand.u32 $0xFFFFFFC0, v3  }
0x185: {  	v2 =	vor.u32 v2, v3  }
0x186: {  	v2 =	vperm.xlane v2, v0;
	_ =	sdelay $0x1  }
0x187: {  	v2 =	vadd.s32 v1, v2;
	_ =	sdelay $0x3  }
0x188: {  	s30 =	sadd.s32 $0xF000, s22  }
0x189: {  	[tilespmem:s30], [sflag:$0x1] =	stream.indirect_vreg.gather [hbm4b:s4+s2], $0x80, v2, vm0, $0xb8;
	[tilespmem:$0x1C000] =	vst v63  }
0x18a: {  	v2 =	vld.msk [tilespmem:s21+$0x2380], $0x3;
	_ =	sdelay $0x4  }
0x18b: {  	v3 =	vshll.u32 v2, $0x3  }
0x18c: {  	v2 =	vand.u32 $0x7, v2;
	v3 =	vand.u32 $0xFFFFFFC0, v3  }
0x18d: {  	v2 =	vor.u32 v2, v3  }
0x18e: {  	v2 =	vperm.xlane v2, v0;
	_ =	sdelay $0x1  }
0x18f: {  	p1 =	por p0, p0;
	v2 =	vadd.s32 v1, v2  }
.Ltmp4:
0x190: {  	_ = 	snop;
	(pc) =	sbr.rel @p1 .LBB2_9-.Ltmp4, $3  }
0x191: {  	_ =	sdelay $0x1  }
0x192: {  	p0 =	por $0x0, $0x0;
	s31 =	sadd.s32 $0xF800, s22;
	s22 =	simm.s32 $0x8  }
0x193: {  	[tilespmem:s31], [sflag:$0x1] =	stream.indirect_vreg.gather [hbm4b:s4+s2], $0x80, v2, vm0, $0xb8;
	[tilespmem:$0x1C000] =	vst v63  }
0x194: {  	_ =	swait.ge [sflag:s15], $0x8000  }
0x195: {  	[sflag:s15] =	ssyncset.done $0x0  }
0x196: {  	s22 =	simm.s32 $0x0;
	[sflag:s15] =	ssyncadd.s32 $0xFFFF8000  }
0x197: {  	[hbm4b:s7+s22] =	stream.linear.scatter [tilespmem:s19], [sflag:$0x2], $0x8000, $0x38;
	[tilespmem:$0x1C000] =	vst v63  }
0x198: {  	_ =	swait.ge [sflag:s17], $0x8000  }
0x199: {  	[sflag:s17] =	ssyncset.done $0x0  }
0x19a: {  	p0 =	por $0x1, $0x1;
	[sflag:s17] =	ssyncadd.s32 $0xFFFF8000  }
.LBB2_11:
0x19b: {  	s21 =	sshll.u32 s22, $0x7  }
0x19c: {  	s21 =	sand.u32 $0x3FFFFF80, s21  }
0x19d: {  	v2 =	vld.msk [tilespmem:s21+$0x2800], $0x3;
	_ =	sdelay $0x4  }
0x19e: {  	v3 =	vshll.u32 v2, $0x3  }
0x19f: {  	v2 =	vand.u32 $0x7, v2;
	v3 =	vand.u32 $0xFFFFFFC0, v3  }
0x1a0: {  	v2 =	vor.u32 v2, v3  }
0x1a1: {  	v2 =	vperm.xlane v2, v0;
	_ =	sdelay $0x1  }
0x1a2: {  	v2 =	vadd.s32 v1, v2;
	_ =	sdelay $0x1  }
0x1a3: {  	s23 =	sshll.u32 s22, $0xB  }
0x1a4: {  	s22 =	sand.u32 $0x3FFFF800, s23  }
0x1a5: {  	s23 =	sadd.s32 $0x14000, s22  }
0x1a6: {  	[tilespmem:s23], [sflag:$0x1] =	stream.indirect_vreg.gather [hbm4b:s4+s2], $0x80, v2, vm0, $0xb8;
	[tilespmem:$0x1C000] =	vst v63  }
0x1a7: {  	v2 =	vld.msk [tilespmem:s21+$0x2880], $0x3;
	_ =	sdelay $0x4  }
0x1a8: {  	v3 =	vshll.u32 v2, $0x3  }
0x1a9: {  	v2 =	vand.u32 $0x7, v2;
	v3 =	vand.u32 $0xFFFFFFC0, v3  }
0x1aa: {  	v2 =	vor.u32 v2, v3  }
0x1ab: {  	v2 =	vperm.xlane v2, v0;
	_ =	sdelay $0x1  }
0x1ac: {  	v2 =	vadd.s32 v1, v2;
	_ =	sdelay $0x3  }
0x1ad: {  	s24 =	sadd.s32 $0x14800, s22  }
0x1ae: {  	[tilespmem:s24], [sflag:$0x1] =	stream.indirect_vreg.gather [hbm4b:s4+s2], $0x80, v2, vm0, $0xb8;
	[tilespmem:$0x1C000] =	vst v63  }
0x1af: {  	v2 =	vld.msk [tilespmem:s21+$0x2900], $0x3;
	_ =	sdelay $0x4  }
0x1b0: {  	v3 =	vshll.u32 v2, $0x3  }
0x1b1: {  	v2 =	vand.u32 $0x7, v2;
	v3 =	vand.u32 $0xFFFFFFC0, v3  }
0x1b2: {  	v2 =	vor.u32 v2, v3  }
0x1b3: {  	v2 =	vperm.xlane v2, v0;
	_ =	sdelay $0x1  }
0x1b4: {  	v2 =	vadd.s32 v1, v2;
	_ =	sdelay $0x3  }
0x1b5: {  	s25 =	sadd.s32 $0x15000, s22  }
0x1b6: {  	[tilespmem:s25], [sflag:$0x1] =	stream.indirect_vreg.gather [hbm4b:s4+s2], $0x80, v2, vm0, $0xb8;
	[tilespmem:$0x1C000] =	vst v63  }
0x1b7: {  	v2 =	vld.msk [tilespmem:s21+$0x2980], $0x3;
	_ =	sdelay $0x4  }
0x1b8: {  	v3 =	vshll.u32 v2, $0x3  }
0x1b9: {  	v2 =	vand.u32 $0x7, v2;
	v3 =	vand.u32 $0xFFFFFFC0, v3  }
0x1ba: {  	v2 =	vor.u32 v2, v3  }
0x1bb: {  	v2 =	vperm.xlane v2, v0;
	_ =	sdelay $0x1  }
0x1bc: {  	v2 =	vadd.s32 v1, v2;
	_ =	sdelay $0x3  }
0x1bd: {  	s26 =	sadd.s32 $0x15800, s22  }
0x1be: {  	[tilespmem:s26], [sflag:$0x1] =	stream.indirect_vreg.gather [hbm4b:s4+s2], $0x80, v2, vm0, $0xb8;
	[tilespmem:$0x1C000] =	vst v63  }
0x1bf: {  	v2 =	vld.msk [tilespmem:s21+$0x2A00], $0x3;
	_ =	sdelay $0x4  }
0x1c0: {  	v3 =	vshll.u32 v2, $0x3  }
0x1c1: {  	v2 =	vand.u32 $0x7, v2;
	v3 =	vand.u32 $0xFFFFFFC0, v3  }
0x1c2: {  	v2 =	vor.u32 v2, v3  }
0x1c3: {  	v2 =	vperm.xlane v2, v0;
	_ =	sdelay $0x1  }
0x1c4: {  	v2 =	vadd.s32 v1, v2;
	_ =	sdelay $0x3  }
0x1c5: {  	s28 =	sadd.s32 $0x16000, s22  }
0x1c6: {  	[tilespmem:s28], [sflag:$0x1] =	stream.indirect_vreg.gather [hbm4b:s4+s2], $0x80, v2, vm0, $0xb8;
	[tilespmem:$0x1C000] =	vst v63  }
0x1c7: {  	v2 =	vld.msk [tilespmem:s21+$0x2A80], $0x3;
	_ =	sdelay $0x4  }
0x1c8: {  	v3 =	vshll.u32 v2, $0x3  }
0x1c9: {  	v2 =	vand.u32 $0x7, v2;
	v3 =	vand.u32 $0xFFFFFFC0, v3  }
0x1ca: {  	v2 =	vor.u32 v2, v3  }
0x1cb: {  	v2 =	vperm.xlane v2, v0;
	_ =	sdelay $0x1  }
0x1cc: {  	v2 =	vadd.s32 v1, v2;
	_ =	sdelay $0x3  }
0x1cd: {  	s29 =	sadd.s32 $0x16800, s22  }
0x1ce: {  	[tilespmem:s29], [sflag:$0x1] =	stream.indirect_vreg.gather [hbm4b:s4+s2], $0x80, v2, vm0, $0xb8;
	[tilespmem:$0x1C000] =	vst v63  }
0x1cf: {  	v2 =	vld.msk [tilespmem:s21+$0x2B00], $0x3;
	_ =	sdelay $0x4  }
0x1d0: {  	v3 =	vshll.u32 v2, $0x3  }
0x1d1: {  	v2 =	vand.u32 $0x7, v2;
	v3 =	vand.u32 $0xFFFFFFC0, v3  }
0x1d2: {  	v2 =	vor.u32 v2, v3  }
0x1d3: {  	v2 =	vperm.xlane v2, v0;
	_ =	sdelay $0x1  }
0x1d4: {  	v2 =	vadd.s32 v1, v2;
	_ =	sdelay $0x3  }
0x1d5: {  	s30 =	sadd.s32 $0x17000, s22  }
0x1d6: {  	[tilespmem:s30], [sflag:$0x1] =	stream.indirect_vreg.gather [hbm4b:s4+s2], $0x80, v2, vm0, $0xb8;
	[tilespmem:$0x1C000] =	vst v63  }
0x1d7: {  	v2 =	vld.msk [tilespmem:s21+$0x2B80], $0x3;
	_ =	sdelay $0x4  }
0x1d8: {  	v3 =	vshll.u32 v2, $0x3  }
0x1d9: {  	v2 =	vand.u32 $0x7, v2;
	v3 =	vand.u32 $0xFFFFFFC0, v3  }
0x1da: {  	v2 =	vor.u32 v2, v3  }
0x1db: {  	v2 =	vperm.xlane v2, v0;
	_ =	sdelay $0x1  }
0x1dc: {  	p1 =	por p0, p0;
	v2 =	vadd.s32 v1, v2  }
.Ltmp5:
0x1dd: {  	_ = 	snop;
	(pc) =	sbr.rel @p1 .LBB2_11-.Ltmp5, $3  }
0x1de: {  	_ =	sdelay $0x1  }
0x1df: {  	p0 =	por $0x0, $0x0;
	s31 =	sadd.s32 $0x17800, s22;
	s22 =	simm.s32 $0x8  }
0x1e0: {  	[tilespmem:s31], [sflag:$0x1] =	stream.indirect_vreg.gather [hbm4b:s4+s2], $0x80, v2, vm0, $0xb8;
	[tilespmem:$0x1C000] =	vst v63  }
0x1e1: {  	_ =	swait.ge [sflag:s15], $0x8000  }
0x1e2: {  	[sflag:s15] =	ssyncset.done $0x0  }
0x1e3: {  	s22 =	simm.s32 $0x0;
	[sflag:s15] =	ssyncadd.s32 $0xFFFF8000  }
0x1e4: {  	[hbm4b:s8+s22] =	stream.linear.scatter [tilespmem:s16], [sflag:$0x2], $0x8000, $0x38;
	[tilespmem:$0x1C000] =	vst v63  }
0x1e5: {  	_ =	swait.ge [sflag:s17], $0x8000  }
0x1e6: {  	[sflag:s17] =	ssyncset.done $0x0  }
0x1e7: {  	p0 =	por $0x1, $0x1;
	[sflag:s17] =	ssyncadd.s32 $0xFFFF8000  }
.LBB2_13:
0x1e8: {  	s21 =	sshll.u32 s22, $0x7  }
0x1e9: {  	s21 =	sand.u32 $0x3FFFFF80, s21  }
0x1ea: {  	v2 =	vld.msk [tilespmem:s21+$0x3000], $0x3;
	_ =	sdelay $0x4  }
0x1eb: {  	v3 =	vshll.u32 v2, $0x3  }
0x1ec: {  	v2 =	vand.u32 $0x7, v2;
	v3 =	vand.u32 $0xFFFFFFC0, v3  }
0x1ed: {  	v2 =	vor.u32 v2, v3  }
0x1ee: {  	v2 =	vperm.xlane v2, v0;
	_ =	sdelay $0x1  }
0x1ef: {  	v2 =	vadd.s32 v1, v2;
	_ =	sdelay $0x1  }
0x1f0: {  	s23 =	sshll.u32 s22, $0xB  }
0x1f1: {  	s22 =	sand.u32 $0x3FFFF800, s23  }
0x1f2: {  	s23 =	sadd.s32 $0x4000, s22  }
0x1f3: {  	[tilespmem:s23], [sflag:$0x1] =	stream.indirect_vreg.gather [hbm4b:s4+s2], $0x80, v2, vm0, $0xb8;
	[tilespmem:$0x1C000] =	vst v63  }
0x1f4: {  	v2 =	vld.msk [tilespmem:s21+$0x3080], $0x3;
	_ =	sdelay $0x4  }
0x1f5: {  	v3 =	vshll.u32 v2, $0x3  }
0x1f6: {  	v2 =	vand.u32 $0x7, v2;
	v3 =	vand.u32 $0xFFFFFFC0, v3  }
0x1f7: {  	v2 =	vor.u32 v2, v3  }
0x1f8: {  	v2 =	vperm.xlane v2, v0;
	_ =	sdelay $0x1  }
0x1f9: {  	v2 =	vadd.s32 v1, v2;
	_ =	sdelay $0x3  }
0x1fa: {  	s24 =	sadd.s32 $0x4800, s22  }
0x1fb: {  	[tilespmem:s24], [sflag:$0x1] =	stream.indirect_vreg.gather [hbm4b:s4+s2], $0x80, v2, vm0, $0xb8;
	[tilespmem:$0x1C000] =	vst v63  }
0x1fc: {  	v2 =	vld.msk [tilespmem:s21+$0x3100], $0x3;
	_ =	sdelay $0x4  }
0x1fd: {  	v3 =	vshll.u32 v2, $0x3  }
0x1fe: {  	v2 =	vand.u32 $0x7, v2;
	v3 =	vand.u32 $0xFFFFFFC0, v3  }
0x1ff: {  	v2 =	vor.u32 v2, v3  }
0x200: {  	v2 =	vperm.xlane v2, v0;
	_ =	sdelay $0x1  }
0x201: {  	v2 =	vadd.s32 v1, v2;
	_ =	sdelay $0x3  }
0x202: {  	s25 =	sadd.s32 $0x5000, s22  }
0x203: {  	[tilespmem:s25], [sflag:$0x1] =	stream.indirect_vreg.gather [hbm4b:s4+s2], $0x80, v2, vm0, $0xb8;
	[tilespmem:$0x1C000] =	vst v63  }
0x204: {  	v2 =	vld.msk [tilespmem:s21+$0x3180], $0x3;
	_ =	sdelay $0x4  }
0x205: {  	v3 =	vshll.u32 v2, $0x3  }
0x206: {  	v2 =	vand.u32 $0x7, v2;
	v3 =	vand.u32 $0xFFFFFFC0, v3  }
0x207: {  	v2 =	vor.u32 v2, v3  }
0x208: {  	v2 =	vperm.xlane v2, v0;
	_ =	sdelay $0x1  }
0x209: {  	v2 =	vadd.s32 v1, v2;
	_ =	sdelay $0x3  }
0x20a: {  	s26 =	sadd.s32 $0x5800, s22  }
0x20b: {  	[tilespmem:s26], [sflag:$0x1] =	stream.indirect_vreg.gather [hbm4b:s4+s2], $0x80, v2, vm0, $0xb8;
	[tilespmem:$0x1C000] =	vst v63  }
0x20c: {  	v2 =	vld.msk [tilespmem:s21+$0x3200], $0x3;
	_ =	sdelay $0x4  }
0x20d: {  	v3 =	vshll.u32 v2, $0x3  }
0x20e: {  	v2 =	vand.u32 $0x7, v2;
	v3 =	vand.u32 $0xFFFFFFC0, v3  }
0x20f: {  	v2 =	vor.u32 v2, v3  }
0x210: {  	v2 =	vperm.xlane v2, v0;
	_ =	sdelay $0x1  }
0x211: {  	v2 =	vadd.s32 v1, v2;
	_ =	sdelay $0x3  }
0x212: {  	s28 =	sadd.s32 $0x6000, s22  }
0x213: {  	[tilespmem:s28], [sflag:$0x1] =	stream.indirect_vreg.gather [hbm4b:s4+s2], $0x80, v2, vm0, $0xb8;
	[tilespmem:$0x1C000] =	vst v63  }
0x214: {  	v2 =	vld.msk [tilespmem:s21+$0x3280], $0x3;
	_ =	sdelay $0x4  }
0x215: {  	v3 =	vshll.u32 v2, $0x3  }
0x216: {  	v2 =	vand.u32 $0x7, v2;
	v3 =	vand.u32 $0xFFFFFFC0, v3  }
0x217: {  	v2 =	vor.u32 v2, v3  }
0x218: {  	v2 =	vperm.xlane v2, v0;
	_ =	sdelay $0x1  }
0x219: {  	v2 =	vadd.s32 v1, v2;
	_ =	sdelay $0x3  }
0x21a: {  	s29 =	sadd.s32 $0x6800, s22  }
0x21b: {  	[tilespmem:s29], [sflag:$0x1] =	stream.indirect_vreg.gather [hbm4b:s4+s2], $0x80, v2, vm0, $0xb8;
	[tilespmem:$0x1C000] =	vst v63  }
0x21c: {  	v2 =	vld.msk [tilespmem:s21+$0x3300], $0x3;
	_ =	sdelay $0x4  }
0x21d: {  	v3 =	vshll.u32 v2, $0x3  }
0x21e: {  	v2 =	vand.u32 $0x7, v2;
	v3 =	vand.u32 $0xFFFFFFC0, v3  }
0x21f: {  	v2 =	vor.u32 v2, v3  }
0x220: {  	v2 =	vperm.xlane v2, v0;
	_ =	sdelay $0x1  }
0x221: {  	v2 =	vadd.s32 v1, v2;
	_ =	sdelay $0x3  }
0x222: {  	s30 =	sadd.s32 $0x7000, s22  }
0x223: {  	[tilespmem:s30], [sflag:$0x1] =	stream.indirect_vreg.gather [hbm4b:s4+s2], $0x80, v2, vm0, $0xb8;
	[tilespmem:$0x1C000] =	vst v63  }
0x224: {  	v2 =	vld.msk [tilespmem:s21+$0x3380], $0x3;
	_ =	sdelay $0x4  }
0x225: {  	v3 =	vshll.u32 v2, $0x3  }
0x226: {  	v2 =	vand.u32 $0x7, v2;
	v3 =	vand.u32 $0xFFFFFFC0, v3  }
0x227: {  	v2 =	vor.u32 v2, v3  }
0x228: {  	v2 =	vperm.xlane v2, v0;
	_ =	sdelay $0x1  }
0x229: {  	p1 =	por p0, p0;
	v2 =	vadd.s32 v1, v2  }
.Ltmp6:
0x22a: {  	_ = 	snop;
	(pc) =	sbr.rel @p1 .LBB2_13-.Ltmp6, $3  }
0x22b: {  	_ =	sdelay $0x1  }
0x22c: {  	p0 =	por $0x0, $0x0;
	s31 =	sadd.s32 $0x7800, s22;
	s22 =	simm.s32 $0x8  }
0x22d: {  	[tilespmem:s31], [sflag:$0x1] =	stream.indirect_vreg.gather [hbm4b:s4+s2], $0x80, v2, vm0, $0xb8;
	[tilespmem:$0x1C000] =	vst v63  }
0x22e: {  	_ =	swait.ge [sflag:s15], $0x8000  }
0x22f: {  	[sflag:s15] =	ssyncset.done $0x0  }
0x230: {  	s22 =	simm.s32 $0x0;
	[sflag:s15] =	ssyncadd.s32 $0xFFFF8000  }
0x231: {  	[hbm4b:s9+s22] =	stream.linear.scatter [tilespmem:s18], [sflag:$0x2], $0x8000, $0x38;
	[tilespmem:$0x1C000] =	vst v63  }
0x232: {  	_ =	swait.ge [sflag:s17], $0x8000  }
0x233: {  	[sflag:s17] =	ssyncset.done $0x0  }
0x234: {  	p0 =	por $0x1, $0x1;
	[sflag:s17] =	ssyncadd.s32 $0xFFFF8000  }
.LBB2_15:
0x235: {  	s21 =	sshll.u32 s22, $0x7  }
0x236: {  	s21 =	sand.u32 $0x3FFFFF80, s21  }
0x237: {  	v2 =	vld.msk [tilespmem:s21+$0x3800], $0x3;
	_ =	sdelay $0x4  }
0x238: {  	v3 =	vshll.u32 v2, $0x3  }
0x239: {  	v2 =	vand.u32 $0x7, v2;
	v3 =	vand.u32 $0xFFFFFFC0, v3  }
0x23a: {  	v2 =	vor.u32 v2, v3  }
0x23b: {  	v2 =	vperm.xlane v2, v0;
	_ =	sdelay $0x1  }
0x23c: {  	v2 =	vadd.s32 v1, v2;
	_ =	sdelay $0x1  }
0x23d: {  	s23 =	sshll.u32 s22, $0xB  }
0x23e: {  	s22 =	sand.u32 $0x3FFFF800, s23  }
0x23f: {  	s23 =	sadd.s32 $0xC000, s22  }
0x240: {  	[tilespmem:s23], [sflag:$0x1] =	stream.indirect_vreg.gather [hbm4b:s4+s2], $0x80, v2, vm0, $0xb8;
	[tilespmem:$0x1C000] =	vst v63  }
0x241: {  	v2 =	vld.msk [tilespmem:s21+$0x3880], $0x3;
	_ =	sdelay $0x4  }
0x242: {  	v3 =	vshll.u32 v2, $0x3  }
0x243: {  	v2 =	vand.u32 $0x7, v2;
	v3 =	vand.u32 $0xFFFFFFC0, v3  }
0x244: {  	v2 =	vor.u32 v2, v3  }
0x245: {  	v2 =	vperm.xlane v2, v0;
	_ =	sdelay $0x1  }
0x246: {  	v2 =	vadd.s32 v1, v2;
	_ =	sdelay $0x3  }
0x247: {  	s24 =	sadd.s32 $0xC800, s22  }
0x248: {  	[tilespmem:s24], [sflag:$0x1] =	stream.indirect_vreg.gather [hbm4b:s4+s2], $0x80, v2, vm0, $0xb8;
	[tilespmem:$0x1C000] =	vst v63  }
0x249: {  	v2 =	vld.msk [tilespmem:s21+$0x3900], $0x3;
	_ =	sdelay $0x4  }
0x24a: {  	v3 =	vshll.u32 v2, $0x3  }
0x24b: {  	v2 =	vand.u32 $0x7, v2;
	v3 =	vand.u32 $0xFFFFFFC0, v3  }
0x24c: {  	v2 =	vor.u32 v2, v3  }
0x24d: {  	v2 =	vperm.xlane v2, v0;
	_ =	sdelay $0x1  }
0x24e: {  	v2 =	vadd.s32 v1, v2;
	_ =	sdelay $0x3  }
0x24f: {  	s25 =	sadd.s32 $0xD000, s22  }
0x250: {  	[tilespmem:s25], [sflag:$0x1] =	stream.indirect_vreg.gather [hbm4b:s4+s2], $0x80, v2, vm0, $0xb8;
	[tilespmem:$0x1C000] =	vst v63  }
0x251: {  	v2 =	vld.msk [tilespmem:s21+$0x3980], $0x3;
	_ =	sdelay $0x4  }
0x252: {  	v3 =	vshll.u32 v2, $0x3  }
0x253: {  	v2 =	vand.u32 $0x7, v2;
	v3 =	vand.u32 $0xFFFFFFC0, v3  }
0x254: {  	v2 =	vor.u32 v2, v3  }
0x255: {  	v2 =	vperm.xlane v2, v0;
	_ =	sdelay $0x1  }
0x256: {  	v2 =	vadd.s32 v1, v2;
	_ =	sdelay $0x3  }
0x257: {  	s26 =	sadd.s32 $0xD800, s22  }
0x258: {  	[tilespmem:s26], [sflag:$0x1] =	stream.indirect_vreg.gather [hbm4b:s4+s2], $0x80, v2, vm0, $0xb8;
	[tilespmem:$0x1C000] =	vst v63  }
0x259: {  	v2 =	vld.msk [tilespmem:s21+$0x3A00], $0x3;
	_ =	sdelay $0x4  }
0x25a: {  	v3 =	vshll.u32 v2, $0x3  }
0x25b: {  	v2 =	vand.u32 $0x7, v2;
	v3 =	vand.u32 $0xFFFFFFC0, v3  }
0x25c: {  	v2 =	vor.u32 v2, v3  }
0x25d: {  	v2 =	vperm.xlane v2, v0;
	_ =	sdelay $0x1  }
0x25e: {  	v2 =	vadd.s32 v1, v2;
	_ =	sdelay $0x3  }
0x25f: {  	s28 =	sadd.s32 $0xE000, s22  }
0x260: {  	[tilespmem:s28], [sflag:$0x1] =	stream.indirect_vreg.gather [hbm4b:s4+s2], $0x80, v2, vm0, $0xb8;
	[tilespmem:$0x1C000] =	vst v63  }
0x261: {  	v2 =	vld.msk [tilespmem:s21+$0x3A80], $0x3;
	_ =	sdelay $0x4  }
0x262: {  	v3 =	vshll.u32 v2, $0x3  }
0x263: {  	v2 =	vand.u32 $0x7, v2;
	v3 =	vand.u32 $0xFFFFFFC0, v3  }
0x264: {  	v2 =	vor.u32 v2, v3  }
0x265: {  	v2 =	vperm.xlane v2, v0;
	_ =	sdelay $0x1  }
0x266: {  	v2 =	vadd.s32 v1, v2;
	_ =	sdelay $0x3  }
0x267: {  	s29 =	sadd.s32 $0xE800, s22  }
0x268: {  	[tilespmem:s29], [sflag:$0x1] =	stream.indirect_vreg.gather [hbm4b:s4+s2], $0x80, v2, vm0, $0xb8;
	[tilespmem:$0x1C000] =	vst v63  }
0x269: {  	v2 =	vld.msk [tilespmem:s21+$0x3B00], $0x3;
	_ =	sdelay $0x4  }
0x26a: {  	v3 =	vshll.u32 v2, $0x3  }
0x26b: {  	v2 =	vand.u32 $0x7, v2;
	v3 =	vand.u32 $0xFFFFFFC0, v3  }
0x26c: {  	v2 =	vor.u32 v2, v3  }
0x26d: {  	v2 =	vperm.xlane v2, v0;
	_ =	sdelay $0x1  }
0x26e: {  	v2 =	vadd.s32 v1, v2;
	_ =	sdelay $0x3  }
0x26f: {  	s30 =	sadd.s32 $0xF000, s22  }
0x270: {  	[tilespmem:s30], [sflag:$0x1] =	stream.indirect_vreg.gather [hbm4b:s4+s2], $0x80, v2, vm0, $0xb8;
	[tilespmem:$0x1C000] =	vst v63  }
0x271: {  	v2 =	vld.msk [tilespmem:s21+$0x3B80], $0x3;
	_ =	sdelay $0x4  }
0x272: {  	v3 =	vshll.u32 v2, $0x3  }
0x273: {  	v2 =	vand.u32 $0x7, v2;
	v3 =	vand.u32 $0xFFFFFFC0, v3  }
0x274: {  	v2 =	vor.u32 v2, v3  }
0x275: {  	v2 =	vperm.xlane v2, v0;
	_ =	sdelay $0x1  }
0x276: {  	p1 =	por p0, p0;
	v2 =	vadd.s32 v1, v2  }
.Ltmp7:
0x277: {  	_ = 	snop;
	(pc) =	sbr.rel @p1 .LBB2_15-.Ltmp7, $3  }
0x278: {  	_ =	sdelay $0x1  }
0x279: {  	p0 =	por $0x0, $0x0;
	s31 =	sadd.s32 $0xF800, s22;
	s22 =	simm.s32 $0x8  }
0x27a: {  	[tilespmem:s31], [sflag:$0x1] =	stream.indirect_vreg.gather [hbm4b:s4+s2], $0x80, v2, vm0, $0xb8;
	[tilespmem:$0x1C000] =	vst v63  }
0x27b: {  	_ =	swait.ge [sflag:s15], $0x8000  }
0x27c: {  	[sflag:s15] =	ssyncset.done $0x0  }
0x27d: {  	[sflag:s15] =	ssyncadd.s32 $0xFFFF8000  }
0x27e: {  	[hbm4b:s10+s2] =	stream.linear.scatter [tilespmem:s19], [sflag:$0x2], $0x8000, $0x38;
	[tilespmem:$0x1C000] =	vst v63  }
0x27f: {  	_ =	swait.ge [sflag:s15], $0x8000  }
0x280: {  	[sflag:s15] =	ssyncset.done $0x0  }
0x281: {  	[sflag:s15] =	ssyncadd.s32 $0xFFFF8000  }
0x282: {  	[hbm4b:s11+s2] =	stream.linear.scatter [tilespmem:s16], [sflag:$0x2], $0x8000, $0x38;
	[tilespmem:$0x1C000] =	vst v63  }
0x283: {  	_ =	swait.ge [sflag:s15], $0x8000  }
0x284: {  	[sflag:s15] =	ssyncset.done $0x0  }
0x285: {  	[sflag:s15] =	ssyncadd.s32 $0xFFFF8000  }
0x286: {  	[hbm4b:s12+s2] =	stream.linear.scatter [tilespmem:s18], [sflag:$0x2], $0x8000, $0x38;
	[tilespmem:$0x1C000] =	vst v63  }
0x287: {  	_ =	swait.ge [sflag:s17], $0x8000  }
0x288: {  	[sflag:s17] =	ssyncset.done $0x0  }
0x289: {  	s20 =	sadd.s32 $0x1, s20;
	[sflag:s17] =	ssyncadd.s32 $0xFFFF8000  }
0x28a: {  	p0 =	sne.s32 s20, s13;
	_ =	swait.ge [sflag:s17], $0x8000  }
.Ltmp8:
0x28b: {  	[sflag:s17] =	ssyncset.done $0x0;
	(pc) =	sbr.rel @p0 .LBB2_1-.Ltmp8, $4  }
0x28c: {  	[sflag:s17] =	ssyncadd.s32 $0xFFFF8000  }
0x28d: {  	_ =	swait.ge [sflag:s17], $0x8000  }
0x28e: {  	[sflag:s17] =	ssyncset.done $0x0  }
0x28f: {  	[sflag:s17] =	ssyncadd.s32 $0xFFFF8000  }
0x290: {  	_ =	sfence.sel $0x180000  }
0x291: {  	[bflag:$0x0] =	sbarrier.arrive $0xFFFF  }
0x292: {  	p0 =	sne.s32 s1, $0x0;
	_ =	strace $0x90000047  }
0x293: {  	s0 =	sadd.s32 @!p0 $0x100000, s0;
	[bflag:$0x2] =	sbarrier.arrive $0xFFFF  }
0x294: {  	[sflag:s0] =	ssyncadd.tile.s32 @!p0 $0x1;
	_ =	shalt  }
.Lfunc_end2:
_tile_overlayer_lowered:
.L_overlay_start_2:
0x295: {  	(tag) =	ssettag $0x2  }
0x296: {  	s0 =	rddreg [dreg:$0x0];
	s2 =	stileid.u32  }
0x297: {  	s1 =	rddreg [dreg:$0x1];
	p0 =	sne.s32 s2, $0x0  }
0x298: {  	s3 =	rddreg [dreg:$0x2];
	[bflag:$0x3] =	sbarrier.arrive $0xFFFF;
	s2 =	simm.s32 @!p0 $0x1C03  }
0x299: {  	[timem:s3], [sflag:s2] =	dma.local @!p0 [hbm:s0], s1  }
0x29a: {  	s0 =	simm.s32 @!p0 $0x3  }
0x29b: {  	_ =	swait.ge @!p0 [sflag:s0], s1  }
0x29c: {  	s1 =	ssub.s32 @!p0 $0x0, s1;
	[sflag:s0] =	ssyncset.done @!p0 $0x0  }
0x29d: {  	[sflag:s0] =	ssyncadd.s32 @!p0 s1  }
0x29e: {  	[bflag:$0x3] =	sbarrier.arrive $0xFFFF  }
0x29f: {  	_ =	shalt  }

</sc_bundles>
